<compile_context>
chip_gen: v7x
topology: tpu7x:2x2x1
jax: 0.10.2.dev20260603
libtpu: 0.0.44.dev20260713+nightly
codegen_flags: <defaults>
</compile_context>

<pallas_src>
import functools

import jax
import jax.numpy as jnp
from jax import lax
from jax.experimental import pallas as pl
from jax.experimental.pallas import tpu as pltpu
from jax.experimental.pallas import tpu_sc as plsc

N = 10000
E = 320000
D_IN = 165
D_HID = 128

NC = 2
NS = 16
NW = NC * NS
CH = 128
NCHUNK = 80
EPW = NCHUNK * CH
E2 = NW * EPW
NBUF = 4

NPAD = 10240
RPT = NPAD // NS

_mesh = plsc.VectorSubcoreMesh(core_axis_name="c", subcore_axis_name="s")


def _zeros16():
    return jnp.zeros((16,), jnp.float32)


def _sc_degree(dstp):
    @functools.partial(
        pl.kernel,
        mesh=_mesh,
        out_type=(
            jax.ShapeDtypeStruct((NPAD,), jnp.float32),
            jax.ShapeDtypeStruct((NPAD,), jnp.float32),
        ),
        scratch_types=[
            [pltpu.VMEM((CH,), jnp.int32)] * NBUF,
            [pltpu.SemaphoreType.DMA] * NBUF,
            pltpu.VMEM((CH,), jnp.float32),
            pltpu.VMEM((RPT,), jnp.float32),
            pltpu.VMEM_SHARED((NPAD,), jnp.float32),
        ],
    )
    def deg_kernel(dst_hbm, out_a, out_b, didx, sems, ones_v, zbuf, acc):
        cid = lax.axis_index("c")
        sid = lax.axis_index("s")
        base = (cid * NS + sid) * EPW
        for i in range(CH // 16):
            ones_v[pl.ds(i * 16, 16)] = jnp.ones((16,), jnp.float32)
        for i in range(RPT // 16):
            zbuf[pl.ds(i * 16, 16)] = _zeros16()
        pltpu.sync_copy(zbuf, acc.at[pl.ds(sid * RPT, RPT)])
        plsc.subcore_barrier()

        def body(g, carry):
            ld = []
            for b in range(NBUF):
                j = g * NBUF + b
                ld.append(pltpu.async_copy(
                    dst_hbm.at[pl.ds(base + j * CH, CH)], didx[b], sems[b]))
            sd = []
            for b in range(NBUF):
                ld[b].wait()
                sd.append(pltpu.async_copy(
                    ones_v, acc.at[didx[b]], sems[b], add=True))
            for b in range(NBUF):
                sd[b].wait()
            return carry

        lax.fori_loop(0, NCHUNK // NBUF, body, 0)
        plsc.subcore_barrier()

        @pl.when(cid == 0)
        def _():
            pltpu.sync_copy(acc.at[pl.ds(sid * RPT, RPT)],
                            out_a.at[pl.ds(sid * RPT, RPT)])

        @pl.when(cid == 1)
        def _():
            pltpu.sync_copy(acc.at[pl.ds(sid * RPT, RPT)],
                            out_b.at[pl.ds(sid * RPT, RPT)])

    return deg_kernel(dstp)


CG = 80
NCG = EPW // CG
NCG0 = 128
NCG1 = 128
E0 = NS * NCG0 * CG


def _sc_agg_rows(hs, srcp, dstp):
    @functools.partial(
        pl.kernel,
        mesh=_mesh,
        out_type=(
            jax.ShapeDtypeStruct((NPAD, D_HID), jnp.float32),
            jax.ShapeDtypeStruct((NPAD, D_HID), jnp.float32),
        ),
        scratch_types=[
            [pltpu.VMEM((CG,), jnp.int32)] * 4,
            [pltpu.VMEM((CG,), jnp.int32)] * 4,
            [pltpu.VMEM((CG, D_HID), jnp.float32)] * 2,
            [pltpu.SemaphoreType.DMA] * 4,
            [pltpu.SemaphoreType.DMA] * 2,
            pltpu.SemaphoreType.DMA,
            pltpu.VMEM_SHARED((NPAD, D_HID), jnp.float32),
        ],
    )
    def agg_kernel(hs_hbm, src_hbm, dst_hbm, out_a, out_b,
                   sidx, didx, rows, sem_i, sem_s, sem_g, acc):
        cid = lax.axis_index("c")
        sid = lax.axis_index("s")
        base = (cid * NS + sid) * EPW

        def _wait_idx(b):
            pltpu.make_async_copy(
                src_hbm.at[pl.ds(0, CG)], sidx[b], sem_i[b]).wait()
            pltpu.make_async_copy(
                src_hbm.at[pl.ds(0, CG)], didx[b], sem_i[b]).wait()

        def _wait_scat(r):
            pltpu.make_async_copy(
                hs_hbm.at[pl.ds(0, CG)], rows[r], sem_s[r]).wait()

        def _load_idx(base, j, b):
            pltpu.async_copy(
                src_hbm.at[pl.ds(base + j * CG, CG)], sidx[b], sem_i[b])
            pltpu.async_copy(
                dst_hbm.at[pl.ds(base + j * CG, CG)], didx[b], sem_i[b])

        def zb(i, carry):
            rows[0][i // 8, pl.ds((i % 8) * 16, 16)] = _zeros16()
            return carry

        lax.fori_loop(0, (CG * D_HID) // 16, zb, 0)

        def zc(k, carry):
            pltpu.sync_copy(rows[0], acc.at[pl.ds(sid * RPT + k * CG, CG)])
            return carry

        lax.fori_loop(0, RPT // CG, zc, 0)
        plsc.subcore_barrier()

        def run_range(base, nchunks):
            def body(j, carry):
                _load_idx(base, j, 0)
                _wait_idx(0)
                pltpu.async_copy(hs_hbm.at[sidx[0]], rows[0], sem_g).wait()
                pltpu.sync_copy(rows[0], acc.at[didx[0]], add=True)
                return carry

            lax.fori_loop(0, nchunks, body, 0)

        @pl.when(cid == 0)
        def _():
            run_range(sid * (NCG0 * CG), NCG0)

        @pl.when(cid == 1)
        def _():
            run_range(E0 + sid * (NCG1 * CG), NCG1)
        plsc.subcore_barrier()

        @pl.when(cid == 0)
        def _():
            pltpu.sync_copy(acc.at[pl.ds(sid * RPT, RPT)],
                            out_a.at[pl.ds(sid * RPT, RPT)])

        @pl.when(cid == 1)
        def _():
            pltpu.sync_copy(acc.at[pl.ds(sid * RPT, RPT)],
                            out_b.at[pl.ds(sid * RPT, RPT)])

    return agg_kernel(hs, srcp, dstp)


def _sc_agg_scalar(vs, srcp, dstp):
    @functools.partial(
        pl.kernel,
        mesh=_mesh,
        out_type=(
            jax.ShapeDtypeStruct((NPAD,), jnp.float32),
            jax.ShapeDtypeStruct((NPAD,), jnp.float32),
        ),
        scratch_types=[
            [pltpu.VMEM((CH,), jnp.int32)] * NBUF,
            [pltpu.VMEM((CH,), jnp.int32)] * NBUF,
            [pltpu.VMEM((CH,), jnp.float32)] * NBUF,
            [pltpu.SemaphoreType.DMA] * NBUF,
            pltpu.VMEM((RPT,), jnp.float32),
            pltpu.VMEM_SHARED((NPAD,), jnp.float32),
        ],
    )
    def aggs_kernel(vs_hbm, src_hbm, dst_hbm, out_a, out_b,
                    sidx, didx, vals, sems, zbuf, acc):
        cid = lax.axis_index("c")
        sid = lax.axis_index("s")
        base = (cid * NS + sid) * EPW
        for i in range(RPT // 16):
            zbuf[pl.ds(i * 16, 16)] = _zeros16()
        pltpu.sync_copy(zbuf, acc.at[pl.ds(sid * RPT, RPT)])
        plsc.subcore_barrier()

        def body(g, carry):
            ld = []
            for b in range(NBUF):
                j = g * NBUF + b
                d1 = pltpu.async_copy(
                    src_hbm.at[pl.ds(base + j * CH, CH)], sidx[b], sems[b])
                d2 = pltpu.async_copy(
                    dst_hbm.at[pl.ds(base + j * CH, CH)], didx[b], sems[b])
                ld.append((d1, d2))
            gd = []
            for b in range(NBUF):
                ld[b][0].wait()
                ld[b][1].wait()
                gd.append(pltpu.async_copy(
                    vs_hbm.at[sidx[b]], vals[b], sems[b]))
            sd = []
            for b in range(NBUF):
                gd[b].wait()
                sd.append(pltpu.async_copy(
                    vals[b], acc.at[didx[b]], sems[b], add=True))
            for b in range(NBUF):
                sd[b].wait()
            return carry

        lax.fori_loop(0, NCHUNK // NBUF, body, 0)
        plsc.subcore_barrier()

        @pl.when(cid == 0)
        def _():
            pltpu.sync_copy(acc.at[pl.ds(sid * RPT, RPT)],
                            out_a.at[pl.ds(sid * RPT, RPT)])

        @pl.when(cid == 1)
        def _():
            pltpu.sync_copy(acc.at[pl.ds(sid * RPT, RPT)],
                            out_b.at[pl.ds(sid * RPT, RPT)])

    return aggs_kernel(vs, srcp, dstp)


BN = 1000


def _tc_mm1_body(x_ref, w_ref, da_ref, db_ref, hs_ref):
    dinv = lax.rsqrt(da_ref[...] + db_ref[...] + 1.0)
    h = jnp.dot(x_ref[...], w_ref[...], preferred_element_type=jnp.float32)
    hs_ref[...] = h * dinv


def _tc_mm1(x, w1, da, db):
    return pl.pallas_call(
        _tc_mm1_body,
        grid=(N // BN,),
        in_specs=[
            pl.BlockSpec((BN, D_IN), lambda i: (i, 0)),
            pl.BlockSpec((D_IN, D_HID), lambda i: (0, 0)),
            pl.BlockSpec((BN, 1), lambda i: (i, 0)),
            pl.BlockSpec((BN, 1), lambda i: (i, 0)),
        ],
        out_specs=pl.BlockSpec((BN, D_HID), lambda i: (i, 0)),
        out_shape=jax.ShapeDtypeStruct((NPAD, D_HID), jnp.float32),
    )(x, w1, da, db)


def _tc_mm2_body(aa_ref, ab_ref, hs_ref, da_ref, db_ref, b1_ref, w2t_ref,
                 vs_ref):
    dinv = lax.rsqrt(da_ref[...] + db_ref[...] + 1.0)
    pre = dinv * (aa_ref[...] + ab_ref[...] + hs_ref[...]) + b1_ref[...]
    h = jnp.maximum(pre, 0.0)
    z = jnp.sum(h * w2t_ref[...], axis=1, keepdims=True)
    vs_ref[...] = dinv * z


def _tc_mm2(aa, ab, hs, da, db, b1r, w2t):
    return pl.pallas_call(
        _tc_mm2_body,
        grid=(N // BN,),
        in_specs=[
            pl.BlockSpec((BN, D_HID), lambda i: (i, 0)),
            pl.BlockSpec((BN, D_HID), lambda i: (i, 0)),
            pl.BlockSpec((BN, D_HID), lambda i: (i, 0)),
            pl.BlockSpec((BN, 1), lambda i: (i, 0)),
            pl.BlockSpec((BN, 1), lambda i: (i, 0)),
            pl.BlockSpec((1, D_HID), lambda i: (0, 0)),
            pl.BlockSpec((1, D_HID), lambda i: (0, 0)),
        ],
        out_specs=pl.BlockSpec((BN, 1), lambda i: (i, 0)),
        out_shape=jax.ShapeDtypeStruct((NPAD, 1), jnp.float32),
    )(aa, ab, hs, da, db, b1r, w2t)


def _tc_fin_body(va_ref, vb_ref, vs_ref, da_ref, db_ref, b2_ref, out_ref):
    dinv = lax.rsqrt(da_ref[...] + db_ref[...] + 1.0)
    z = dinv * (va_ref[...] + vb_ref[...] + vs_ref[...]) + b2_ref[0, 0]
    out_ref[...] = jax.nn.sigmoid(z)


def _tc_fin(va, vb, vs, da, db, b2):
    shp = (80, 125)
    args = [a.reshape(shp) for a in (va, vb, vs, da, db)]
    out = pl.pallas_call(
        _tc_fin_body,
        in_specs=[pl.BlockSpec(shp, lambda: (0, 0))] * 5
        + [pl.BlockSpec((1, 1), lambda: (0, 0))],
        out_specs=pl.BlockSpec(shp, lambda: (0, 0)),
        out_shape=jax.ShapeDtypeStruct(shp, jnp.float32),
    )(*args, b2.reshape(1, 1))
    return out.reshape(N, 1)


def kernel(x, edge_index, W1, b1, W2, b2):
    src = edge_index[0]
    dst = edge_index[1]
    pad = jnp.full((E2 - E,), N, jnp.int32)
    srcp = jnp.concatenate([src, pad])
    dstp = jnp.concatenate([dst, pad])

    deg_a, deg_b = _sc_degree(dstp)
    da = deg_a[:N].reshape(N, 1)
    db = deg_b[:N].reshape(N, 1)

    hs = _tc_mm1(x, W1, da, db)
    acc_a, acc_b = _sc_agg_rows(hs, srcp, dstp)

    vs = _tc_mm2(acc_a, acc_b, hs, da, db,
                 b1.reshape(1, D_HID), W2.reshape(1, D_HID))
    vsf = vs.reshape(NPAD)

    va, vb = _sc_agg_scalar(vsf, srcp, dstp)
    out = _tc_fin(va[:N], vb[:N], vsf[:N], da.reshape(N), db.reshape(N), b2)
    return out

# --- scband reference (transcript-rebuilt; emitter-appended) ---
"""Pipeline reference for scband-model-61710090109310 (READ-ONLY COPY).

The authoritative reference and input builder live on the scoring server;
editing this copy changes nothing except your own understanding.
"""

import jax, jax.numpy as jnp
import numpy as np

N = 10000
E = 320000
D_IN = 165
D_HID = 128
D_OUT = 1


def setup_inputs(seed: int = 0) -> dict:
    key = jax.random.key(seed)
    k1, k2, k3, k4, k5, k6 = jax.random.split(key, 6)
    x = jax.random.normal(k1, (N, D_IN), dtype=jnp.float32)
    edge_index = jax.random.randint(k2, (2, E), 0, N, dtype=jnp.int32)
    W1 = jax.random.normal(k3, (D_IN, D_HID), dtype=jnp.float32) * (1.0 / np.sqrt(D_IN))
    b1 = jnp.zeros((D_HID,), dtype=jnp.float32)
    W2 = jax.random.normal(k4, (D_HID, D_OUT), dtype=jnp.float32) * (1.0 / np.sqrt(D_HID))
    b2 = jnp.zeros((D_OUT,), dtype=jnp.float32)
    return {"x": x, "edge_index": edge_index, "W1": W1, "b1": b1, "W2": W2, "b2": b2}


def _gcn_layer(x, edge_index, W, b):
    # PyG GCNConv: add self-loops, symmetric degree normalization, sum aggregation, bias.
    src = edge_index[0]
    dst = edge_index[1]
    loop = jnp.arange(N, dtype=src.dtype)
    src = jnp.concatenate([src, loop])
    dst = jnp.concatenate([dst, loop])
    h = x @ W
    deg = jnp.zeros((N,), dtype=h.dtype).at[dst].add(1.0)
    dinv = jax.lax.rsqrt(deg)  # deg >= 1 due to self-loops
    norm = dinv[src] * dinv[dst]
    msg = jnp.take(h, src, axis=0) * norm[:, None]
    out = jnp.zeros((N, h.shape[1]), dtype=h.dtype).at[dst].add(msg)
    return out + b


def reference(x, edge_index, W1, b1, W2, b2):
    h = jax.nn.relu(_gcn_layer(x, edge_index, W1, b1))
    # dropout(p=0.1) is identity in eval mode (training=False)
    out = jax.nn.sigmoid(_gcn_layer(h, edge_index, W2, b2))
    return out

if __name__ == "__main__":
    import jax
    _d = setup_inputs()
    print(jax.jit(kernel)(*tuple(_d.values())))

</pallas_src>

<mosaic_0001>
#map = affine_map<(d0, d1) -> (0)>
module attributes {stable_mosaic.version = 14 : i64} {
  func.func @deg_kernel(%arg0: i32, %arg1: i32, %arg2: memref<327680xi32, #tpu.memory_space<hbm>>, %arg3: memref<10240xf32, #tpu.memory_space<hbm>>, %arg4: memref<10240xf32, #tpu.memory_space<hbm>>, %arg5: memref<128xi32, #tpu.memory_space<vmem>>, %arg6: memref<128xi32, #tpu.memory_space<vmem>>, %arg7: memref<128xi32, #tpu.memory_space<vmem>>, %arg8: memref<128xi32, #tpu.memory_space<vmem>>, %arg9: memref<!tpu.dma_semaphore, #tpu.memory_space<semaphore_mem>>, %arg10: memref<!tpu.dma_semaphore, #tpu.memory_space<semaphore_mem>>, %arg11: memref<!tpu.dma_semaphore, #tpu.memory_space<semaphore_mem>>, %arg12: memref<!tpu.dma_semaphore, #tpu.memory_space<semaphore_mem>>, %arg13: memref<128xf32, #tpu.memory_space<vmem>>, %arg14: memref<640xf32, #tpu.memory_space<vmem>>, %arg15: memref<10240xf32, #tpu.memory_space<vmem_shared>>) attributes {dimension_semantics = [#tpu.dimension_semantics<core_parallel>, #tpu.dimension_semantics<subcore_parallel>], iteration_bounds = array<i64: 2, 16>, scalar_prefetch = 0 : i64, scratch_operands = 11 : i64, tpu.core_type = #tpu.core_type<sc_vector_subcore>, window_params = [{transform_indices = #map}, {transform_indices = #map}, {transform_indices = #map}]} {
    %mul3A = arith.constant 16 : i32
    %mul3A_0 = arith.muli %arg0, %mul3A : i32
    %add3A = arith.addi %mul3A_0, %arg1 : i32
    %mul3A_1 = arith.constant 10240 : i32
    %mul3A_2 = arith.muli %add3A, %mul3A_1 : i32
    %broadcast_in_dim3A = arith.constant 1.000000e+00 : f32
    %broadcast_in_dim3A_3 = vector.broadcast %broadcast_in_dim3A : f32 to vector<16xf32>
    %swap3A = arith.constant 0 : index
    %swap3A_4 = tpu.vector_load %arg13[%swap3A] {strides = array<i32>} : memref<128xf32, #tpu.memory_space<vmem>>, vector<16xf32>,
    %swap3A_5 = vector.shape_cast %swap3A_4 : vector<16xf32> to vector<16xf32>
    %swap3A_6 = vector.shape_cast %broadcast_in_dim3A_3 : vector<16xf32> to vector<16xf32>
    tpu.vector_store %arg13[%swap3A], %swap3A_6 {strides = array<i32>} : memref<128xf32, #tpu.memory_space<vmem>>, vector<16xf32>,
    %broadcast_in_dim3A_7 = arith.constant 1.000000e+00 : f32
    %broadcast_in_dim3A_8 = vector.broadcast %broadcast_in_dim3A_7 : f32 to vector<16xf32>
    %swap3A_9 = arith.constant 16 : index
    %swap3A_10 = tpu.vector_load %arg13[%swap3A_9] {strides = array<i32>} : memref<128xf32, #tpu.memory_space<vmem>>, vector<16xf32>,
    %swap3A_11 = vector.shape_cast %swap3A_10 : vector<16xf32> to vector<16xf32>
    %swap3A_12 = vector.shape_cast %broadcast_in_dim3A_8 : vector<16xf32> to vector<16xf32>
    tpu.vector_store %arg13[%swap3A_9], %swap3A_12 {strides = array<i32>} : memref<128xf32, #tpu.memory_space<vmem>>, vector<16xf32>,
    %broadcast_in_dim3A_13 = arith.constant 1.000000e+00 : f32
    %broadcast_in_dim3A_14 = vector.broadcast %broadcast_in_dim3A_13 : f32 to vector<16xf32>
    %swap3A_15 = arith.constant 32 : index
    %swap3A_16 = tpu.vector_load %arg13[%swap3A_15] {strides = array<i32>} : memref<128xf32, #tpu.memory_space<vmem>>, vector<16xf32>,
    %swap3A_17 = vector.shape_cast %swap3A_16 : vector<16xf32> to vector<16xf32>
    %swap3A_18 = vector.shape_cast %broadcast_in_dim3A_14 : vector<16xf32> to vector<16xf32>
    tpu.vector_store %arg13[%swap3A_15], %swap3A_18 {strides = array<i32>} : memref<128xf32, #tpu.memory_space<vmem>>, vector<16xf32>,
    %broadcast_in_dim3A_19 = arith.constant 1.000000e+00 : f32
    %broadcast_in_dim3A_20 = vector.broadcast %broadcast_in_dim3A_19 : f32 to vector<16xf32>
    %swap3A_21 = arith.constant 48 : index
    %swap3A_22 = tpu.vector_load %arg13[%swap3A_21] {strides = array<i32>} : memref<128xf32, #tpu.memory_space<vmem>>, vector<16xf32>,
    %swap3A_23 = vector.shape_cast %swap3A_22 : vector<16xf32> to vector<16xf32>
    %swap3A_24 = vector.shape_cast %broadcast_in_dim3A_20 : vector<16xf32> to vector<16xf32>
    tpu.vector_store %arg13[%swap3A_21], %swap3A_24 {strides = array<i32>} : memref<128xf32, #tpu.memory_space<vmem>>, vector<16xf32>,
    %broadcast_in_dim3A_25 = arith.constant 1.000000e+00 : f32
    %broadcast_in_dim3A_26 = vector.broadcast %broadcast_in_dim3A_25 : f32 to vector<16xf32>
    %swap3A_27 = arith.constant 64 : index
    %swap3A_28 = tpu.vector_load %arg13[%swap3A_27] {strides = array<i32>} : memref<128xf32, #tpu.memory_space<vmem>>, vector<16xf32>,
    %swap3A_29 = vector.shape_cast %swap3A_28 : vector<16xf32> to vector<16xf32>
    %swap3A_30 = vector.shape_cast %broadcast_in_dim3A_26 : vector<16xf32> to vector<16xf32>
    tpu.vector_store %arg13[%swap3A_27], %swap3A_30 {strides = array<i32>} : memref<128xf32, #tpu.memory_space<vmem>>, vector<16xf32>,
    %broadcast_in_dim3A_31 = arith.constant 1.000000e+00 : f32
    %broadcast_in_dim3A_32 = vector.broadcast %broadcast_in_dim3A_31 : f32 to vector<16xf32>
    %swap3A_33 = arith.constant 80 : index
    %swap3A_34 = tpu.vector_load %arg13[%swap3A_33] {strides = array<i32>} : memref<128xf32, #tpu.memory_space<vmem>>, vector<16xf32>,
    %swap3A_35 = vector.shape_cast %swap3A_34 : vector<16xf32> to vector<16xf32>
    %swap3A_36 = vector.shape_cast %broadcast_in_dim3A_32 : vector<16xf32> to vector<16xf32>
    tpu.vector_store %arg13[%swap3A_33], %swap3A_36 {strides = array<i32>} : memref<128xf32, #tpu.memory_space<vmem>>, vector<16xf32>,
    %broadcast_in_dim3A_37 = arith.constant 1.000000e+00 : f32
    %broadcast_in_dim3A_38 = vector.broadcast %broadcast_in_dim3A_37 : f32 to vector<16xf32>
    %swap3A_39 = arith.constant 96 : index
    %swap3A_40 = tpu.vector_load %arg13[%swap3A_39] {strides = array<i32>} : memref<128xf32, #tpu.memory_space<vmem>>, vector<16xf32>,
    %swap3A_41 = vector.shape_cast %swap3A_40 : vector<16xf32> to vector<16xf32>
    %swap3A_42 = vector.shape_cast %broadcast_in_dim3A_38 : vector<16xf32> to vector<16xf32>
    tpu.vector_store %arg13[%swap3A_39], %swap3A_42 {strides = array<i32>} : memref<128xf32, #tpu.memory_space<vmem>>, vector<16xf32>,
    %broadcast_in_dim3A_43 = arith.constant 1.000000e+00 : f32
    %broadcast_in_dim3A_44 = vector.broadcast %broadcast_in_dim3A_43 : f32 to vector<16xf32>
    %swap3A_45 = arith.constant 112 : index
    %swap3A_46 = tpu.vector_load %arg13[%swap3A_45] {strides = array<i32>} : memref<128xf32, #tpu.memory_space<vmem>>, vector<16xf32>,
    %swap3A_47 = vector.shape_cast %swap3A_46 : vector<16xf32> to vector<16xf32>
    %swap3A_48 = vector.shape_cast %broadcast_in_dim3A_44 : vector<16xf32> to vector<16xf32>
    tpu.vector_store %arg13[%swap3A_45], %swap3A_48 {strides = array<i32>} : memref<128xf32, #tpu.memory_space<vmem>>, vector<16xf32>,
    %broadcast_in_dim3A_49 = arith.constant 0.000000e+00 : f32
    %broadcast_in_dim3A_50 = vector.broadcast %broadcast_in_dim3A_49 : f32 to vector<16xf32>
    %swap3A_51 = arith.constant 0 : index
    %swap3A_52 = tpu.vector_load %arg14[%swap3A_51] {strides = array<i32>} : memref<640xf32, #tpu.memory_space<vmem>>, vector<16xf32>,
    %swap3A_53 = vector.shape_cast %swap3A_52 : vector<16xf32> to vector<16xf32>
    %swap3A_54 = vector.shape_cast %broadcast_in_dim3A_50 : vector<16xf32> to vector<16xf32>
    tpu.vector_store %arg14[%swap3A_51], %swap3A_54 {strides = array<i32>} : memref<640xf32, #tpu.memory_space<vmem>>, vector<16xf32>,
    %broadcast_in_dim3A_55 = arith.constant 0.000000e+00 : f32
    %broadcast_in_dim3A_56 = vector.broadcast %broadcast_in_dim3A_55 : f32 to vector<16xf32>
    %swap3A_57 = arith.constant 16 : index
    %swap3A_58 = tpu.vector_load %arg14[%swap3A_57] {strides = array<i32>} : memref<640xf32, #tpu.memory_space<vmem>>, vector<16xf32>,
    %swap3A_59 = vector.shape_cast %swap3A_58 : vector<16xf32> to vector<16xf32>
    %swap3A_60 = vector.shape_cast %broadcast_in_dim3A_56 : vector<16xf32> to vector<16xf32>
    tpu.vector_store %arg14[%swap3A_57], %swap3A_60 {strides = array<i32>} : memref<640xf32, #tpu.memory_space<vmem>>, vector<16xf32>,
    %broadcast_in_dim3A_61 = arith.constant 0.000000e+00 : f32
    %broadcast_in_dim3A_62 = vector.broadcast %broadcast_in_dim3A_61 : f32 to vector<16xf32>
    %swap3A_63 = arith.constant 32 : index
    %swap3A_64 = tpu.vector_load %arg14[%swap3A_63] {strides = array<i32>} : memref<640xf32, #tpu.memory_space<vmem>>, vector<16xf32>,
    %swap3A_65 = vector.shape_cast %swap3A_64 : vector<16xf32> to vector<16xf32>
    %swap3A_66 = vector.shape_cast %broadcast_in_dim3A_62 : vector<16xf32> to vector<16xf32>
    tpu.vector_store %arg14[%swap3A_63], %swap3A_66 {strides = array<i32>} : memref<640xf32, #tpu.memory_space<vmem>>, vector<16xf32>,
    %broadcast_in_dim3A_67 = arith.constant 0.000000e+00 : f32
    %broadcast_in_dim3A_68 = vector.broadcast %broadcast_in_dim3A_67 : f32 to vector<16xf32>
    %swap3A_69 = arith.constant 48 : index
    %swap3A_70 = tpu.vector_load %arg14[%swap3A_69] {strides = array<i32>} : memref<640xf32, #tpu.memory_space<vmem>>, vector<16xf32>,
    %swap3A_71 = vector.shape_cast %swap3A_70 : vector<16xf32> to vector<16xf32>
    %swap3A_72 = vector.shape_cast %broadcast_in_dim3A_68 : vector<16xf32> to vector<16xf32>
    tpu.vector_store %arg14[%swap3A_69], %swap3A_72 {strides = array<i32>} : memref<640xf32, #tpu.memory_space<vmem>>, vector<16xf32>,
    %broadcast_in_dim3A_73 = arith.constant 0.000000e+00 : f32
    %broadcast_in_dim3A_74 = vector.broadcast %broadcast_in_dim3A_73 : f32 to vector<16xf32>
    %swap3A_75 = arith.constant 64 : index
    %swap3A_76 = tpu.vector_load %arg14[%swap3A_75] {strides = array<i32>} : memref<640xf32, #tpu.memory_space<vmem>>, vector<16xf32>,
    %swap3A_77 = vector.shape_cast %swap3A_76 : vector<16xf32> to vector<16xf32>
    %swap3A_78 = vector.shape_cast %broadcast_in_dim3A_74 : vector<16xf32> to vector<16xf32>
    tpu.vector_store %arg14[%swap3A_75], %swap3A_78 {strides = array<i32>} : memref<640xf32, #tpu.memory_space<vmem>>, vector<16xf32>,
    %broadcast_in_dim3A_79 = arith.constant 0.000000e+00 : f32
    %broadcast_in_dim3A_80 = vector.broadcast %broadcast_in_dim3A_79 : f32 to vector<16xf32>
    %swap3A_81 = arith.constant 80 : index
    %swap3A_82 = tpu.vector_load %arg14[%swap3A_81] {strides = array<i32>} : memref<640xf32, #tpu.memory_space<vmem>>, vector<16xf32>,
    %swap3A_83 = vector.shape_cast %swap3A_82 : vector<16xf32> to vector<16xf32>
    %swap3A_84 = vector.shape_cast %broadcast_in_dim3A_80 : vector<16xf32> to vector<16xf32>
    tpu.vector_store %arg14[%swap3A_81], %swap3A_84 {strides = array<i32>} : memref<640xf32, #tpu.memory_space<vmem>>, vector<16xf32>,
    %broadcast_in_dim3A_85 = arith.constant 0.000000e+00 : f32
    %broadcast_in_dim3A_86 = vector.broadcast %broadcast_in_dim3A_85 : f32 to vector<16xf32>
    %swap3A_87 = arith.constant 96 : index
    %swap3A_88 = tpu.vector_load %arg14[%swap3A_87] {strides = array<i32>} : memref<640xf32, #tpu.memory_space<vmem>>, vector<16xf32>,
    %swap3A_89 = vector.shape_cast %swap3A_88 : vector<16xf32> to vector<16xf32>
    %swap3A_90 = vector.shape_cast %broadcast_in_dim3A_86 : vector<16xf32> to vector<16xf32>
    tpu.vector_store %arg14[%swap3A_87], %swap3A_90 {strides = array<i32>} : memref<640xf32, #tpu.memory_space<vmem>>, vector<16xf32>,
    %broadcast_in_dim3A_91 = arith.constant 0.000000e+00 : f32
    %broadcast_in_dim3A_92 = vector.broadcast %broadcast_in_dim3A_91 : f32 to vector<16xf32>
    %swap3A_93 = arith.constant 112 : index
    %swap3A_94 = tpu.vector_load %arg14[%swap3A_93] {strides = array<i32>} : memref<640xf32, #tpu.memory_space<vmem>>, vector<16xf32>,
    %swap3A_95 = vector.shape_cast %swap3A_94 : vector<16xf32> to vector<16xf32>
    %swap3A_96 = vector.shape_cast %broadcast_in_dim3A_92 : vector<16xf32> to vector<16xf32>
    tpu.vector_store %arg14[%swap3A_93], %swap3A_96 {strides = array<i32>} : memref<640xf32, #tpu.memory_space<vmem>>, vector<16xf32>,
    %broadcast_in_dim3A_97 = arith.constant 0.000000e+00 : f32
    %broadcast_in_dim3A_98 = vector.broadcast %broadcast_in_dim3A_97 : f32 to vector<16xf32>
    %swap3A_99 = arith.constant 128 : index
    %swap3A_100 = tpu.vector_load %arg14[%swap3A_99] {strides = array<i32>} : memref<640xf32, #tpu.memory_space<vmem>>, vector<16xf32>,
    %swap3A_101 = vector.shape_cast %swap3A_100 : vector<16xf32> to vector<16xf32>
    %swap3A_102 = vector.shape_cast %broadcast_in_dim3A_98 : vector<16xf32> to vector<16xf32>
    tpu.vector_store %arg14[%swap3A_99], %swap3A_102 {strides = array<i32>} : memref<640xf32, #tpu.memory_space<vmem>>, vector<16xf32>,
    %broadcast_in_dim3A_103 = arith.constant 0.000000e+00 : f32
    %broadcast_in_dim3A_104 = vector.broadcast %broadcast_in_dim3A_103 : f32 to vector<16xf32>
    %swap3A_105 = arith.constant 144 : index
    %swap3A_106 = tpu.vector_load %arg14[%swap3A_105] {strides = array<i32>} : memref<640xf32, #tpu.memory_space<vmem>>, vector<16xf32>,
    %swap3A_107 = vector.shape_cast %swap3A_106 : vector<16xf32> to vector<16xf32>
    %swap3A_108 = vector.shape_cast %broadcast_in_dim3A_104 : vector<16xf32> to vector<16xf32>
    tpu.vector_store %arg14[%swap3A_105], %swap3A_108 {strides = array<i32>} : memref<640xf32, #tpu.memory_space<vmem>>, vector<16xf32>,
    %broadcast_in_dim3A_109 = arith.constant 0.000000e+00 : f32
    %broadcast_in_dim3A_110 = vector.broadcast %broadcast_in_dim3A_109 : f32 to vector<16xf32>
    %swap3A_111 = arith.constant 160 : index
    %swap3A_112 = tpu.vector_load %arg14[%swap3A_111] {strides = array<i32>} : memref<640xf32, #tpu.memory_space<vmem>>, vector<16xf32>,
    %swap3A_113 = vector.shape_cast %swap3A_112 : vector<16xf32> to vector<16xf32>
    %swap3A_114 = vector.shape_cast %broadcast_in_dim3A_110 : vector<16xf32> to vector<16xf32>
    tpu.vector_store %arg14[%swap3A_111], %swap3A_114 {strides = array<i32>} : memref<640xf32, #tpu.memory_space<vmem>>, vector<16xf32>,
    %broadcast_in_dim3A_115 = arith.constant 0.000000e+00 : f32
    %broadcast_in_dim3A_116 = vector.broadcast %broadcast_in_dim3A_115 : f32 to vector<16xf32>
    %swap3A_117 = arith.constant 176 : index
    %swap3A_118 = tpu.vector_load %arg14[%swap3A_117] {strides = array<i32>} : memref<640xf32, #tpu.memory_space<vmem>>, vector<16xf32>,
    %swap3A_119 = vector.shape_cast %swap3A_118 : vector<16xf32> to vector<16xf32>
    %swap3A_120 = vector.shape_cast %broadcast_in_dim3A_116 : vector<16xf32> to vector<16xf32>
    tpu.vector_store %arg14[%swap3A_117], %swap3A_120 {strides = array<i32>} : memref<640xf32, #tpu.memory_space<vmem>>, vector<16xf32>,
    %broadcast_in_dim3A_121 = arith.constant 0.000000e+00 : f32
    %broadcast_in_dim3A_122 = vector.broadcast %broadcast_in_dim3A_121 : f32 to vector<16xf32>
    %swap3A_123 = arith.constant 192 : index
    %swap3A_124 = tpu.vector_load %arg14[%swap3A_123] {strides = array<i32>} : memref<640xf32, #tpu.memory_space<vmem>>, vector<16xf32>,
    %swap3A_125 = vector.shape_cast %swap3A_124 : vector<16xf32> to vector<16xf32>
    %swap3A_126 = vector.shape_cast %broadcast_in_dim3A_122 : vector<16xf32> to vector<16xf32>
    tpu.vector_store %arg14[%swap3A_123], %swap3A_126 {strides = array<i32>} : memref<640xf32, #tpu.memory_space<vmem>>, vector<16xf32>,
    %broadcast_in_dim3A_127 = arith.constant 0.000000e+00 : f32
    %broadcast_in_dim3A_128 = vector.broadcast %broadcast_in_dim3A_127 : f32 to vector<16xf32>
    %swap3A_129 = arith.constant 208 : index
    %swap3A_130 = tpu.vector_load %arg14[%swap3A_129] {strides = array<i32>} : memref<640xf32, #tpu.memory_space<vmem>>, vector<16xf32>,
    %swap3A_131 = vector.shape_cast %swap3A_130 : vector<16xf32> to vector<16xf32>
    %swap3A_132 = vector.shape_cast %broadcast_in_dim3A_128 : vector<16xf32> to vector<16xf32>
    tpu.vector_store %arg14[%swap3A_129], %swap3A_132 {strides = array<i32>} : memref<640xf32, #tpu.memory_space<vmem>>, vector<16xf32>,
    %broadcast_in_dim3A_133 = arith.constant 0.000000e+00 : f32
    %broadcast_in_dim3A_134 = vector.broadcast %broadcast_in_dim3A_133 : f32 to vector<16xf32>
    %swap3A_135 = arith.constant 224 : index
    %swap3A_136 = tpu.vector_load %arg14[%swap3A_135] {strides = array<i32>} : memref<640xf32, #tpu.memory_space<vmem>>, vector<16xf32>,
    %swap3A_137 = vector.shape_cast %swap3A_136 : vector<16xf32> to vector<16xf32>
    %swap3A_138 = vector.shape_cast %broadcast_in_dim3A_134 : vector<16xf32> to vector<16xf32>
    tpu.vector_store %arg14[%swap3A_135], %swap3A_138 {strides = array<i32>} : memref<640xf32, #tpu.memory_space<vmem>>, vector<16xf32>,
    %broadcast_in_dim3A_139 = arith.constant 0.000000e+00 : f32
    %broadcast_in_dim3A_140 = vector.broadcast %broadcast_in_dim3A_139 : f32 to vector<16xf32>
    %swap3A_141 = arith.constant 240 : index
    %swap3A_142 = tpu.vector_load %arg14[%swap3A_141] {strides = array<i32>} : memref<640xf32, #tpu.memory_space<vmem>>, vector<16xf32>,
    %swap3A_143 = vector.shape_cast %swap3A_142 : vector<16xf32> to vector<16xf32>
    %swap3A_144 = vector.shape_cast %broadcast_in_dim3A_140 : vector<16xf32> to vector<16xf32>
    tpu.vector_store %arg14[%swap3A_141], %swap3A_144 {strides = array<i32>} : memref<640xf32, #tpu.memory_space<vmem>>, vector<16xf32>,
    %broadcast_in_dim3A_145 = arith.constant 0.000000e+00 : f32
    %broadcast_in_dim3A_146 = vector.broadcast %broadcast_in_dim3A_145 : f32 to vector<16xf32>
    %swap3A_147 = arith.constant 256 : index
    %swap3A_148 = tpu.vector_load %arg14[%swap3A_147] {strides = array<i32>} : memref<640xf32, #tpu.memory_space<vmem>>, vector<16xf32>,
    %swap3A_149 = vector.shape_cast %swap3A_148 : vector<16xf32> to vector<16xf32>
    %swap3A_150 = vector.shape_cast %broadcast_in_dim3A_146 : vector<16xf32> to vector<16xf32>
    tpu.vector_store %arg14[%swap3A_147], %swap3A_150 {strides = array<i32>} : memref<640xf32, #tpu.memory_space<vmem>>, vector<16xf32>,
    %broadcast_in_dim3A_151 = arith.constant 0.000000e+00 : f32
    %broadcast_in_dim3A_152 = vector.broadcast %broadcast_in_dim3A_151 : f32 to vector<16xf32>
    %swap3A_153 = arith.constant 272 : index
    %swap3A_154 = tpu.vector_load %arg14[%swap3A_153] {strides = array<i32>} : memref<640xf32, #tpu.memory_space<vmem>>, vector<16xf32>,
    %swap3A_155 = vector.shape_cast %swap3A_154 : vector<16xf32> to vector<16xf32>
    %swap3A_156 = vector.shape_cast %broadcast_in_dim3A_152 : vector<16xf32> to vector<16xf32>
    tpu.vector_store %arg14[%swap3A_153], %swap3A_156 {strides = array<i32>} : memref<640xf32, #tpu.memory_space<vmem>>, vector<16xf32>,
    %broadcast_in_dim3A_157 = arith.constant 0.000000e+00 : f32
    %broadcast_in_dim3A_158 = vector.broadcast %broadcast_in_dim3A_157 : f32 to vector<16xf32>
    %swap3A_159 = arith.constant 288 : index
    %swap3A_160 = tpu.vector_load %arg14[%swap3A_159] {strides = array<i32>} : memref<640xf32, #tpu.memory_space<vmem>>, vector<16xf32>,
    %swap3A_161 = vector.shape_cast %swap3A_160 : vector<16xf32> to vector<16xf32>
    %swap3A_162 = vector.shape_cast %broadcast_in_dim3A_158 : vector<16xf32> to vector<16xf32>
    tpu.vector_store %arg14[%swap3A_159], %swap3A_162 {strides = array<i32>} : memref<640xf32, #tpu.memory_space<vmem>>, vector<16xf32>,
    %broadcast_in_dim3A_163 = arith.constant 0.000000e+00 : f32
    %broadcast_in_dim3A_164 = vector.broadcast %broadcast_in_dim3A_163 : f32 to vector<16xf32>
    %swap3A_165 = arith.constant 304 : index
    %swap3A_166 = tpu.vector_load %arg14[%swap3A_165] {strides = array<i32>} : memref<640xf32, #tpu.memory_space<vmem>>, vector<16xf32>,
    %swap3A_167 = vector.shape_cast %swap3A_166 : vector<16xf32> to vector<16xf32>
    %swap3A_168 = vector.shape_cast %broadcast_in_dim3A_164 : vector<16xf32> to vector<16xf32>
    tpu.vector_store %arg14[%swap3A_165], %swap3A_168 {strides = array<i32>} : memref<640xf32, #tpu.memory_space<vmem>>, vector<16xf32>,
    %broadcast_in_dim3A_169 = arith.constant 0.000000e+00 : f32
    %broadcast_in_dim3A_170 = vector.broadcast %broadcast_in_dim3A_169 : f32 to vector<16xf32>
    %swap3A_171 = arith.constant 320 : index
    %swap3A_172 = tpu.vector_load %arg14[%swap3A_171] {strides = array<i32>} : memref<640xf32, #tpu.memory_space<vmem>>, vector<16xf32>,
    %swap3A_173 = vector.shape_cast %swap3A_172 : vector<16xf32> to vector<16xf32>
    %swap3A_174 = vector.shape_cast %broadcast_in_dim3A_170 : vector<16xf32> to vector<16xf32>
    tpu.vector_store %arg14[%swap3A_171], %swap3A_174 {strides = array<i32>} : memref<640xf32, #tpu.memory_space<vmem>>, vector<16xf32>,
    %broadcast_in_dim3A_175 = arith.constant 0.000000e+00 : f32
    %broadcast_in_dim3A_176 = vector.broadcast %broadcast_in_dim3A_175 : f32 to vector<16xf32>
    %swap3A_177 = arith.constant 336 : index
    %swap3A_178 = tpu.vector_load %arg14[%swap3A_177] {strides = array<i32>} : memref<640xf32, #tpu.memory_space<vmem>>, vector<16xf32>,
    %swap3A_179 = vector.shape_cast %swap3A_178 : vector<16xf32> to vector<16xf32>
    %swap3A_180 = vector.shape_cast %broadcast_in_dim3A_176 : vector<16xf32> to vector<16xf32>
    tpu.vector_store %arg14[%swap3A_177], %swap3A_180 {strides = array<i32>} : memref<640xf32, #tpu.memory_space<vmem>>, vector<16xf32>,
    %broadcast_in_dim3A_181 = arith.constant 0.000000e+00 : f32
    %broadcast_in_dim3A_182 = vector.broadcast %broadcast_in_dim3A_181 : f32 to vector<16xf32>
    %swap3A_183 = arith.constant 352 : index
    %swap3A_184 = tpu.vector_load %arg14[%swap3A_183] {strides = array<i32>} : memref<640xf32, #tpu.memory_space<vmem>>, vector<16xf32>,
    %swap3A_185 = vector.shape_cast %swap3A_184 : vector<16xf32> to vector<16xf32>
    %swap3A_186 = vector.shape_cast %broadcast_in_dim3A_182 : vector<16xf32> to vector<16xf32>
    tpu.vector_store %arg14[%swap3A_183], %swap3A_186 {strides = array<i32>} : memref<640xf32, #tpu.memory_space<vmem>>, vector<16xf32>,
    %broadcast_in_dim3A_187 = arith.constant 0.000000e+00 : f32
    %broadcast_in_dim3A_188 = vector.broadcast %broadcast_in_dim3A_187 : f32 to vector<16xf32>
    %swap3A_189 = arith.constant 368 : index
    %swap3A_190 = tpu.vector_load %arg14[%swap3A_189] {strides = array<i32>} : memref<640xf32, #tpu.memory_space<vmem>>, vector<16xf32>,
    %swap3A_191 = vector.shape_cast %swap3A_190 : vector<16xf32> to vector<16xf32>
    %swap3A_192 = vector.shape_cast %broadcast_in_dim3A_188 : vector<16xf32> to vector<16xf32>
    tpu.vector_store %arg14[%swap3A_189], %swap3A_192 {strides = array<i32>} : memref<640xf32, #tpu.memory_space<vmem>>, vector<16xf32>,
    %broadcast_in_dim3A_193 = arith.constant 0.000000e+00 : f32
    %broadcast_in_dim3A_194 = vector.broadcast %broadcast_in_dim3A_193 : f32 to vector<16xf32>
    %swap3A_195 = arith.constant 384 : index
    %swap3A_196 = tpu.vector_load %arg14[%swap3A_195] {strides = array<i32>} : memref<640xf32, #tpu.memory_space<vmem>>, vector<16xf32>,
    %swap3A_197 = vector.shape_cast %swap3A_196 : vector<16xf32> to vector<16xf32>
    %swap3A_198 = vector.shape_cast %broadcast_in_dim3A_194 : vector<16xf32> to vector<16xf32>
    tpu.vector_store %arg14[%swap3A_195], %swap3A_198 {strides = array<i32>} : memref<640xf32, #tpu.memory_space<vmem>>, vector<16xf32>,
    %broadcast_in_dim3A_199 = arith.constant 0.000000e+00 : f32
    %broadcast_in_dim3A_200 = vector.broadcast %broadcast_in_dim3A_199 : f32 to vector<16xf32>
    %swap3A_201 = arith.constant 400 : index
    %swap3A_202 = tpu.vector_load %arg14[%swap3A_201] {strides = array<i32>} : memref<640xf32, #tpu.memory_space<vmem>>, vector<16xf32>,
    %swap3A_203 = vector.shape_cast %swap3A_202 : vector<16xf32> to vector<16xf32>
    %swap3A_204 = vector.shape_cast %broadcast_in_dim3A_200 : vector<16xf32> to vector<16xf32>
    tpu.vector_store %arg14[%swap3A_201], %swap3A_204 {strides = array<i32>} : memref<640xf32, #tpu.memory_space<vmem>>, vector<16xf32>,
    %broadcast_in_dim3A_205 = arith.constant 0.000000e+00 : f32
    %broadcast_in_dim3A_206 = vector.broadcast %broadcast_in_dim3A_205 : f32 to vector<16xf32>
    %swap3A_207 = arith.constant 416 : index
    %swap3A_208 = tpu.vector_load %arg14[%swap3A_207] {strides = array<i32>} : memref<640xf32, #tpu.memory_space<vmem>>, vector<16xf32>,
    %swap3A_209 = vector.shape_cast %swap3A_208 : vector<16xf32> to vector<16xf32>
    %swap3A_210 = vector.shape_cast %broadcast_in_dim3A_206 : vector<16xf32> to vector<16xf32>
    tpu.vector_store %arg14[%swap3A_207], %swap3A_210 {strides = array<i32>} : memref<640xf32, #tpu.memory_space<vmem>>, vector<16xf32>,
    %broadcast_in_dim3A_211 = arith.constant 0.000000e+00 : f32
    %broadcast_in_dim3A_212 = vector.broadcast %broadcast_in_dim3A_211 : f32 to vector<16xf32>
    %swap3A_213 = arith.constant 432 : index
    %swap3A_214 = tpu.vector_load %arg14[%swap3A_213] {strides = array<i32>} : memref<640xf32, #tpu.memory_space<vmem>>, vector<16xf32>,
    %swap3A_215 = vector.shape_cast %swap3A_214 : vector<16xf32> to vector<16xf32>
    %swap3A_216 = vector.shape_cast %broadcast_in_dim3A_212 : vector<16xf32> to vector<16xf32>
    tpu.vector_store %arg14[%swap3A_213], %swap3A_216 {strides = array<i32>} : memref<640xf32, #tpu.memory_space<vmem>>, vector<16xf32>,
    %broadcast_in_dim3A_217 = arith.constant 0.000000e+00 : f32
    %broadcast_in_dim3A_218 = vector.broadcast %broadcast_in_dim3A_217 : f32 to vector<16xf32>
    %swap3A_219 = arith.constant 448 : index
    %swap3A_220 = tpu.vector_load %arg14[%swap3A_219] {strides = array<i32>} : memref<640xf32, #tpu.memory_space<vmem>>, vector<16xf32>,
    %swap3A_221 = vector.shape_cast %swap3A_220 : vector<16xf32> to vector<16xf32>
    %swap3A_222 = vector.shape_cast %broadcast_in_dim3A_218 : vector<16xf32> to vector<16xf32>
    tpu.vector_store %arg14[%swap3A_219], %swap3A_222 {strides = array<i32>} : memref<640xf32, #tpu.memory_space<vmem>>, vector<16xf32>,
    %broadcast_in_dim3A_223 = arith.constant 0.000000e+00 : f32
    %broadcast_in_dim3A_224 = vector.broadcast %broadcast_in_dim3A_223 : f32 to vector<16xf32>
    %swap3A_225 = arith.constant 464 : index
    %swap3A_226 = tpu.vector_load %arg14[%swap3A_225] {strides = array<i32>} : memref<640xf32, #tpu.memory_space<vmem>>, vector<16xf32>,
    %swap3A_227 = vector.shape_cast %swap3A_226 : vector<16xf32> to vector<16xf32>
    %swap3A_228 = vector.shape_cast %broadcast_in_dim3A_224 : vector<16xf32> to vector<16xf32>
    tpu.vector_store %arg14[%swap3A_225], %swap3A_228 {strides = array<i32>} : memref<640xf32, #tpu.memory_space<vmem>>, vector<16xf32>,
    %broadcast_in_dim3A_229 = arith.constant 0.000000e+00 : f32
    %broadcast_in_dim3A_230 = vector.broadcast %broadcast_in_dim3A_229 : f32 to vector<16xf32>
    %swap3A_231 = arith.constant 480 : index
    %swap3A_232 = tpu.vector_load %arg14[%swap3A_231] {strides = array<i32>} : memref<640xf32, #tpu.memory_space<vmem>>, vector<16xf32>,
    %swap3A_233 = vector.shape_cast %swap3A_232 : vector<16xf32> to vector<16xf32>
    %swap3A_234 = vector.shape_cast %broadcast_in_dim3A_230 : vector<16xf32> to vector<16xf32>
    tpu.vector_store %arg14[%swap3A_231], %swap3A_234 {strides = array<i32>} : memref<640xf32, #tpu.memory_space<vmem>>, vector<16xf32>,
    %broadcast_in_dim3A_235 = arith.constant 0.000000e+00 : f32
    %broadcast_in_dim3A_236 = vector.broadcast %broadcast_in_dim3A_235 : f32 to vector<16xf32>
    %swap3A_237 = arith.constant 496 : index
    %swap3A_238 = tpu.vector_load %arg14[%swap3A_237] {strides = array<i32>} : memref<640xf32, #tpu.memory_space<vmem>>, vector<16xf32>,
    %swap3A_239 = vector.shape_cast %swap3A_238 : vector<16xf32> to vector<16xf32>
    %swap3A_240 = vector.shape_cast %broadcast_in_dim3A_236 : vector<16xf32> to vector<16xf32>
    tpu.vector_store %arg14[%swap3A_237], %swap3A_240 {strides = array<i32>} : memref<640xf32, #tpu.memory_space<vmem>>, vector<16xf32>,
    %broadcast_in_dim3A_241 = arith.constant 0.000000e+00 : f32
    %broadcast_in_dim3A_242 = vector.broadcast %broadcast_in_dim3A_241 : f32 to vector<16xf32>
    %swap3A_243 = arith.constant 512 : index
    %swap3A_244 = tpu.vector_load %arg14[%swap3A_243] {strides = array<i32>} : memref<640xf32, #tpu.memory_space<vmem>>, vector<16xf32>,
    %swap3A_245 = vector.shape_cast %swap3A_244 : vector<16xf32> to vector<16xf32>
    %swap3A_246 = vector.shape_cast %broadcast_in_dim3A_242 : vector<16xf32> to vector<16xf32>
    tpu.vector_store %arg14[%swap3A_243], %swap3A_246 {strides = array<i32>} : memref<640xf32, #tpu.memory_space<vmem>>, vector<16xf32>,
    %broadcast_in_dim3A_247 = arith.constant 0.000000e+00 : f32
    %broadcast_in_dim3A_248 = vector.broadcast %broadcast_in_dim3A_247 : f32 to vector<16xf32>
    %swap3A_249 = arith.constant 528 : index
    %swap3A_250 = tpu.vector_load %arg14[%swap3A_249] {strides = array<i32>} : memref<640xf32, #tpu.memory_space<vmem>>, vector<16xf32>,
    %swap3A_251 = vector.shape_cast %swap3A_250 : vector<16xf32> to vector<16xf32>
    %swap3A_252 = vector.shape_cast %broadcast_in_dim3A_248 : vector<16xf32> to vector<16xf32>
    tpu.vector_store %arg14[%swap3A_249], %swap3A_252 {strides = array<i32>} : memref<640xf32, #tpu.memory_space<vmem>>, vector<16xf32>,
    %broadcast_in_dim3A_253 = arith.constant 0.000000e+00 : f32
    %broadcast_in_dim3A_254 = vector.broadcast %broadcast_in_dim3A_253 : f32 to vector<16xf32>
    %swap3A_255 = arith.constant 544 : index
    %swap3A_256 = tpu.vector_load %arg14[%swap3A_255] {strides = array<i32>} : memref<640xf32, #tpu.memory_space<vmem>>, vector<16xf32>,
    %swap3A_257 = vector.shape_cast %swap3A_256 : vector<16xf32> to vector<16xf32>
    %swap3A_258 = vector.shape_cast %broadcast_in_dim3A_254 : vector<16xf32> to vector<16xf32>
    tpu.vector_store %arg14[%swap3A_255], %swap3A_258 {strides = array<i32>} : memref<640xf32, #tpu.memory_space<vmem>>, vector<16xf32>,
    %broadcast_in_dim3A_259 = arith.constant 0.000000e+00 : f32
    %broadcast_in_dim3A_260 = vector.broadcast %broadcast_in_dim3A_259 : f32 to vector<16xf32>
    %swap3A_261 = arith.constant 560 : index
    %swap3A_262 = tpu.vector_load %arg14[%swap3A_261] {strides = array<i32>} : memref<640xf32, #tpu.memory_space<vmem>>, vector<16xf32>,
    %swap3A_263 = vector.shape_cast %swap3A_262 : vector<16xf32> to vector<16xf32>
    %swap3A_264 = vector.shape_cast %broadcast_in_dim3A_260 : vector<16xf32> to vector<16xf32>
    tpu.vector_store %arg14[%swap3A_261], %swap3A_264 {strides = array<i32>} : memref<640xf32, #tpu.memory_space<vmem>>, vector<16xf32>,
    %broadcast_in_dim3A_265 = arith.constant 0.000000e+00 : f32
    %broadcast_in_dim3A_266 = vector.broadcast %broadcast_in_dim3A_265 : f32 to vector<16xf32>
    %swap3A_267 = arith.constant 576 : index
    %swap3A_268 = tpu.vector_load %arg14[%swap3A_267] {strides = array<i32>} : memref<640xf32, #tpu.memory_space<vmem>>, vector<16xf32>,
    %swap3A_269 = vector.shape_cast %swap3A_268 : vector<16xf32> to vector<16xf32>
    %swap3A_270 = vector.shape_cast %broadcast_in_dim3A_266 : vector<16xf32> to vector<16xf32>
    tpu.vector_store %arg14[%swap3A_267], %swap3A_270 {strides = array<i32>} : memref<640xf32, #tpu.memory_space<vmem>>, vector<16xf32>,
    %broadcast_in_dim3A_271 = arith.constant 0.000000e+00 : f32
    %broadcast_in_dim3A_272 = vector.broadcast %broadcast_in_dim3A_271 : f32 to vector<16xf32>
    %swap3A_273 = arith.constant 592 : index
    %swap3A_274 = tpu.vector_load %arg14[%swap3A_273] {strides = array<i32>} : memref<640xf32, #tpu.memory_space<vmem>>, vector<16xf32>,
    %swap3A_275 = vector.shape_cast %swap3A_274 : vector<16xf32> to vector<16xf32>
    %swap3A_276 = vector.shape_cast %broadcast_in_dim3A_272 : vector<16xf32> to vector<16xf32>
    tpu.vector_store %arg14[%swap3A_273], %swap3A_276 {strides = array<i32>} : memref<640xf32, #tpu.memory_space<vmem>>, vector<16xf32>,
    %broadcast_in_dim3A_277 = arith.constant 0.000000e+00 : f32
    %broadcast_in_dim3A_278 = vector.broadcast %broadcast_in_dim3A_277 : f32 to vector<16xf32>
    %swap3A_279 = arith.constant 608 : index
    %swap3A_280 = tpu.vector_load %arg14[%swap3A_279] {strides = array<i32>} : memref<640xf32, #tpu.memory_space<vmem>>, vector<16xf32>,
    %swap3A_281 = vector.shape_cast %swap3A_280 : vector<16xf32> to vector<16xf32>
    %swap3A_282 = vector.shape_cast %broadcast_in_dim3A_278 : vector<16xf32> to vector<16xf32>
    tpu.vector_store %arg14[%swap3A_279], %swap3A_282 {strides = array<i32>} : memref<640xf32, #tpu.memory_space<vmem>>, vector<16xf32>,
    %broadcast_in_dim3A_283 = arith.constant 0.000000e+00 : f32
    %broadcast_in_dim3A_284 = vector.broadcast %broadcast_in_dim3A_283 : f32 to vector<16xf32>
    %swap3A_285 = arith.constant 624 : index
    %swap3A_286 = tpu.vector_load %arg14[%swap3A_285] {strides = array<i32>} : memref<640xf32, #tpu.memory_space<vmem>>, vector<16xf32>,
    %swap3A_287 = vector.shape_cast %swap3A_286 : vector<16xf32> to vector<16xf32>
    %swap3A_288 = vector.shape_cast %broadcast_in_dim3A_284 : vector<16xf32> to vector<16xf32>
    tpu.vector_store %arg14[%swap3A_285], %swap3A_288 {strides = array<i32>} : memref<640xf32, #tpu.memory_space<vmem>>, vector<16xf32>,
    %mul3A_289 = arith.constant 640 : i32
    %mul3A_290 = arith.muli %arg1, %mul3A_289 : i32
    "tpu.region"() ({
      %run_scoped3A = tpu.sem_alloc : memref<!tpu.dma_semaphore, #tpu.memory_space<semaphore_mem>>
      %dma_start3A = tpu.memref_slice %arg15[%mul3A_290] : memref<10240xf32, #tpu.memory_space<vmem_shared>> -> memref<640xf32, #tpu.memory_space<vmem_shared>>
      %dma_start3A_304 = tpu.memref_slice %arg15[%mul3A_290] : memref<10240xf32, #tpu.memory_space<vmem_shared>> -> memref<640xf32, #tpu.memory_space<vmem_shared>>
      tpu.enqueue_dma source(%arg14 : memref<640xf32, #tpu.memory_space<vmem>>) target(%dma_start3A_304 : memref<640xf32, #tpu.memory_space<vmem_shared>>) target_semaphore(%run_scoped3A : memref<!tpu.dma_semaphore, #tpu.memory_space<semaphore_mem>>)
      %dma_wait3A = tpu.memref_slice %arg15[%mul3A_290] : memref<10240xf32, #tpu.memory_space<vmem_shared>> -> memref<640xf32, #tpu.memory_space<vmem_shared>>
      %dma_wait3A_305 = tpu.memref_slice %arg15[%mul3A_290] : memref<10240xf32, #tpu.memory_space<vmem_shared>> -> memref<640xf32, #tpu.memory_space<vmem_shared>>
      tpu.wait_dma2 semaphore(%run_scoped3A : memref<!tpu.dma_semaphore, #tpu.memory_space<semaphore_mem>>) src(%arg14 : memref<640xf32, #tpu.memory_space<vmem>>) dst(%dma_wait3A_305 : memref<640xf32, #tpu.memory_space<vmem_shared>>)
      tpu.yield
    }) : () -> ()
    %barrier3A = arith.constant 0 : index
    tpu.barrier barrier_id(%barrier3A)
    %scan3A = arith.constant 0 : i32
    %scan3A_291 = arith.constant 0 : i32
    %scan3A_292 = arith.constant 20 : i32
    %scan3A_293 = arith.addi %scan3A_291, %scan3A_292 : i32
    %scan3A_294 = arith.constant 1 : i32
    scf.for %scan3A_304 = %scan3A_291 to %scan3A_293 step %scan3A_294  : i32 {
      %mul3A_305 = arith.constant 4 : i32
      %mul3A_306 = arith.muli %scan3A_304, %mul3A_305 : i32
      %add3A_307 = arith.constant 0 : i32
      %add3A_308 = arith.addi %mul3A_306, %add3A_307 : i32
      %mul3A_309 = arith.constant 128 : i32
      %mul3A_310 = arith.muli %add3A_308, %mul3A_309 : i32
      %add3A_311 = arith.addi %mul3A_2, %mul3A_310 : i32
      %dma_start3A = tpu.memref_slice %arg2[%add3A_311] : memref<327680xi32, #tpu.memory_space<hbm>> -> memref<128xi32, #tpu.memory_space<hbm>>
      %dma_start3A_312 = tpu.memref_slice %arg2[%add3A_311] : memref<327680xi32, #tpu.memory_space<hbm>> -> memref<128xi32, #tpu.memory_space<hbm>>
      tpu.enqueue_dma source(%dma_start3A_312 : memref<128xi32, #tpu.memory_space<hbm>>) target(%arg5 : memref<128xi32, #tpu.memory_space<vmem>>) target_semaphore(%arg9 : memref<!tpu.dma_semaphore, #tpu.memory_space<semaphore_mem>>)
      %mul3A_313 = arith.constant 4 : i32
      %mul3A_314 = arith.muli %scan3A_304, %mul3A_313 : i32
      %add3A_315 = arith.constant 1 : i32
      %add3A_316 = arith.addi %mul3A_314, %add3A_315 : i32
      %mul3A_317 = arith.constant 128 : i32
      %mul3A_318 = arith.muli %add3A_316, %mul3A_317 : i32
      %add3A_319 = arith.addi %mul3A_2, %mul3A_318 : i32
      %dma_start3A_320 = tpu.memref_slice %arg2[%add3A_319] : memref<327680xi32, #tpu.memory_space<hbm>> -> memref<128xi32, #tpu.memory_space<hbm>>
      %dma_start3A_321 = tpu.memref_slice %arg2[%add3A_319] : memref<327680xi32, #tpu.memory_space<hbm>> -> memref<128xi32, #tpu.memory_space<hbm>>
      tpu.enqueue_dma source(%dma_start3A_321 : memref<128xi32, #tpu.memory_space<hbm>>) target(%arg6 : memref<128xi32, #tpu.memory_space<vmem>>) target_semaphore(%arg10 : memref<!tpu.dma_semaphore, #tpu.memory_space<semaphore_mem>>)
      %mul3A_322 = arith.constant 4 : i32
      %mul3A_323 = arith.muli %scan3A_304, %mul3A_322 : i32
      %add3A_324 = arith.constant 2 : i32
      %add3A_325 = arith.addi %mul3A_323, %add3A_324 : i32
      %mul3A_326 = arith.constant 128 : i32
      %mul3A_327 = arith.muli %add3A_325, %mul3A_326 : i32
      %add3A_328 = arith.addi %mul3A_2, %mul3A_327 : i32
      %dma_start3A_329 = tpu.memref_slice %arg2[%add3A_328] : memref<327680xi32, #tpu.memory_space<hbm>> -> memref<128xi32, #tpu.memory_space<hbm>>
      %dma_start3A_330 = tpu.memref_slice %arg2[%add3A_328] : memref<327680xi32, #tpu.memory_space<hbm>> -> memref<128xi32, #tpu.memory_space<hbm>>
      tpu.enqueue_dma source(%dma_start3A_330 : memref<128xi32, #tpu.memory_space<hbm>>) target(%arg7 : memref<128xi32, #tpu.memory_space<vmem>>) target_semaphore(%arg11 : memref<!tpu.dma_semaphore, #tpu.memory_space<semaphore_mem>>)
      %mul3A_331 = arith.constant 4 : i32
      %mul3A_332 = arith.muli %scan3A_304, %mul3A_331 : i32
      %add3A_333 = arith.constant 3 : i32
      %add3A_334 = arith.addi %mul3A_332, %add3A_333 : i32
      %mul3A_335 = arith.constant 128 : i32
      %mul3A_336 = arith.muli %add3A_334, %mul3A_335 : i32
      %add3A_337 = arith.addi %mul3A_2, %mul3A_336 : i32
      %dma_start3A_338 = tpu.memref_slice %arg2[%add3A_337] : memref<327680xi32, #tpu.memory_space<hbm>> -> memref<128xi32, #tpu.memory_space<hbm>>
      %dma_start3A_339 = tpu.memref_slice %arg2[%add3A_337] : memref<327680xi32, #tpu.memory_space<hbm>> -> memref<128xi32, #tpu.memory_space<hbm>>
      tpu.enqueue_dma source(%dma_start3A_339 : memref<128xi32, #tpu.memory_space<hbm>>) target(%arg8 : memref<128xi32, #tpu.memory_space<vmem>>) target_semaphore(%arg12 : memref<!tpu.dma_semaphore, #tpu.memory_space<semaphore_mem>>)
      %dma_wait3A = tpu.memref_slice %arg2[%add3A_311] : memref<327680xi32, #tpu.memory_space<hbm>> -> memref<128xi32, #tpu.memory_space<hbm>>
      %dma_wait3A_340 = tpu.memref_slice %arg2[%add3A_311] : memref<327680xi32, #tpu.memory_space<hbm>> -> memref<128xi32, #tpu.memory_space<hbm>>
      tpu.wait_dma2 semaphore(%arg9 : memref<!tpu.dma_semaphore, #tpu.memory_space<semaphore_mem>>) src(%dma_wait3A_340 : memref<128xi32, #tpu.memory_space<hbm>>) dst(%arg5 : memref<128xi32, #tpu.memory_space<vmem>>)
      %dma_start3A_341 = arith.constant 0 : i32
      %dma_start3A_342 = tpu.memref_slice %arg15[%dma_start3A_341] : memref<10240xf32, #tpu.memory_space<vmem_shared>> -> memref<10240xf32, #tpu.memory_space<vmem_shared>>
      tpu.enqueue_indirect_dma source(%arg13 : memref<128xf32, #tpu.memory_space<vmem>>) target(%dma_start3A_342 : memref<10240xf32, #tpu.memory_space<vmem_shared>>) offsets(%arg5 : memref<128xi32, #tpu.memory_space<vmem>>) semaphore(%arg9 : memref<!tpu.dma_semaphore, #tpu.memory_space<semaphore_mem>>) {add = true}
      %dma_wait3A_343 = tpu.memref_slice %arg2[%add3A_319] : memref<327680xi32, #tpu.memory_space<hbm>> -> memref<128xi32, #tpu.memory_space<hbm>>
      %dma_wait3A_344 = tpu.memref_slice %arg2[%add3A_319] : memref<327680xi32, #tpu.memory_space<hbm>> -> memref<128xi32, #tpu.memory_space<hbm>>
      tpu.wait_dma2 semaphore(%arg10 : memref<!tpu.dma_semaphore, #tpu.memory_space<semaphore_mem>>) src(%dma_wait3A_344 : memref<128xi32, #tpu.memory_space<hbm>>) dst(%arg6 : memref<128xi32, #tpu.memory_space<vmem>>)
      %dma_start3A_345 = arith.constant 0 : i32
      %dma_start3A_346 = tpu.memref_slice %arg15[%dma_start3A_345] : memref<10240xf32, #tpu.memory_space<vmem_shared>> -> memref<10240xf32, #tpu.memory_space<vmem_shared>>
      tpu.enqueue_indirect_dma source(%arg13 : memref<128xf32, #tpu.memory_space<vmem>>) target(%dma_start3A_346 : memref<10240xf32, #tpu.memory_space<vmem_shared>>) offsets(%arg6 : memref<128xi32, #tpu.memory_space<vmem>>) semaphore(%arg10 : memref<!tpu.dma_semaphore, #tpu.memory_space<semaphore_mem>>) {add = true}
      %dma_wait3A_347 = tpu.memref_slice %arg2[%add3A_328] : memref<327680xi32, #tpu.memory_space<hbm>> -> memref<128xi32, #tpu.memory_space<hbm>>
      %dma_wait3A_348 = tpu.memref_slice %arg2[%add3A_328] : memref<327680xi32, #tpu.memory_space<hbm>> -> memref<128xi32, #tpu.memory_space<hbm>>
      tpu.wait_dma2 semaphore(%arg11 : memref<!tpu.dma_semaphore, #tpu.memory_space<semaphore_mem>>) src(%dma_wait3A_348 : memref<128xi32, #tpu.memory_space<hbm>>) dst(%arg7 : memref<128xi32, #tpu.memory_space<vmem>>)
      %dma_start3A_349 = arith.constant 0 : i32
      %dma_start3A_350 = tpu.memref_slice %arg15[%dma_start3A_349] : memref<10240xf32, #tpu.memory_space<vmem_shared>> -> memref<10240xf32, #tpu.memory_space<vmem_shared>>
      tpu.enqueue_indirect_dma source(%arg13 : memref<128xf32, #tpu.memory_space<vmem>>) target(%dma_start3A_350 : memref<10240xf32, #tpu.memory_space<vmem_shared>>) offsets(%arg7 : memref<128xi32, #tpu.memory_space<vmem>>) semaphore(%arg11 : memref<!tpu.dma_semaphore, #tpu.memory_space<semaphore_mem>>) {add = true}
      %dma_wait3A_351 = tpu.memref_slice %arg2[%add3A_337] : memref<327680xi32, #tpu.memory_space<hbm>> -> memref<128xi32, #tpu.memory_space<hbm>>
      %dma_wait3A_352 = tpu.memref_slice %arg2[%add3A_337] : memref<327680xi32, #tpu.memory_space<hbm>> -> memref<128xi32, #tpu.memory_space<hbm>>
      tpu.wait_dma2 semaphore(%arg12 : memref<!tpu.dma_semaphore, #tpu.memory_space<semaphore_mem>>) src(%dma_wait3A_352 : memref<128xi32, #tpu.memory_space<hbm>>) dst(%arg8 : memref<128xi32, #tpu.memory_space<vmem>>)
      %dma_start3A_353 = arith.constant 0 : i32
      %dma_start3A_354 = tpu.memref_slice %arg15[%dma_start3A_353] : memref<10240xf32, #tpu.memory_space<vmem_shared>> -> memref<10240xf32, #tpu.memory_space<vmem_shared>>
      tpu.enqueue_indirect_dma source(%arg13 : memref<128xf32, #tpu.memory_space<vmem>>) target(%dma_start3A_354 : memref<10240xf32, #tpu.memory_space<vmem_shared>>) offsets(%arg8 : memref<128xi32, #tpu.memory_space<vmem>>) semaphore(%arg12 : memref<!tpu.dma_semaphore, #tpu.memory_space<semaphore_mem>>) {add = true}
      %dma_wait3A_355 = arith.constant 0 : i32
      %dma_wait3A_356 = tpu.memref_slice %arg15[%dma_wait3A_355] : memref<10240xf32, #tpu.memory_space<vmem_shared>> -> memref<10240xf32, #tpu.memory_space<vmem_shared>>
      tpu.wait_indirect_dma semaphore(%arg9 : memref<!tpu.dma_semaphore, #tpu.memory_space<semaphore_mem>>) src(%arg13 : memref<128xf32, #tpu.memory_space<vmem>>) dst(%dma_wait3A_356 : memref<10240xf32, #tpu.memory_space<vmem_shared>>)
      %dma_wait3A_357 = arith.constant 0 : i32
      %dma_wait3A_358 = tpu.memref_slice %arg15[%dma_wait3A_357] : memref<10240xf32, #tpu.memory_space<vmem_shared>> -> memref<10240xf32, #tpu.memory_space<vmem_shared>>
      tpu.wait_indirect_dma semaphore(%arg10 : memref<!tpu.dma_semaphore, #tpu.memory_space<semaphore_mem>>) src(%arg13 : memref<128xf32, #tpu.memory_space<vmem>>) dst(%dma_wait3A_358 : memref<10240xf32, #tpu.memory_space<vmem_shared>>)
      %dma_wait3A_359 = arith.constant 0 : i32
      %dma_wait3A_360 = tpu.memref_slice %arg15[%dma_wait3A_359] : memref<10240xf32, #tpu.memory_space<vmem_shared>> -> memref<10240xf32, #tpu.memory_space<vmem_shared>>
      tpu.wait_indirect_dma semaphore(%arg11 : memref<!tpu.dma_semaphore, #tpu.memory_space<semaphore_mem>>) src(%arg13 : memref<128xf32, #tpu.memory_space<vmem>>) dst(%dma_wait3A_360 : memref<10240xf32, #tpu.memory_space<vmem_shared>>)
      %dma_wait3A_361 = arith.constant 0 : i32
      %dma_wait3A_362 = tpu.memref_slice %arg15[%dma_wait3A_361] : memref<10240xf32, #tpu.memory_space<vmem_shared>> -> memref<10240xf32, #tpu.memory_space<vmem_shared>>
      tpu.wait_indirect_dma semaphore(%arg12 : memref<!tpu.dma_semaphore, #tpu.memory_space<semaphore_mem>>) src(%arg13 : memref<128xf32, #tpu.memory_space<vmem>>) dst(%dma_wait3A_362 : memref<10240xf32, #tpu.memory_space<vmem_shared>>)
    }
    %scan3A_295 = arith.constant 20 : i32
    %barrier3A_296 = arith.constant 0 : index
    tpu.barrier barrier_id(%barrier3A_296)
    %eq3A = arith.constant 0 : i32
    %eq3A_297 = arith.cmpi eq, %arg0, %eq3A : i32
    %convert_element_type3A = arith.extui %eq3A_297 : i1 to i32
    %cond3A = arith.constant 0 : i32
    %cond3A_298 = arith.cmpi ne, %convert_element_type3A, %cond3A : i32
    scf.if %cond3A_298 {
      %mul3A_304 = arith.constant 640 : i32
      %mul3A_305 = arith.muli %arg1, %mul3A_304 : i32
      %mul3A_306 = arith.constant 640 : i32
      %mul3A_307 = arith.muli %arg1, %mul3A_306 : i32
      "tpu.region"() ({
        %run_scoped3A = tpu.sem_alloc : memref<!tpu.dma_semaphore, #tpu.memory_space<semaphore_mem>>
        %dma_start3A = tpu.memref_slice %arg3[%mul3A_307] : memref<10240xf32, #tpu.memory_space<hbm>> -> memref<640xf32, #tpu.memory_space<hbm>>
        %dma_start3A_308 = tpu.memref_slice %arg15[%mul3A_305] : memref<10240xf32, #tpu.memory_space<vmem_shared>> -> memref<640xf32, #tpu.memory_space<vmem_shared>>
        tpu.enqueue_dma source(%dma_start3A_308 : memref<640xf32, #tpu.memory_space<vmem_shared>>) target(%dma_start3A : memref<640xf32, #tpu.memory_space<hbm>>) target_semaphore(%run_scoped3A : memref<!tpu.dma_semaphore, #tpu.memory_space<semaphore_mem>>)
        %dma_wait3A = tpu.memref_slice %arg3[%mul3A_307] : memref<10240xf32, #tpu.memory_space<hbm>> -> memref<640xf32, #tpu.memory_space<hbm>>
        %dma_wait3A_309 = tpu.memref_slice %arg15[%mul3A_305] : memref<10240xf32, #tpu.memory_space<vmem_shared>> -> memref<640xf32, #tpu.memory_space<vmem_shared>>
        tpu.wait_dma2 semaphore(%run_scoped3A : memref<!tpu.dma_semaphore, #tpu.memory_space<semaphore_mem>>) src(%dma_wait3A_309 : memref<640xf32, #tpu.memory_space<vmem_shared>>) dst(%dma_wait3A : memref<640xf32, #tpu.memory_space<hbm>>)
        tpu.yield
      }) : () -> ()
    } else {
    }
    %eq3A_299 = arith.constant 1 : i32
    %eq3A_300 = arith.cmpi eq, %arg0, %eq3A_299 : i32
    %convert_element_type3A_301 = arith.extui %eq3A_300 : i1 to i32
    %cond3A_302 = arith.constant 0 : i32
    %cond3A_303 = arith.cmpi ne, %convert_element_type3A_301, %cond3A_302 : i32
    scf.if %cond3A_303 {
      %mul3A_304 = arith.constant 640 : i32
      %mul3A_305 = arith.muli %arg1, %mul3A_304 : i32
      %mul3A_306 = arith.constant 640 : i32
      %mul3A_307 = arith.muli %arg1, %mul3A_306 : i32
      "tpu.region"() ({
        %run_scoped3A = tpu.sem_alloc : memref<!tpu.dma_semaphore, #tpu.memory_space<semaphore_mem>>
        %dma_start3A = tpu.memref_slice %arg4[%mul3A_307] : memref<10240xf32, #tpu.memory_space<hbm>> -> memref<640xf32, #tpu.memory_space<hbm>>
        %dma_start3A_308 = tpu.memref_slice %arg15[%mul3A_305] : memref<10240xf32, #tpu.memory_space<vmem_shared>> -> memref<640xf32, #tpu.memory_space<vmem_shared>>
        tpu.enqueue_dma source(%dma_start3A_308 : memref<640xf32, #tpu.memory_space<vmem_shared>>) target(%dma_start3A : memref<640xf32, #tpu.memory_space<hbm>>) target_semaphore(%run_scoped3A : memref<!tpu.dma_semaphore, #tpu.memory_space<semaphore_mem>>)
        %dma_wait3A = tpu.memref_slice %arg4[%mul3A_307] : memref<10240xf32, #tpu.memory_space<hbm>> -> memref<640xf32, #tpu.memory_space<hbm>>
        %dma_wait3A_309 = tpu.memref_slice %arg15[%mul3A_305] : memref<10240xf32, #tpu.memory_space<vmem_shared>> -> memref<640xf32, #tpu.memory_space<vmem_shared>>
        tpu.wait_dma2 semaphore(%run_scoped3A : memref<!tpu.dma_semaphore, #tpu.memory_space<semaphore_mem>>) src(%dma_wait3A_309 : memref<640xf32, #tpu.memory_space<vmem_shared>>) dst(%dma_wait3A : memref<640xf32, #tpu.memory_space<hbm>>)
        tpu.yield
      }) : () -> ()
    } else {
    }
    return
  }
}

#map = affine_map<(d0, d1) -> (0, 0)>
#map1 = affine_map<(d0, d1) -> (0)>
module attributes {stable_mosaic.version = 14 : i64} {
  func.func @agg_kernel(%arg0: i32, %arg1: i32, %arg2: memref<10240x128xf32, #tpu.memory_space<hbm>>, %arg3: memref<327680xi32, #tpu.memory_space<hbm>>, %arg4: memref<327680xi32, #tpu.memory_space<hbm>>, %arg5: memref<10240x128xf32, #tpu.memory_space<hbm>>, %arg6: memref<10240x128xf32, #tpu.memory_space<hbm>>, %arg7: memref<80xi32, #tpu.memory_space<vmem>>, %arg8: memref<80xi32, #tpu.memory_space<vmem>>, %arg9: memref<80xi32, #tpu.memory_space<vmem>>, %arg10: memref<80xi32, #tpu.memory_space<vmem>>, %arg11: memref<80xi32, #tpu.memory_space<vmem>>, %arg12: memref<80xi32, #tpu.memory_space<vmem>>, %arg13: memref<80xi32, #tpu.memory_space<vmem>>, %arg14: memref<80xi32, #tpu.memory_space<vmem>>, %arg15: memref<80x128xf32, #tpu.memory_space<vmem>>, %arg16: memref<80x128xf32, #tpu.memory_space<vmem>>, %arg17: memref<!tpu.dma_semaphore, #tpu.memory_space<semaphore_mem>>, %arg18: memref<!tpu.dma_semaphore, #tpu.memory_space<semaphore_mem>>, %arg19: memref<!tpu.dma_semaphore, #tpu.memory_space<semaphore_mem>>, %arg20: memref<!tpu.dma_semaphore, #tpu.memory_space<semaphore_mem>>, %arg21: memref<!tpu.dma_semaphore, #tpu.memory_space<semaphore_mem>>, %arg22: memref<!tpu.dma_semaphore, #tpu.memory_space<semaphore_mem>>, %arg23: memref<!tpu.dma_semaphore, #tpu.memory_space<semaphore_mem>>, %arg24: memref<10240x128xf32, #tpu.memory_space<vmem_shared>>) attributes {dimension_semantics = [#tpu.dimension_semantics<core_parallel>, #tpu.dimension_semantics<subcore_parallel>], iteration_bounds = array<i64: 2, 16>, scalar_prefetch = 0 : i64, scratch_operands = 18 : i64, tpu.core_type = #tpu.core_type<sc_vector_subcore>, window_params = [{transform_indices = #map}, {transform_indices = #map1}, {transform_indices = #map1}, {transform_indices = #map}, {transform_indices = #map}]} {
    %mul3A = arith.constant 16 : i32
    %mul3A_0 = arith.muli %arg0, %mul3A : i32
    %add3A = arith.addi %mul3A_0, %arg1 : i32
    %mul3A_1 = arith.constant 10240 : i32
    %mul3A_2 = arith.muli %add3A, %mul3A_1 : i32
    %scan3A = arith.constant 0 : i32
    %scan3A_3 = arith.constant 0 : i32
    %scan3A_4 = arith.constant 640 : i32
    %scan3A_5 = arith.addi %scan3A_3, %scan3A_4 : i32
    %scan3A_6 = arith.constant 1 : i32
    scf.for %scan3A_32 = %scan3A_3 to %scan3A_5 step %scan3A_6  : i32 {
      %broadcast_in_dim3A = arith.constant 0.000000e+00 : f32
      %broadcast_in_dim3A_33 = vector.broadcast %broadcast_in_dim3A : f32 to vector<16xf32>
      %jit3A = arith.constant 8 : i32
      %div3A = arith.divsi %scan3A_32, %jit3A : i32
      %sign3A = arith.constant 0 : i32
      %sign3A_34 = arith.cmpi sgt, %scan3A_32, %sign3A : i32
      %sign3A_35 = arith.extui %sign3A_34 : i1 to i32
      %sign3A_36 = arith.constant 0 : i32
      %sign3A_37 = arith.cmpi slt, %scan3A_32, %sign3A_36 : i32
      %sign3A_38 = arith.extui %sign3A_37 : i1 to i32
      %sign3A_39 = arith.subi %sign3A_35, %sign3A_38 : i32
      %sign3A_40 = arith.constant 0 : i32
      %sign3A_41 = arith.cmpi sgt, %jit3A, %sign3A_40 : i32
      %sign3A_42 = arith.extui %sign3A_41 : i1 to i32
      %sign3A_43 = arith.constant 0 : i32
      %sign3A_44 = arith.cmpi slt, %jit3A, %sign3A_43 : i32
      %sign3A_45 = arith.extui %sign3A_44 : i1 to i32
      %sign3A_46 = arith.subi %sign3A_42, %sign3A_45 : i32
      %ne3A = arith.cmpi ne, %sign3A_39, %sign3A_46 : i32
      %rem3A = arith.remsi %scan3A_32, %jit3A : i32
      %ne3A_47 = arith.constant 0 : i32
      %ne3A_48 = arith.cmpi ne, %rem3A, %ne3A_47 : i32
      %and3A = arith.andi %ne3A, %ne3A_48 : i1
      %sub3A = arith.constant 1 : i32
      %sub3A_49 = arith.subi %div3A, %sub3A : i32
      %select_n3A = arith.select %and3A, %sub3A_49, %div3A : i32
      %jit3A_50 = arith.constant 8 : i32
      %eq3A_51 = arith.constant 0 : i32
      %eq3A_52 = arith.cmpi eq, %jit3A_50, %eq3A_51 : i32
      %jit3A_53 = arith.constant 1 : i32
      %select_n3A_54 = arith.select %eq3A_52, %jit3A_53, %jit3A_50 : i32
      %rem3A_55 = arith.remsi %scan3A_32, %select_n3A_54 : i32
      %ne3A_56 = arith.constant 0 : i32
      %ne3A_57 = arith.cmpi ne, %rem3A_55, %ne3A_56 : i32
      %lt3A = arith.constant 0 : i32
      %lt3A_58 = arith.cmpi slt, %rem3A_55, %lt3A : i32
      %lt3A_59 = arith.constant 0 : i32
      %lt3A_60 = arith.cmpi slt, %select_n3A_54, %lt3A_59 : i32
      %ne3A_61 = arith.xori %lt3A_58, %lt3A_60 : i1
      %and3A_62 = arith.andi %ne3A_61, %ne3A_57 : i1
      %add3A_63 = arith.addi %rem3A_55, %select_n3A_54 : i32
      %select_n3A_64 = arith.select %and3A_62, %add3A_63, %rem3A_55 : i32
      %mul3A_65 = arith.constant 16 : i32
      %mul3A_66 = arith.muli %select_n3A_64, %mul3A_65 : i32
      %swap3A = arith.index_cast %select_n3A : i32 to index
      %swap3A_67 = arith.index_cast %mul3A_66 : i32 to index
      %swap3A_68 = tpu.vector_load %arg15[%swap3A, %swap3A_67] {strides = array<i32>} : memref<80x128xf32, #tpu.memory_space<vmem>>, vector<1x16xf32>,
      %swap3A_69 = vector.shape_cast %swap3A_68 : vector<1x16xf32> to vector<16xf32>
      %swap3A_70 = vector.shape_cast %broadcast_in_dim3A_33 : vector<16xf32> to vector<1x16xf32>
      tpu.vector_store %arg15[%swap3A, %swap3A_67], %swap3A_70 {strides = array<i32>} : memref<80x128xf32, #tpu.memory_space<vmem>>, vector<1x16xf32>,
    }
    %scan3A_7 = arith.constant 640 : i32
    %scan3A_8 = arith.constant 0 : i32
    %scan3A_9 = arith.constant 0 : i32
    %scan3A_10 = arith.constant 8 : i32
    %scan3A_11 = arith.addi %scan3A_9, %scan3A_10 : i32
    %scan3A_12 = arith.constant 1 : i32
    scf.for %scan3A_32 = %scan3A_9 to %scan3A_11 step %scan3A_12  : i32 {
      %mul3A_33 = arith.constant 640 : i32
      %mul3A_34 = arith.muli %arg1, %mul3A_33 : i32
      %mul3A_35 = arith.constant 80 : i32
      %mul3A_36 = arith.muli %scan3A_32, %mul3A_35 : i32
      %add3A_37 = arith.addi %mul3A_34, %mul3A_36 : i32
      "tpu.region"() ({
        %run_scoped3A = tpu.sem_alloc : memref<!tpu.dma_semaphore, #tpu.memory_space<semaphore_mem>>
        %dma_start3A = arith.constant 0 : i32
        %dma_start3A_38 = tpu.memref_slice %arg24[%add3A_37, %dma_start3A] : memref<10240x128xf32, #tpu.memory_space<vmem_shared>> -> memref<80x128xf32, #tpu.memory_space<vmem_shared>>
        %dma_start3A_39 = arith.constant 0 : i32
        %dma_start3A_40 = tpu.memref_slice %arg24[%add3A_37, %dma_start3A_39] : memref<10240x128xf32, #tpu.memory_space<vmem_shared>> -> memref<80x128xf32, #tpu.memory_space<vmem_shared>>
        tpu.enqueue_dma source(%arg15 : memref<80x128xf32, #tpu.memory_space<vmem>>) target(%dma_start3A_40 : memref<80x128xf32, #tpu.memory_space<vmem_shared>>) target_semaphore(%run_scoped3A : memref<!tpu.dma_semaphore, #tpu.memory_space<semaphore_mem>>)
        %dma_wait3A = arith.constant 0 : i32
        %dma_wait3A_41 = tpu.memref_slice %arg24[%add3A_37, %dma_wait3A] : memref<10240x128xf32, #tpu.memory_space<vmem_shared>> -> memref<80x128xf32, #tpu.memory_space<vmem_shared>>
        %dma_wait3A_42 = arith.constant 0 : i32
        %dma_wait3A_43 = tpu.memref_slice %arg24[%add3A_37, %dma_wait3A_42] : memref<10240x128xf32, #tpu.memory_space<vmem_shared>> -> memref<80x128xf32, #tpu.memory_space<vmem_shared>>
        tpu.wait_dma2 semaphore(%run_scoped3A : memref<!tpu.dma_semaphore, #tpu.memory_space<semaphore_mem>>) src(%arg15 : memref<80x128xf32, #tpu.memory_space<vmem>>) dst(%dma_wait3A_43 : memref<80x128xf32, #tpu.memory_space<vmem_shared>>)
        tpu.yield
      }) : () -> ()
    }
    %scan3A_13 = arith.constant 8 : i32
    %barrier3A = arith.constant 0 : index
    tpu.barrier barrier_id(%barrier3A)
    %eq3A = arith.constant 0 : i32
    %eq3A_14 = arith.cmpi eq, %arg0, %eq3A : i32
    %convert_element_type3A = arith.extui %eq3A_14 : i1 to i32
    %cond3A = arith.constant 0 : i32
    %cond3A_15 = arith.cmpi ne, %convert_element_type3A, %cond3A : i32
    scf.if %cond3A_15 {
      %mul3A_32 = arith.constant 10240 : i32
      %mul3A_33 = arith.muli %arg1, %mul3A_32 : i32
      %scan3A_34 = arith.constant 0 : i32
      %scan3A_35 = arith.constant 0 : i32
      %scan3A_36 = arith.constant 128 : i32
      %scan3A_37 = arith.addi %scan3A_35, %scan3A_36 : i32
      %scan3A_38 = arith.constant 1 : i32
      scf.for %scan3A_40 = %scan3A_35 to %scan3A_37 step %scan3A_38  : i32 {
        %mul3A_41 = arith.constant 80 : i32
        %mul3A_42 = arith.muli %scan3A_40, %mul3A_41 : i32
        %add3A_43 = arith.addi %mul3A_33, %mul3A_42 : i32
        %dma_start3A = tpu.memref_slice %arg3[%add3A_43] : memref<327680xi32, #tpu.memory_space<hbm>> -> memref<80xi32, #tpu.memory_space<hbm>>
        %dma_start3A_44 = tpu.memref_slice %arg3[%add3A_43] : memref<327680xi32, #tpu.memory_space<hbm>> -> memref<80xi32, #tpu.memory_space<hbm>>
        tpu.enqueue_dma source(%dma_start3A_44 : memref<80xi32, #tpu.memory_space<hbm>>) target(%arg7 : memref<80xi32, #tpu.memory_space<vmem>>) target_semaphore(%arg17 : memref<!tpu.dma_semaphore, #tpu.memory_space<semaphore_mem>>)
        %mul3A_45 = arith.constant 80 : i32
        %mul3A_46 = arith.muli %scan3A_40, %mul3A_45 : i32
        %add3A_47 = arith.addi %mul3A_33, %mul3A_46 : i32
        %dma_start3A_48 = tpu.memref_slice %arg4[%add3A_47] : memref<327680xi32, #tpu.memory_space<hbm>> -> memref<80xi32, #tpu.memory_space<hbm>>
        %dma_start3A_49 = tpu.memref_slice %arg4[%add3A_47] : memref<327680xi32, #tpu.memory_space<hbm>> -> memref<80xi32, #tpu.memory_space<hbm>>
        tpu.enqueue_dma source(%dma_start3A_49 : memref<80xi32, #tpu.memory_space<hbm>>) target(%arg11 : memref<80xi32, #tpu.memory_space<vmem>>) target_semaphore(%arg17 : memref<!tpu.dma_semaphore, #tpu.memory_space<semaphore_mem>>)
        %dma_wait3A = arith.constant 0 : i32
        %dma_wait3A_50 = tpu.memref_slice %arg3[%dma_wait3A] : memref<327680xi32, #tpu.memory_space<hbm>> -> memref<80xi32, #tpu.memory_space<hbm>>
        %dma_wait3A_51 = arith.constant 0 : i32
        %dma_wait3A_52 = tpu.memref_slice %arg3[%dma_wait3A_51] : memref<327680xi32, #tpu.memory_space<hbm>> -> memref<80xi32, #tpu.memory_space<hbm>>
        tpu.wait_dma2 semaphore(%arg17 : memref<!tpu.dma_semaphore, #tpu.memory_space<semaphore_mem>>) src(%dma_wait3A_52 : memref<80xi32, #tpu.memory_space<hbm>>) dst(%arg7 : memref<80xi32, #tpu.memory_space<vmem>>)
        %dma_wait3A_53 = arith.constant 0 : i32
        %dma_wait3A_54 = tpu.memref_slice %arg3[%dma_wait3A_53] : memref<327680xi32, #tpu.memory_space<hbm>> -> memref<80xi32, #tpu.memory_space<hbm>>
        %dma_wait3A_55 = arith.constant 0 : i32
        %dma_wait3A_56 = tpu.memref_slice %arg3[%dma_wait3A_55] : memref<327680xi32, #tpu.memory_space<hbm>> -> memref<80xi32, #tpu.memory_space<hbm>>
        tpu.wait_dma2 semaphore(%arg17 : memref<!tpu.dma_semaphore, #tpu.memory_space<semaphore_mem>>) src(%dma_wait3A_56 : memref<80xi32, #tpu.memory_space<hbm>>) dst(%arg11 : memref<80xi32, #tpu.memory_space<vmem>>)
        %dma_start3A_57 = arith.constant 0 : i32
        %dma_start3A_58 = arith.constant 0 : i32
        %dma_start3A_59 = tpu.memref_slice %arg2[%dma_start3A_57, %dma_start3A_58] : memref<10240x128xf32, #tpu.memory_space<hbm>> -> memref<10240x128xf32, #tpu.memory_space<hbm>>
        tpu.enqueue_indirect_dma source(%dma_start3A_59 : memref<10240x128xf32, #tpu.memory_space<hbm>>) target(%arg15 : memref<80x128xf32, #tpu.memory_space<vmem>>) offsets(%arg7 : memref<80xi32, #tpu.memory_space<vmem>>) semaphore(%arg23 : memref<!tpu.dma_semaphore, #tpu.memory_space<semaphore_mem>>)
        %dma_wait3A_60 = arith.constant 0 : i32
        %dma_wait3A_61 = arith.constant 0 : i32
        %dma_wait3A_62 = tpu.memref_slice %arg2[%dma_wait3A_60, %dma_wait3A_61] : memref<10240x128xf32, #tpu.memory_space<hbm>> -> memref<10240x128xf32, #tpu.memory_space<hbm>>
        tpu.wait_indirect_dma semaphore(%arg23 : memref<!tpu.dma_semaphore, #tpu.memory_space<semaphore_mem>>) src(%dma_wait3A_62 : memref<10240x128xf32, #tpu.memory_space<hbm>>) dst(%arg15 : memref<80x128xf32, #tpu.memory_space<vmem>>)
        "tpu.region"() ({
          %run_scoped3A = tpu.sem_alloc : memref<!tpu.dma_semaphore, #tpu.memory_space<semaphore_mem>>
          %dma_start3A_63 = arith.constant 0 : i32
          %dma_start3A_64 = arith.constant 0 : i32
          %dma_start3A_65 = tpu.memref_slice %arg24[%dma_start3A_63, %dma_start3A_64] : memref<10240x128xf32, #tpu.memory_space<vmem_shared>> -> memref<10240x128xf32, #tpu.memory_space<vmem_shared>>
          tpu.enqueue_indirect_dma source(%arg15 : memref<80x128xf32, #tpu.memory_space<vmem>>) target(%dma_start3A_65 : memref<10240x128xf32, #tpu.memory_space<vmem_shared>>) offsets(%arg11 : memref<80xi32, #tpu.memory_space<vmem>>) semaphore(%run_scoped3A : memref<!tpu.dma_semaphore, #tpu.memory_space<semaphore_mem>>) {add = true}
          %dma_wait3A_66 = arith.constant 0 : i32
          %dma_wait3A_67 = arith.constant 0 : i32
          %dma_wait3A_68 = tpu.memref_slice %arg24[%dma_wait3A_66, %dma_wait3A_67] : memref<10240x128xf32, #tpu.memory_space<vmem_shared>> -> memref<10240x128xf32, #tpu.memory_space<vmem_shared>>
          tpu.wait_indirect_dma semaphore(%run_scoped3A : memref<!tpu.dma_semaphore, #tpu.memory_space<semaphore_mem>>) src(%arg15 : memref<80x128xf32, #tpu.memory_space<vmem>>) dst(%dma_wait3A_68 : memref<10240x128xf32, #tpu.memory_space<vmem_shared>>)
          tpu.yield
        }) : () -> ()
      }
      %scan3A_39 = arith.constant 128 : i32
    } else {
    }
    %eq3A_16 = arith.constant 1 : i32
    %eq3A_17 = arith.cmpi eq, %arg0, %eq3A_16 : i32
    %convert_element_type3A_18 = arith.extui %eq3A_17 : i1 to i32
    %cond3A_19 = arith.constant 0 : i32
    %cond3A_20 = arith.cmpi ne, %convert_element_type3A_18, %cond3A_19 : i32
    scf.if %cond3A_20 {
      %mul3A_32 = arith.constant 10240 : i32
      %mul3A_33 = arith.muli %arg1, %mul3A_32 : i32
      %add3A_34 = arith.constant 163840 : i32
      %add3A_35 = arith.addi %add3A_34, %mul3A_33 : i32
      %scan3A_36 = arith.constant 0 : i32
      %scan3A_37 = arith.constant 0 : i32
      %scan3A_38 = arith.constant 128 : i32
      %scan3A_39 = arith.addi %scan3A_37, %scan3A_38 : i32
      %scan3A_40 = arith.constant 1 : i32
      scf.for %scan3A_42 = %scan3A_37 to %scan3A_39 step %scan3A_40  : i32 {
        %mul3A_43 = arith.constant 80 : i32
        %mul3A_44 = arith.muli %scan3A_42, %mul3A_43 : i32
        %add3A_45 = arith.addi %add3A_35, %mul3A_44 : i32
        %dma_start3A = tpu.memref_slice %arg3[%add3A_45] : memref<327680xi32, #tpu.memory_space<hbm>> -> memref<80xi32, #tpu.memory_space<hbm>>
        %dma_start3A_46 = tpu.memref_slice %arg3[%add3A_45] : memref<327680xi32, #tpu.memory_space<hbm>> -> memref<80xi32, #tpu.memory_space<hbm>>
        tpu.enqueue_dma source(%dma_start3A_46 : memref<80xi32, #tpu.memory_space<hbm>>) target(%arg7 : memref<80xi32, #tpu.memory_space<vmem>>) target_semaphore(%arg17 : memref<!tpu.dma_semaphore, #tpu.memory_space<semaphore_mem>>)
        %mul3A_47 = arith.constant 80 : i32
        %mul3A_48 = arith.muli %scan3A_42, %mul3A_47 : i32
        %add3A_49 = arith.addi %add3A_35, %mul3A_48 : i32
        %dma_start3A_50 = tpu.memref_slice %arg4[%add3A_49] : memref<327680xi32, #tpu.memory_space<hbm>> -> memref<80xi32, #tpu.memory_space<hbm>>
        %dma_start3A_51 = tpu.memref_slice %arg4[%add3A_49] : memref<327680xi32, #tpu.memory_space<hbm>> -> memref<80xi32, #tpu.memory_space<hbm>>
        tpu.enqueue_dma source(%dma_start3A_51 : memref<80xi32, #tpu.memory_space<hbm>>) target(%arg11 : memref<80xi32, #tpu.memory_space<vmem>>) target_semaphore(%arg17 : memref<!tpu.dma_semaphore, #tpu.memory_space<semaphore_mem>>)
        %dma_wait3A = arith.constant 0 : i32
        %dma_wait3A_52 = tpu.memref_slice %arg3[%dma_wait3A] : memref<327680xi32, #tpu.memory_space<hbm>> -> memref<80xi32, #tpu.memory_space<hbm>>
        %dma_wait3A_53 = arith.constant 0 : i32
        %dma_wait3A_54 = tpu.memref_slice %arg3[%dma_wait3A_53] : memref<327680xi32, #tpu.memory_space<hbm>> -> memref<80xi32, #tpu.memory_space<hbm>>
        tpu.wait_dma2 semaphore(%arg17 : memref<!tpu.dma_semaphore, #tpu.memory_space<semaphore_mem>>) src(%dma_wait3A_54 : memref<80xi32, #tpu.memory_space<hbm>>) dst(%arg7 : memref<80xi32, #tpu.memory_space<vmem>>)
        %dma_wait3A_55 = arith.constant 0 : i32
        %dma_wait3A_56 = tpu.memref_slice %arg3[%dma_wait3A_55] : memref<327680xi32, #tpu.memory_space<hbm>> -> memref<80xi32, #tpu.memory_space<hbm>>
        %dma_wait3A_57 = arith.constant 0 : i32
        %dma_wait3A_58 = tpu.memref_slice %arg3[%dma_wait3A_57] : memref<327680xi32, #tpu.memory_space<hbm>> -> memref<80xi32, #tpu.memory_space<hbm>>
        tpu.wait_dma2 semaphore(%arg17 : memref<!tpu.dma_semaphore, #tpu.memory_space<semaphore_mem>>) src(%dma_wait3A_58 : memref<80xi32, #tpu.memory_space<hbm>>) dst(%arg11 : memref<80xi32, #tpu.memory_space<vmem>>)
        %dma_start3A_59 = arith.constant 0 : i32
        %dma_start3A_60 = arith.constant 0 : i32
        %dma_start3A_61 = tpu.memref_slice %arg2[%dma_start3A_59, %dma_start3A_60] : memref<10240x128xf32, #tpu.memory_space<hbm>> -> memref<10240x128xf32, #tpu.memory_space<hbm>>
        tpu.enqueue_indirect_dma source(%dma_start3A_61 : memref<10240x128xf32, #tpu.memory_space<hbm>>) target(%arg15 : memref<80x128xf32, #tpu.memory_space<vmem>>) offsets(%arg7 : memref<80xi32, #tpu.memory_space<vmem>>) semaphore(%arg23 : memref<!tpu.dma_semaphore, #tpu.memory_space<semaphore_mem>>)
        %dma_wait3A_62 = arith.constant 0 : i32
        %dma_wait3A_63 = arith.constant 0 : i32
        %dma_wait3A_64 = tpu.memref_slice %arg2[%dma_wait3A_62, %dma_wait3A_63] : memref<10240x128xf32, #tpu.memory_space<hbm>> -> memref<10240x128xf32, #tpu.memory_space<hbm>>
        tpu.wait_indirect_dma semaphore(%arg23 : memref<!tpu.dma_semaphore, #tpu.memory_space<semaphore_mem>>) src(%dma_wait3A_64 : memref<10240x128xf32, #tpu.memory_space<hbm>>) dst(%arg15 : memref<80x128xf32, #tpu.memory_space<vmem>>)
        "tpu.region"() ({
          %run_scoped3A = tpu.sem_alloc : memref<!tpu.dma_semaphore, #tpu.memory_space<semaphore_mem>>
          %dma_start3A_65 = arith.constant 0 : i32
          %dma_start3A_66 = arith.constant 0 : i32
          %dma_start3A_67 = tpu.memref_slice %arg24[%dma_start3A_65, %dma_start3A_66] : memref<10240x128xf32, #tpu.memory_space<vmem_shared>> -> memref<10240x128xf32, #tpu.memory_space<vmem_shared>>
          tpu.enqueue_indirect_dma source(%arg15 : memref<80x128xf32, #tpu.memory_space<vmem>>) target(%dma_start3A_67 : memref<10240x128xf32, #tpu.memory_space<vmem_shared>>) offsets(%arg11 : memref<80xi32, #tpu.memory_space<vmem>>) semaphore(%run_scoped3A : memref<!tpu.dma_semaphore, #tpu.memory_space<semaphore_mem>>) {add = true}
          %dma_wait3A_68 = arith.constant 0 : i32
          %dma_wait3A_69 = arith.constant 0 : i32
          %dma_wait3A_70 = tpu.memref_slice %arg24[%dma_wait3A_68, %dma_wait3A_69] : memref<10240x128xf32, #tpu.memory_space<vmem_shared>> -> memref<10240x128xf32, #tpu.memory_space<vmem_shared>>
          tpu.wait_indirect_dma semaphore(%run_scoped3A : memref<!tpu.dma_semaphore, #tpu.memory_space<semaphore_mem>>) src(%arg15 : memref<80x128xf32, #tpu.memory_space<vmem>>) dst(%dma_wait3A_70 : memref<10240x128xf32, #tpu.memory_space<vmem_shared>>)
          tpu.yield
        }) : () -> ()
      }
      %scan3A_41 = arith.constant 128 : i32
    } else {
    }
    %barrier3A_21 = arith.constant 0 : index
    tpu.barrier barrier_id(%barrier3A_21)
    %eq3A_22 = arith.constant 0 : i32
    %eq3A_23 = arith.cmpi eq, %arg0, %eq3A_22 : i32
    %convert_element_type3A_24 = arith.extui %eq3A_23 : i1 to i32
    %cond3A_25 = arith.constant 0 : i32
    %cond3A_26 = arith.cmpi ne, %convert_element_type3A_24, %cond3A_25 : i32
    scf.if %cond3A_26 {
      %mul3A_32 = arith.constant 640 : i32
      %mul3A_33 = arith.muli %arg1, %mul3A_32 : i32
      %mul3A_34 = arith.constant 640 : i32
      %mul3A_35 = arith.muli %arg1, %mul3A_34 : i32
      "tpu.region"() ({
        %run_scoped3A = tpu.sem_alloc : memref<!tpu.dma_semaphore, #tpu.memory_space<semaphore_mem>>
        %dma_start3A = arith.constant 0 : i32
        %dma_start3A_36 = tpu.memref_slice %arg5[%mul3A_35, %dma_start3A] : memref<10240x128xf32, #tpu.memory_space<hbm>> -> memref<640x128xf32, #tpu.memory_space<hbm>>
        %dma_start3A_37 = arith.constant 0 : i32
        %dma_start3A_38 = tpu.memref_slice %arg24[%mul3A_33, %dma_start3A_37] : memref<10240x128xf32, #tpu.memory_space<vmem_shared>> -> memref<640x128xf32, #tpu.memory_space<vmem_shared>>
        tpu.enqueue_dma source(%dma_start3A_38 : memref<640x128xf32, #tpu.memory_space<vmem_shared>>) target(%dma_start3A_36 : memref<640x128xf32, #tpu.memory_space<hbm>>) target_semaphore(%run_scoped3A : memref<!tpu.dma_semaphore, #tpu.memory_space<semaphore_mem>>)
        %dma_wait3A = arith.constant 0 : i32
        %dma_wait3A_39 = tpu.memref_slice %arg5[%mul3A_35, %dma_wait3A] : memref<10240x128xf32, #tpu.memory_space<hbm>> -> memref<640x128xf32, #tpu.memory_space<hbm>>
        %dma_wait3A_40 = arith.constant 0 : i32
        %dma_wait3A_41 = tpu.memref_slice %arg24[%mul3A_33, %dma_wait3A_40] : memref<10240x128xf32, #tpu.memory_space<vmem_shared>> -> memref<640x128xf32, #tpu.memory_space<vmem_shared>>
        tpu.wait_dma2 semaphore(%run_scoped3A : memref<!tpu.dma_semaphore, #tpu.memory_space<semaphore_mem>>) src(%dma_wait3A_41 : memref<640x128xf32, #tpu.memory_space<vmem_shared>>) dst(%dma_wait3A_39 : memref<640x128xf32, #tpu.memory_space<hbm>>)
        tpu.yield
      }) : () -> ()
    } else {
    }
    %eq3A_27 = arith.constant 1 : i32
    %eq3A_28 = arith.cmpi eq, %arg0, %eq3A_27 : i32
    %convert_element_type3A_29 = arith.extui %eq3A_28 : i1 to i32
    %cond3A_30 = arith.constant 0 : i32
    %cond3A_31 = arith.cmpi ne, %convert_element_type3A_29, %cond3A_30 : i32
    scf.if %cond3A_31 {
      %mul3A_32 = arith.constant 640 : i32
      %mul3A_33 = arith.muli %arg1, %mul3A_32 : i32
      %mul3A_34 = arith.constant 640 : i32
      %mul3A_35 = arith.muli %arg1, %mul3A_34 : i32
      "tpu.region"() ({
        %run_scoped3A = tpu.sem_alloc : memref<!tpu.dma_semaphore, #tpu.memory_space<semaphore_mem>>
        %dma_start3A = arith.constant 0 : i32
        %dma_start3A_36 = tpu.memref_slice %arg6[%mul3A_35, %dma_start3A] : memref<10240x128xf32, #tpu.memory_space<hbm>> -> memref<640x128xf32, #tpu.memory_space<hbm>>
        %dma_start3A_37 = arith.constant 0 : i32
        %dma_start3A_38 = tpu.memref_slice %arg24[%mul3A_33, %dma_start3A_37] : memref<10240x128xf32, #tpu.memory_space<vmem_shared>> -> memref<640x128xf32, #tpu.memory_space<vmem_shared>>
        tpu.enqueue_dma source(%dma_start3A_38 : memref<640x128xf32, #tpu.memory_space<vmem_shared>>) target(%dma_start3A_36 : memref<640x128xf32, #tpu.memory_space<hbm>>) target_semaphore(%run_scoped3A : memref<!tpu.dma_semaphore, #tpu.memory_space<semaphore_mem>>)
        %dma_wait3A = arith.constant 0 : i32
        %dma_wait3A_39 = tpu.memref_slice %arg6[%mul3A_35, %dma_wait3A] : memref<10240x128xf32, #tpu.memory_space<hbm>> -> memref<640x128xf32, #tpu.memory_space<hbm>>
        %dma_wait3A_40 = arith.constant 0 : i32
        %dma_wait3A_41 = tpu.memref_slice %arg24[%mul3A_33, %dma_wait3A_40] : memref<10240x128xf32, #tpu.memory_space<vmem_shared>> -> memref<640x128xf32, #tpu.memory_space<vmem_shared>>
        tpu.wait_dma2 semaphore(%run_scoped3A : memref<!tpu.dma_semaphore, #tpu.memory_space<semaphore_mem>>) src(%dma_wait3A_41 : memref<640x128xf32, #tpu.memory_space<vmem_shared>>) dst(%dma_wait3A_39 : memref<640x128xf32, #tpu.memory_space<hbm>>)
        tpu.yield
      }) : () -> ()
    } else {
    }
    return
  }
}

#map = affine_map<(d0, d1) -> (0)>
module attributes {stable_mosaic.version = 14 : i64} {
  func.func @aggs_kernel(%arg0: i32, %arg1: i32, %arg2: memref<10240xf32, #tpu.memory_space<hbm>>, %arg3: memref<327680xi32, #tpu.memory_space<hbm>>, %arg4: memref<327680xi32, #tpu.memory_space<hbm>>, %arg5: memref<10240xf32, #tpu.memory_space<hbm>>, %arg6: memref<10240xf32, #tpu.memory_space<hbm>>, %arg7: memref<128xi32, #tpu.memory_space<vmem>>, %arg8: memref<128xi32, #tpu.memory_space<vmem>>, %arg9: memref<128xi32, #tpu.memory_space<vmem>>, %arg10: memref<128xi32, #tpu.memory_space<vmem>>, %arg11: memref<128xi32, #tpu.memory_space<vmem>>, %arg12: memref<128xi32, #tpu.memory_space<vmem>>, %arg13: memref<128xi32, #tpu.memory_space<vmem>>, %arg14: memref<128xi32, #tpu.memory_space<vmem>>, %arg15: memref<128xf32, #tpu.memory_space<vmem>>, %arg16: memref<128xf32, #tpu.memory_space<vmem>>, %arg17: memref<128xf32, #tpu.memory_space<vmem>>, %arg18: memref<128xf32, #tpu.memory_space<vmem>>, %arg19: memref<!tpu.dma_semaphore, #tpu.memory_space<semaphore_mem>>, %arg20: memref<!tpu.dma_semaphore, #tpu.memory_space<semaphore_mem>>, %arg21: memref<!tpu.dma_semaphore, #tpu.memory_space<semaphore_mem>>, %arg22: memref<!tpu.dma_semaphore, #tpu.memory_space<semaphore_mem>>, %arg23: memref<640xf32, #tpu.memory_space<vmem>>, %arg24: memref<10240xf32, #tpu.memory_space<vmem_shared>>) attributes {dimension_semantics = [#tpu.dimension_semantics<core_parallel>, #tpu.dimension_semantics<subcore_parallel>], iteration_bounds = array<i64: 2, 16>, scalar_prefetch = 0 : i64, scratch_operands = 18 : i64, tpu.core_type = #tpu.core_type<sc_vector_subcore>, window_params = [{transform_indices = #map}, {transform_indices = #map}, {transform_indices = #map}, {transform_indices = #map}, {transform_indices = #map}]} {
    %mul3A = arith.constant 16 : i32
    %mul3A_0 = arith.muli %arg0, %mul3A : i32
    %add3A = arith.addi %mul3A_0, %arg1 : i32
    %mul3A_1 = arith.constant 10240 : i32
    %mul3A_2 = arith.muli %add3A, %mul3A_1 : i32
    %broadcast_in_dim3A = arith.constant 0.000000e+00 : f32
    %broadcast_in_dim3A_3 = vector.broadcast %broadcast_in_dim3A : f32 to vector<16xf32>
    %swap3A = arith.constant 0 : index
    %swap3A_4 = tpu.vector_load %arg23[%swap3A] {strides = array<i32>} : memref<640xf32, #tpu.memory_space<vmem>>, vector<16xf32>,
    %swap3A_5 = vector.shape_cast %swap3A_4 : vector<16xf32> to vector<16xf32>
    %swap3A_6 = vector.shape_cast %broadcast_in_dim3A_3 : vector<16xf32> to vector<16xf32>
    tpu.vector_store %arg23[%swap3A], %swap3A_6 {strides = array<i32>} : memref<640xf32, #tpu.memory_space<vmem>>, vector<16xf32>,
    %broadcast_in_dim3A_7 = arith.constant 0.000000e+00 : f32
    %broadcast_in_dim3A_8 = vector.broadcast %broadcast_in_dim3A_7 : f32 to vector<16xf32>
    %swap3A_9 = arith.constant 16 : index
    %swap3A_10 = tpu.vector_load %arg23[%swap3A_9] {strides = array<i32>} : memref<640xf32, #tpu.memory_space<vmem>>, vector<16xf32>,
    %swap3A_11 = vector.shape_cast %swap3A_10 : vector<16xf32> to vector<16xf32>
    %swap3A_12 = vector.shape_cast %broadcast_in_dim3A_8 : vector<16xf32> to vector<16xf32>
    tpu.vector_store %arg23[%swap3A_9], %swap3A_12 {strides = array<i32>} : memref<640xf32, #tpu.memory_space<vmem>>, vector<16xf32>,
    %broadcast_in_dim3A_13 = arith.constant 0.000000e+00 : f32
    %broadcast_in_dim3A_14 = vector.broadcast %broadcast_in_dim3A_13 : f32 to vector<16xf32>
    %swap3A_15 = arith.constant 32 : index
    %swap3A_16 = tpu.vector_load %arg23[%swap3A_15] {strides = array<i32>} : memref<640xf32, #tpu.memory_space<vmem>>, vector<16xf32>,
    %swap3A_17 = vector.shape_cast %swap3A_16 : vector<16xf32> to vector<16xf32>
    %swap3A_18 = vector.shape_cast %broadcast_in_dim3A_14 : vector<16xf32> to vector<16xf32>
    tpu.vector_store %arg23[%swap3A_15], %swap3A_18 {strides = array<i32>} : memref<640xf32, #tpu.memory_space<vmem>>, vector<16xf32>,
    %broadcast_in_dim3A_19 = arith.constant 0.000000e+00 : f32
    %broadcast_in_dim3A_20 = vector.broadcast %broadcast_in_dim3A_19 : f32 to vector<16xf32>
    %swap3A_21 = arith.constant 48 : index
    %swap3A_22 = tpu.vector_load %arg23[%swap3A_21] {strides = array<i32>} : memref<640xf32, #tpu.memory_space<vmem>>, vector<16xf32>,
    %swap3A_23 = vector.shape_cast %swap3A_22 : vector<16xf32> to vector<16xf32>
    %swap3A_24 = vector.shape_cast %broadcast_in_dim3A_20 : vector<16xf32> to vector<16xf32>
    tpu.vector_store %arg23[%swap3A_21], %swap3A_24 {strides = array<i32>} : memref<640xf32, #tpu.memory_space<vmem>>, vector<16xf32>,
    %broadcast_in_dim3A_25 = arith.constant 0.000000e+00 : f32
    %broadcast_in_dim3A_26 = vector.broadcast %broadcast_in_dim3A_25 : f32 to vector<16xf32>
    %swap3A_27 = arith.constant 64 : index
    %swap3A_28 = tpu.vector_load %arg23[%swap3A_27] {strides = array<i32>} : memref<640xf32, #tpu.memory_space<vmem>>, vector<16xf32>,
    %swap3A_29 = vector.shape_cast %swap3A_28 : vector<16xf32> to vector<16xf32>
    %swap3A_30 = vector.shape_cast %broadcast_in_dim3A_26 : vector<16xf32> to vector<16xf32>
    tpu.vector_store %arg23[%swap3A_27], %swap3A_30 {strides = array<i32>} : memref<640xf32, #tpu.memory_space<vmem>>, vector<16xf32>,
    %broadcast_in_dim3A_31 = arith.constant 0.000000e+00 : f32
    %broadcast_in_dim3A_32 = vector.broadcast %broadcast_in_dim3A_31 : f32 to vector<16xf32>
    %swap3A_33 = arith.constant 80 : index
    %swap3A_34 = tpu.vector_load %arg23[%swap3A_33] {strides = array<i32>} : memref<640xf32, #tpu.memory_space<vmem>>, vector<16xf32>,
    %swap3A_35 = vector.shape_cast %swap3A_34 : vector<16xf32> to vector<16xf32>
    %swap3A_36 = vector.shape_cast %broadcast_in_dim3A_32 : vector<16xf32> to vector<16xf32>
    tpu.vector_store %arg23[%swap3A_33], %swap3A_36 {strides = array<i32>} : memref<640xf32, #tpu.memory_space<vmem>>, vector<16xf32>,
    %broadcast_in_dim3A_37 = arith.constant 0.000000e+00 : f32
    %broadcast_in_dim3A_38 = vector.broadcast %broadcast_in_dim3A_37 : f32 to vector<16xf32>
    %swap3A_39 = arith.constant 96 : index
    %swap3A_40 = tpu.vector_load %arg23[%swap3A_39] {strides = array<i32>} : memref<640xf32, #tpu.memory_space<vmem>>, vector<16xf32>,
    %swap3A_41 = vector.shape_cast %swap3A_40 : vector<16xf32> to vector<16xf32>
    %swap3A_42 = vector.shape_cast %broadcast_in_dim3A_38 : vector<16xf32> to vector<16xf32>
    tpu.vector_store %arg23[%swap3A_39], %swap3A_42 {strides = array<i32>} : memref<640xf32, #tpu.memory_space<vmem>>, vector<16xf32>,
    %broadcast_in_dim3A_43 = arith.constant 0.000000e+00 : f32
    %broadcast_in_dim3A_44 = vector.broadcast %broadcast_in_dim3A_43 : f32 to vector<16xf32>
    %swap3A_45 = arith.constant 112 : index
    %swap3A_46 = tpu.vector_load %arg23[%swap3A_45] {strides = array<i32>} : memref<640xf32, #tpu.memory_space<vmem>>, vector<16xf32>,
    %swap3A_47 = vector.shape_cast %swap3A_46 : vector<16xf32> to vector<16xf32>
    %swap3A_48 = vector.shape_cast %broadcast_in_dim3A_44 : vector<16xf32> to vector<16xf32>
    tpu.vector_store %arg23[%swap3A_45], %swap3A_48 {strides = array<i32>} : memref<640xf32, #tpu.memory_space<vmem>>, vector<16xf32>,
    %broadcast_in_dim3A_49 = arith.constant 0.000000e+00 : f32
    %broadcast_in_dim3A_50 = vector.broadcast %broadcast_in_dim3A_49 : f32 to vector<16xf32>
    %swap3A_51 = arith.constant 128 : index
    %swap3A_52 = tpu.vector_load %arg23[%swap3A_51] {strides = array<i32>} : memref<640xf32, #tpu.memory_space<vmem>>, vector<16xf32>,
    %swap3A_53 = vector.shape_cast %swap3A_52 : vector<16xf32> to vector<16xf32>
    %swap3A_54 = vector.shape_cast %broadcast_in_dim3A_50 : vector<16xf32> to vector<16xf32>
    tpu.vector_store %arg23[%swap3A_51], %swap3A_54 {strides = array<i32>} : memref<640xf32, #tpu.memory_space<vmem>>, vector<16xf32>,
    %broadcast_in_dim3A_55 = arith.constant 0.000000e+00 : f32
    %broadcast_in_dim3A_56 = vector.broadcast %broadcast_in_dim3A_55 : f32 to vector<16xf32>
    %swap3A_57 = arith.constant 144 : index
    %swap3A_58 = tpu.vector_load %arg23[%swap3A_57] {strides = array<i32>} : memref<640xf32, #tpu.memory_space<vmem>>, vector<16xf32>,
    %swap3A_59 = vector.shape_cast %swap3A_58 : vector<16xf32> to vector<16xf32>
    %swap3A_60 = vector.shape_cast %broadcast_in_dim3A_56 : vector<16xf32> to vector<16xf32>
    tpu.vector_store %arg23[%swap3A_57], %swap3A_60 {strides = array<i32>} : memref<640xf32, #tpu.memory_space<vmem>>, vector<16xf32>,
    %broadcast_in_dim3A_61 = arith.constant 0.000000e+00 : f32
    %broadcast_in_dim3A_62 = vector.broadcast %broadcast_in_dim3A_61 : f32 to vector<16xf32>
    %swap3A_63 = arith.constant 160 : index
    %swap3A_64 = tpu.vector_load %arg23[%swap3A_63] {strides = array<i32>} : memref<640xf32, #tpu.memory_space<vmem>>, vector<16xf32>,
    %swap3A_65 = vector.shape_cast %swap3A_64 : vector<16xf32> to vector<16xf32>
    %swap3A_66 = vector.shape_cast %broadcast_in_dim3A_62 : vector<16xf32> to vector<16xf32>
    tpu.vector_store %arg23[%swap3A_63], %swap3A_66 {strides = array<i32>} : memref<640xf32, #tpu.memory_space<vmem>>, vector<16xf32>,
    %broadcast_in_dim3A_67 = arith.constant 0.000000e+00 : f32
    %broadcast_in_dim3A_68 = vector.broadcast %broadcast_in_dim3A_67 : f32 to vector<16xf32>
    %swap3A_69 = arith.constant 176 : index
    %swap3A_70 = tpu.vector_load %arg23[%swap3A_69] {strides = array<i32>} : memref<640xf32, #tpu.memory_space<vmem>>, vector<16xf32>,
    %swap3A_71 = vector.shape_cast %swap3A_70 : vector<16xf32> to vector<16xf32>
    %swap3A_72 = vector.shape_cast %broadcast_in_dim3A_68 : vector<16xf32> to vector<16xf32>
    tpu.vector_store %arg23[%swap3A_69], %swap3A_72 {strides = array<i32>} : memref<640xf32, #tpu.memory_space<vmem>>, vector<16xf32>,
    %broadcast_in_dim3A_73 = arith.constant 0.000000e+00 : f32
    %broadcast_in_dim3A_74 = vector.broadcast %broadcast_in_dim3A_73 : f32 to vector<16xf32>
    %swap3A_75 = arith.constant 192 : index
    %swap3A_76 = tpu.vector_load %arg23[%swap3A_75] {strides = array<i32>} : memref<640xf32, #tpu.memory_space<vmem>>, vector<16xf32>,
    %swap3A_77 = vector.shape_cast %swap3A_76 : vector<16xf32> to vector<16xf32>
    %swap3A_78 = vector.shape_cast %broadcast_in_dim3A_74 : vector<16xf32> to vector<16xf32>
    tpu.vector_store %arg23[%swap3A_75], %swap3A_78 {strides = array<i32>} : memref<640xf32, #tpu.memory_space<vmem>>, vector<16xf32>,
    %broadcast_in_dim3A_79 = arith.constant 0.000000e+00 : f32
    %broadcast_in_dim3A_80 = vector.broadcast %broadcast_in_dim3A_79 : f32 to vector<16xf32>
    %swap3A_81 = arith.constant 208 : index
    %swap3A_82 = tpu.vector_load %arg23[%swap3A_81] {strides = array<i32>} : memref<640xf32, #tpu.memory_space<vmem>>, vector<16xf32>,
    %swap3A_83 = vector.shape_cast %swap3A_82 : vector<16xf32> to vector<16xf32>
    %swap3A_84 = vector.shape_cast %broadcast_in_dim3A_80 : vector<16xf32> to vector<16xf32>
    tpu.vector_store %arg23[%swap3A_81], %swap3A_84 {strides = array<i32>} : memref<640xf32, #tpu.memory_space<vmem>>, vector<16xf32>,
    %broadcast_in_dim3A_85 = arith.constant 0.000000e+00 : f32
    %broadcast_in_dim3A_86 = vector.broadcast %broadcast_in_dim3A_85 : f32 to vector<16xf32>
    %swap3A_87 = arith.constant 224 : index
    %swap3A_88 = tpu.vector_load %arg23[%swap3A_87] {strides = array<i32>} : memref<640xf32, #tpu.memory_space<vmem>>, vector<16xf32>,
    %swap3A_89 = vector.shape_cast %swap3A_88 : vector<16xf32> to vector<16xf32>
    %swap3A_90 = vector.shape_cast %broadcast_in_dim3A_86 : vector<16xf32> to vector<16xf32>
    tpu.vector_store %arg23[%swap3A_87], %swap3A_90 {strides = array<i32>} : memref<640xf32, #tpu.memory_space<vmem>>, vector<16xf32>,
    %broadcast_in_dim3A_91 = arith.constant 0.000000e+00 : f32
    %broadcast_in_dim3A_92 = vector.broadcast %broadcast_in_dim3A_91 : f32 to vector<16xf32>
    %swap3A_93 = arith.constant 240 : index
    %swap3A_94 = tpu.vector_load %arg23[%swap3A_93] {strides = array<i32>} : memref<640xf32, #tpu.memory_space<vmem>>, vector<16xf32>,
    %swap3A_95 = vector.shape_cast %swap3A_94 : vector<16xf32> to vector<16xf32>
    %swap3A_96 = vector.shape_cast %broadcast_in_dim3A_92 : vector<16xf32> to vector<16xf32>
    tpu.vector_store %arg23[%swap3A_93], %swap3A_96 {strides = array<i32>} : memref<640xf32, #tpu.memory_space<vmem>>, vector<16xf32>,
    %broadcast_in_dim3A_97 = arith.constant 0.000000e+00 : f32
    %broadcast_in_dim3A_98 = vector.broadcast %broadcast_in_dim3A_97 : f32 to vector<16xf32>
    %swap3A_99 = arith.constant 256 : index
    %swap3A_100 = tpu.vector_load %arg23[%swap3A_99] {strides = array<i32>} : memref<640xf32, #tpu.memory_space<vmem>>, vector<16xf32>,
    %swap3A_101 = vector.shape_cast %swap3A_100 : vector<16xf32> to vector<16xf32>
    %swap3A_102 = vector.shape_cast %broadcast_in_dim3A_98 : vector<16xf32> to vector<16xf32>
    tpu.vector_store %arg23[%swap3A_99], %swap3A_102 {strides = array<i32>} : memref<640xf32, #tpu.memory_space<vmem>>, vector<16xf32>,
    %broadcast_in_dim3A_103 = arith.constant 0.000000e+00 : f32
    %broadcast_in_dim3A_104 = vector.broadcast %broadcast_in_dim3A_103 : f32 to vector<16xf32>
    %swap3A_105 = arith.constant 272 : index
    %swap3A_106 = tpu.vector_load %arg23[%swap3A_105] {strides = array<i32>} : memref<640xf32, #tpu.memory_space<vmem>>, vector<16xf32>,
    %swap3A_107 = vector.shape_cast %swap3A_106 : vector<16xf32> to vector<16xf32>
    %swap3A_108 = vector.shape_cast %broadcast_in_dim3A_104 : vector<16xf32> to vector<16xf32>
    tpu.vector_store %arg23[%swap3A_105], %swap3A_108 {strides = array<i32>} : memref<640xf32, #tpu.memory_space<vmem>>, vector<16xf32>,
    %broadcast_in_dim3A_109 = arith.constant 0.000000e+00 : f32
    %broadcast_in_dim3A_110 = vector.broadcast %broadcast_in_dim3A_109 : f32 to vector<16xf32>
    %swap3A_111 = arith.constant 288 : index
    %swap3A_112 = tpu.vector_load %arg23[%swap3A_111] {strides = array<i32>} : memref<640xf32, #tpu.memory_space<vmem>>, vector<16xf32>,
    %swap3A_113 = vector.shape_cast %swap3A_112 : vector<16xf32> to vector<16xf32>
    %swap3A_114 = vector.shape_cast %broadcast_in_dim3A_110 : vector<16xf32> to vector<16xf32>
    tpu.vector_store %arg23[%swap3A_111], %swap3A_114 {strides = array<i32>} : memref<640xf32, #tpu.memory_space<vmem>>, vector<16xf32>,
    %broadcast_in_dim3A_115 = arith.constant 0.000000e+00 : f32
    %broadcast_in_dim3A_116 = vector.broadcast %broadcast_in_dim3A_115 : f32 to vector<16xf32>
    %swap3A_117 = arith.constant 304 : index
    %swap3A_118 = tpu.vector_load %arg23[%swap3A_117] {strides = array<i32>} : memref<640xf32, #tpu.memory_space<vmem>>, vector<16xf32>,
    %swap3A_119 = vector.shape_cast %swap3A_118 : vector<16xf32> to vector<16xf32>
    %swap3A_120 = vector.shape_cast %broadcast_in_dim3A_116 : vector<16xf32> to vector<16xf32>
    tpu.vector_store %arg23[%swap3A_117], %swap3A_120 {strides = array<i32>} : memref<640xf32, #tpu.memory_space<vmem>>, vector<16xf32>,
    %broadcast_in_dim3A_121 = arith.constant 0.000000e+00 : f32
    %broadcast_in_dim3A_122 = vector.broadcast %broadcast_in_dim3A_121 : f32 to vector<16xf32>
    %swap3A_123 = arith.constant 320 : index
    %swap3A_124 = tpu.vector_load %arg23[%swap3A_123] {strides = array<i32>} : memref<640xf32, #tpu.memory_space<vmem>>, vector<16xf32>,
    %swap3A_125 = vector.shape_cast %swap3A_124 : vector<16xf32> to vector<16xf32>
    %swap3A_126 = vector.shape_cast %broadcast_in_dim3A_122 : vector<16xf32> to vector<16xf32>
    tpu.vector_store %arg23[%swap3A_123], %swap3A_126 {strides = array<i32>} : memref<640xf32, #tpu.memory_space<vmem>>, vector<16xf32>,
    %broadcast_in_dim3A_127 = arith.constant 0.000000e+00 : f32
    %broadcast_in_dim3A_128 = vector.broadcast %broadcast_in_dim3A_127 : f32 to vector<16xf32>
    %swap3A_129 = arith.constant 336 : index
    %swap3A_130 = tpu.vector_load %arg23[%swap3A_129] {strides = array<i32>} : memref<640xf32, #tpu.memory_space<vmem>>, vector<16xf32>,
    %swap3A_131 = vector.shape_cast %swap3A_130 : vector<16xf32> to vector<16xf32>
    %swap3A_132 = vector.shape_cast %broadcast_in_dim3A_128 : vector<16xf32> to vector<16xf32>
    tpu.vector_store %arg23[%swap3A_129], %swap3A_132 {strides = array<i32>} : memref<640xf32, #tpu.memory_space<vmem>>, vector<16xf32>,
    %broadcast_in_dim3A_133 = arith.constant 0.000000e+00 : f32
    %broadcast_in_dim3A_134 = vector.broadcast %broadcast_in_dim3A_133 : f32 to vector<16xf32>
    %swap3A_135 = arith.constant 352 : index
    %swap3A_136 = tpu.vector_load %arg23[%swap3A_135] {strides = array<i32>} : memref<640xf32, #tpu.memory_space<vmem>>, vector<16xf32>,
    %swap3A_137 = vector.shape_cast %swap3A_136 : vector<16xf32> to vector<16xf32>
    %swap3A_138 = vector.shape_cast %broadcast_in_dim3A_134 : vector<16xf32> to vector<16xf32>
    tpu.vector_store %arg23[%swap3A_135], %swap3A_138 {strides = array<i32>} : memref<640xf32, #tpu.memory_space<vmem>>, vector<16xf32>,
    %broadcast_in_dim3A_139 = arith.constant 0.000000e+00 : f32
    %broadcast_in_dim3A_140 = vector.broadcast %broadcast_in_dim3A_139 : f32 to vector<16xf32>
    %swap3A_141 = arith.constant 368 : index
    %swap3A_142 = tpu.vector_load %arg23[%swap3A_141] {strides = array<i32>} : memref<640xf32, #tpu.memory_space<vmem>>, vector<16xf32>,
    %swap3A_143 = vector.shape_cast %swap3A_142 : vector<16xf32> to vector<16xf32>
    %swap3A_144 = vector.shape_cast %broadcast_in_dim3A_140 : vector<16xf32> to vector<16xf32>
    tpu.vector_store %arg23[%swap3A_141], %swap3A_144 {strides = array<i32>} : memref<640xf32, #tpu.memory_space<vmem>>, vector<16xf32>,
    %broadcast_in_dim3A_145 = arith.constant 0.000000e+00 : f32
    %broadcast_in_dim3A_146 = vector.broadcast %broadcast_in_dim3A_145 : f32 to vector<16xf32>
    %swap3A_147 = arith.constant 384 : index
    %swap3A_148 = tpu.vector_load %arg23[%swap3A_147] {strides = array<i32>} : memref<640xf32, #tpu.memory_space<vmem>>, vector<16xf32>,
    %swap3A_149 = vector.shape_cast %swap3A_148 : vector<16xf32> to vector<16xf32>
    %swap3A_150 = vector.shape_cast %broadcast_in_dim3A_146 : vector<16xf32> to vector<16xf32>
    tpu.vector_store %arg23[%swap3A_147], %swap3A_150 {strides = array<i32>} : memref<640xf32, #tpu.memory_space<vmem>>, vector<16xf32>,
    %broadcast_in_dim3A_151 = arith.constant 0.000000e+00 : f32
    %broadcast_in_dim3A_152 = vector.broadcast %broadcast_in_dim3A_151 : f32 to vector<16xf32>
    %swap3A_153 = arith.constant 400 : index
    %swap3A_154 = tpu.vector_load %arg23[%swap3A_153] {strides = array<i32>} : memref<640xf32, #tpu.memory_space<vmem>>, vector<16xf32>,
    %swap3A_155 = vector.shape_cast %swap3A_154 : vector<16xf32> to vector<16xf32>
    %swap3A_156 = vector.shape_cast %broadcast_in_dim3A_152 : vector<16xf32> to vector<16xf32>
    tpu.vector_store %arg23[%swap3A_153], %swap3A_156 {strides = array<i32>} : memref<640xf32, #tpu.memory_space<vmem>>, vector<16xf32>,
    %broadcast_in_dim3A_157 = arith.constant 0.000000e+00 : f32
    %broadcast_in_dim3A_158 = vector.broadcast %broadcast_in_dim3A_157 : f32 to vector<16xf32>
    %swap3A_159 = arith.constant 416 : index
    %swap3A_160 = tpu.vector_load %arg23[%swap3A_159] {strides = array<i32>} : memref<640xf32, #tpu.memory_space<vmem>>, vector<16xf32>,
    %swap3A_161 = vector.shape_cast %swap3A_160 : vector<16xf32> to vector<16xf32>
    %swap3A_162 = vector.shape_cast %broadcast_in_dim3A_158 : vector<16xf32> to vector<16xf32>
    tpu.vector_store %arg23[%swap3A_159], %swap3A_162 {strides = array<i32>} : memref<640xf32, #tpu.memory_space<vmem>>, vector<16xf32>,
    %broadcast_in_dim3A_163 = arith.constant 0.000000e+00 : f32
    %broadcast_in_dim3A_164 = vector.broadcast %broadcast_in_dim3A_163 : f32 to vector<16xf32>
    %swap3A_165 = arith.constant 432 : index
    %swap3A_166 = tpu.vector_load %arg23[%swap3A_165] {strides = array<i32>} : memref<640xf32, #tpu.memory_space<vmem>>, vector<16xf32>,
    %swap3A_167 = vector.shape_cast %swap3A_166 : vector<16xf32> to vector<16xf32>
    %swap3A_168 = vector.shape_cast %broadcast_in_dim3A_164 : vector<16xf32> to vector<16xf32>
    tpu.vector_store %arg23[%swap3A_165], %swap3A_168 {strides = array<i32>} : memref<640xf32, #tpu.memory_space<vmem>>, vector<16xf32>,
    %broadcast_in_dim3A_169 = arith.constant 0.000000e+00 : f32
    %broadcast_in_dim3A_170 = vector.broadcast %broadcast_in_dim3A_169 : f32 to vector<16xf32>
    %swap3A_171 = arith.constant 448 : index
    %swap3A_172 = tpu.vector_load %arg23[%swap3A_171] {strides = array<i32>} : memref<640xf32, #tpu.memory_space<vmem>>, vector<16xf32>,
    %swap3A_173 = vector.shape_cast %swap3A_172 : vector<16xf32> to vector<16xf32>
    %swap3A_174 = vector.shape_cast %broadcast_in_dim3A_170 : vector<16xf32> to vector<16xf32>
    tpu.vector_store %arg23[%swap3A_171], %swap3A_174 {strides = array<i32>} : memref<640xf32, #tpu.memory_space<vmem>>, vector<16xf32>,
    %broadcast_in_dim3A_175 = arith.constant 0.000000e+00 : f32
    %broadcast_in_dim3A_176 = vector.broadcast %broadcast_in_dim3A_175 : f32 to vector<16xf32>
    %swap3A_177 = arith.constant 464 : index
    %swap3A_178 = tpu.vector_load %arg23[%swap3A_177] {strides = array<i32>} : memref<640xf32, #tpu.memory_space<vmem>>, vector<16xf32>,
    %swap3A_179 = vector.shape_cast %swap3A_178 : vector<16xf32> to vector<16xf32>
    %swap3A_180 = vector.shape_cast %broadcast_in_dim3A_176 : vector<16xf32> to vector<16xf32>
    tpu.vector_store %arg23[%swap3A_177], %swap3A_180 {strides = array<i32>} : memref<640xf32, #tpu.memory_space<vmem>>, vector<16xf32>,
    %broadcast_in_dim3A_181 = arith.constant 0.000000e+00 : f32
    %broadcast_in_dim3A_182 = vector.broadcast %broadcast_in_dim3A_181 : f32 to vector<16xf32>
    %swap3A_183 = arith.constant 480 : index
    %swap3A_184 = tpu.vector_load %arg23[%swap3A_183] {strides = array<i32>} : memref<640xf32, #tpu.memory_space<vmem>>, vector<16xf32>,
    %swap3A_185 = vector.shape_cast %swap3A_184 : vector<16xf32> to vector<16xf32>
    %swap3A_186 = vector.shape_cast %broadcast_in_dim3A_182 : vector<16xf32> to vector<16xf32>
    tpu.vector_store %arg23[%swap3A_183], %swap3A_186 {strides = array<i32>} : memref<640xf32, #tpu.memory_space<vmem>>, vector<16xf32>,
    %broadcast_in_dim3A_187 = arith.constant 0.000000e+00 : f32
    %broadcast_in_dim3A_188 = vector.broadcast %broadcast_in_dim3A_187 : f32 to vector<16xf32>
    %swap3A_189 = arith.constant 496 : index
    %swap3A_190 = tpu.vector_load %arg23[%swap3A_189] {strides = array<i32>} : memref<640xf32, #tpu.memory_space<vmem>>, vector<16xf32>,
    %swap3A_191 = vector.shape_cast %swap3A_190 : vector<16xf32> to vector<16xf32>
    %swap3A_192 = vector.shape_cast %broadcast_in_dim3A_188 : vector<16xf32> to vector<16xf32>
    tpu.vector_store %arg23[%swap3A_189], %swap3A_192 {strides = array<i32>} : memref<640xf32, #tpu.memory_space<vmem>>, vector<16xf32>,
    %broadcast_in_dim3A_193 = arith.constant 0.000000e+00 : f32
    %broadcast_in_dim3A_194 = vector.broadcast %broadcast_in_dim3A_193 : f32 to vector<16xf32>
    %swap3A_195 = arith.constant 512 : index
    %swap3A_196 = tpu.vector_load %arg23[%swap3A_195] {strides = array<i32>} : memref<640xf32, #tpu.memory_space<vmem>>, vector<16xf32>,
    %swap3A_197 = vector.shape_cast %swap3A_196 : vector<16xf32> to vector<16xf32>
    %swap3A_198 = vector.shape_cast %broadcast_in_dim3A_194 : vector<16xf32> to vector<16xf32>
    tpu.vector_store %arg23[%swap3A_195], %swap3A_198 {strides = array<i32>} : memref<640xf32, #tpu.memory_space<vmem>>, vector<16xf32>,
    %broadcast_in_dim3A_199 = arith.constant 0.000000e+00 : f32
    %broadcast_in_dim3A_200 = vector.broadcast %broadcast_in_dim3A_199 : f32 to vector<16xf32>
    %swap3A_201 = arith.constant 528 : index
    %swap3A_202 = tpu.vector_load %arg23[%swap3A_201] {strides = array<i32>} : memref<640xf32, #tpu.memory_space<vmem>>, vector<16xf32>,
    %swap3A_203 = vector.shape_cast %swap3A_202 : vector<16xf32> to vector<16xf32>
    %swap3A_204 = vector.shape_cast %broadcast_in_dim3A_200 : vector<16xf32> to vector<16xf32>
    tpu.vector_store %arg23[%swap3A_201], %swap3A_204 {strides = array<i32>} : memref<640xf32, #tpu.memory_space<vmem>>, vector<16xf32>,
    %broadcast_in_dim3A_205 = arith.constant 0.000000e+00 : f32
    %broadcast_in_dim3A_206 = vector.broadcast %broadcast_in_dim3A_205 : f32 to vector<16xf32>
    %swap3A_207 = arith.constant 544 : index
    %swap3A_208 = tpu.vector_load %arg23[%swap3A_207] {strides = array<i32>} : memref<640xf32, #tpu.memory_space<vmem>>, vector<16xf32>,
    %swap3A_209 = vector.shape_cast %swap3A_208 : vector<16xf32> to vector<16xf32>
    %swap3A_210 = vector.shape_cast %broadcast_in_dim3A_206 : vector<16xf32> to vector<16xf32>
    tpu.vector_store %arg23[%swap3A_207], %swap3A_210 {strides = array<i32>} : memref<640xf32, #tpu.memory_space<vmem>>, vector<16xf32>,
    %broadcast_in_dim3A_211 = arith.constant 0.000000e+00 : f32
    %broadcast_in_dim3A_212 = vector.broadcast %broadcast_in_dim3A_211 : f32 to vector<16xf32>
    %swap3A_213 = arith.constant 560 : index
    %swap3A_214 = tpu.vector_load %arg23[%swap3A_213] {strides = array<i32>} : memref<640xf32, #tpu.memory_space<vmem>>, vector<16xf32>,
    %swap3A_215 = vector.shape_cast %swap3A_214 : vector<16xf32> to vector<16xf32>
    %swap3A_216 = vector.shape_cast %broadcast_in_dim3A_212 : vector<16xf32> to vector<16xf32>
    tpu.vector_store %arg23[%swap3A_213], %swap3A_216 {strides = array<i32>} : memref<640xf32, #tpu.memory_space<vmem>>, vector<16xf32>,
    %broadcast_in_dim3A_217 = arith.constant 0.000000e+00 : f32
    %broadcast_in_dim3A_218 = vector.broadcast %broadcast_in_dim3A_217 : f32 to vector<16xf32>
    %swap3A_219 = arith.constant 576 : index
    %swap3A_220 = tpu.vector_load %arg23[%swap3A_219] {strides = array<i32>} : memref<640xf32, #tpu.memory_space<vmem>>, vector<16xf32>,
    %swap3A_221 = vector.shape_cast %swap3A_220 : vector<16xf32> to vector<16xf32>
    %swap3A_222 = vector.shape_cast %broadcast_in_dim3A_218 : vector<16xf32> to vector<16xf32>
    tpu.vector_store %arg23[%swap3A_219], %swap3A_222 {strides = array<i32>} : memref<640xf32, #tpu.memory_space<vmem>>, vector<16xf32>,
    %broadcast_in_dim3A_223 = arith.constant 0.000000e+00 : f32
    %broadcast_in_dim3A_224 = vector.broadcast %broadcast_in_dim3A_223 : f32 to vector<16xf32>
    %swap3A_225 = arith.constant 592 : index
    %swap3A_226 = tpu.vector_load %arg23[%swap3A_225] {strides = array<i32>} : memref<640xf32, #tpu.memory_space<vmem>>, vector<16xf32>,
    %swap3A_227 = vector.shape_cast %swap3A_226 : vector<16xf32> to vector<16xf32>
    %swap3A_228 = vector.shape_cast %broadcast_in_dim3A_224 : vector<16xf32> to vector<16xf32>
    tpu.vector_store %arg23[%swap3A_225], %swap3A_228 {strides = array<i32>} : memref<640xf32, #tpu.memory_space<vmem>>, vector<16xf32>,
    %broadcast_in_dim3A_229 = arith.constant 0.000000e+00 : f32
    %broadcast_in_dim3A_230 = vector.broadcast %broadcast_in_dim3A_229 : f32 to vector<16xf32>
    %swap3A_231 = arith.constant 608 : index
    %swap3A_232 = tpu.vector_load %arg23[%swap3A_231] {strides = array<i32>} : memref<640xf32, #tpu.memory_space<vmem>>, vector<16xf32>,
    %swap3A_233 = vector.shape_cast %swap3A_232 : vector<16xf32> to vector<16xf32>
    %swap3A_234 = vector.shape_cast %broadcast_in_dim3A_230 : vector<16xf32> to vector<16xf32>
    tpu.vector_store %arg23[%swap3A_231], %swap3A_234 {strides = array<i32>} : memref<640xf32, #tpu.memory_space<vmem>>, vector<16xf32>,
    %broadcast_in_dim3A_235 = arith.constant 0.000000e+00 : f32
    %broadcast_in_dim3A_236 = vector.broadcast %broadcast_in_dim3A_235 : f32 to vector<16xf32>
    %swap3A_237 = arith.constant 624 : index
    %swap3A_238 = tpu.vector_load %arg23[%swap3A_237] {strides = array<i32>} : memref<640xf32, #tpu.memory_space<vmem>>, vector<16xf32>,
    %swap3A_239 = vector.shape_cast %swap3A_238 : vector<16xf32> to vector<16xf32>
    %swap3A_240 = vector.shape_cast %broadcast_in_dim3A_236 : vector<16xf32> to vector<16xf32>
    tpu.vector_store %arg23[%swap3A_237], %swap3A_240 {strides = array<i32>} : memref<640xf32, #tpu.memory_space<vmem>>, vector<16xf32>,
    %mul3A_241 = arith.constant 640 : i32
    %mul3A_242 = arith.muli %arg1, %mul3A_241 : i32
    "tpu.region"() ({
      %run_scoped3A = tpu.sem_alloc : memref<!tpu.dma_semaphore, #tpu.memory_space<semaphore_mem>>
      %dma_start3A = tpu.memref_slice %arg24[%mul3A_242] : memref<10240xf32, #tpu.memory_space<vmem_shared>> -> memref<640xf32, #tpu.memory_space<vmem_shared>>
      %dma_start3A_256 = tpu.memref_slice %arg24[%mul3A_242] : memref<10240xf32, #tpu.memory_space<vmem_shared>> -> memref<640xf32, #tpu.memory_space<vmem_shared>>
      tpu.enqueue_dma source(%arg23 : memref<640xf32, #tpu.memory_space<vmem>>) target(%dma_start3A_256 : memref<640xf32, #tpu.memory_space<vmem_shared>>) target_semaphore(%run_scoped3A : memref<!tpu.dma_semaphore, #tpu.memory_space<semaphore_mem>>)
      %dma_wait3A = tpu.memref_slice %arg24[%mul3A_242] : memref<10240xf32, #tpu.memory_space<vmem_shared>> -> memref<640xf32, #tpu.memory_space<vmem_shared>>
      %dma_wait3A_257 = tpu.memref_slice %arg24[%mul3A_242] : memref<10240xf32, #tpu.memory_space<vmem_shared>> -> memref<640xf32, #tpu.memory_space<vmem_shared>>
      tpu.wait_dma2 semaphore(%run_scoped3A : memref<!tpu.dma_semaphore, #tpu.memory_space<semaphore_mem>>) src(%arg23 : memref<640xf32, #tpu.memory_space<vmem>>) dst(%dma_wait3A_257 : memref<640xf32, #tpu.memory_space<vmem_shared>>)
      tpu.yield
    }) : () -> ()
    %barrier3A = arith.constant 0 : index
    tpu.barrier barrier_id(%barrier3A)
    %scan3A = arith.constant 0 : i32
    %scan3A_243 = arith.constant 0 : i32
    %scan3A_244 = arith.constant 20 : i32
    %scan3A_245 = arith.addi %scan3A_243, %scan3A_244 : i32
    %scan3A_246 = arith.constant 1 : i32
    scf.for %scan3A_256 = %scan3A_243 to %scan3A_245 step %scan3A_246  : i32 {
      %mul3A_257 = arith.constant 4 : i32
      %mul3A_258 = arith.muli %scan3A_256, %mul3A_257 : i32
      %add3A_259 = arith.constant 0 : i32
      %add3A_260 = arith.addi %mul3A_258, %add3A_259 : i32
      %mul3A_261 = arith.constant 128 : i32
      %mul3A_262 = arith.muli %add3A_260, %mul3A_261 : i32
      %add3A_263 = arith.addi %mul3A_2, %mul3A_262 : i32
      %dma_start3A = tpu.memref_slice %arg3[%add3A_263] : memref<327680xi32, #tpu.memory_space<hbm>> -> memref<128xi32, #tpu.memory_space<hbm>>
      %dma_start3A_264 = tpu.memref_slice %arg3[%add3A_263] : memref<327680xi32, #tpu.memory_space<hbm>> -> memref<128xi32, #tpu.memory_space<hbm>>
      tpu.enqueue_dma source(%dma_start3A_264 : memref<128xi32, #tpu.memory_space<hbm>>) target(%arg7 : memref<128xi32, #tpu.memory_space<vmem>>) target_semaphore(%arg19 : memref<!tpu.dma_semaphore, #tpu.memory_space<semaphore_mem>>)
      %mul3A_265 = arith.constant 128 : i32
      %mul3A_266 = arith.muli %add3A_260, %mul3A_265 : i32
      %add3A_267 = arith.addi %mul3A_2, %mul3A_266 : i32
      %dma_start3A_268 = tpu.memref_slice %arg4[%add3A_267] : memref<327680xi32, #tpu.memory_space<hbm>> -> memref<128xi32, #tpu.memory_space<hbm>>
      %dma_start3A_269 = tpu.memref_slice %arg4[%add3A_267] : memref<327680xi32, #tpu.memory_space<hbm>> -> memref<128xi32, #tpu.memory_space<hbm>>
      tpu.enqueue_dma source(%dma_start3A_269 : memref<128xi32, #tpu.memory_space<hbm>>) target(%arg11 : memref<128xi32, #tpu.memory_space<vmem>>) target_semaphore(%arg19 : memref<!tpu.dma_semaphore, #tpu.memory_space<semaphore_mem>>)
      %mul3A_270 = arith.constant 4 : i32
      %mul3A_271 = arith.muli %scan3A_256, %mul3A_270 : i32
      %add3A_272 = arith.constant 1 : i32
      %add3A_273 = arith.addi %mul3A_271, %add3A_272 : i32
      %mul3A_274 = arith.constant 128 : i32
      %mul3A_275 = arith.muli %add3A_273, %mul3A_274 : i32
      %add3A_276 = arith.addi %mul3A_2, %mul3A_275 : i32
      %dma_start3A_277 = tpu.memref_slice %arg3[%add3A_276] : memref<327680xi32, #tpu.memory_space<hbm>> -> memref<128xi32, #tpu.memory_space<hbm>>
      %dma_start3A_278 = tpu.memref_slice %arg3[%add3A_276] : memref<327680xi32, #tpu.memory_space<hbm>> -> memref<128xi32, #tpu.memory_space<hbm>>
      tpu.enqueue_dma source(%dma_start3A_278 : memref<128xi32, #tpu.memory_space<hbm>>) target(%arg8 : memref<128xi32, #tpu.memory_space<vmem>>) target_semaphore(%arg20 : memref<!tpu.dma_semaphore, #tpu.memory_space<semaphore_mem>>)
      %mul3A_279 = arith.constant 128 : i32
      %mul3A_280 = arith.muli %add3A_273, %mul3A_279 : i32
      %add3A_281 = arith.addi %mul3A_2, %mul3A_280 : i32
      %dma_start3A_282 = tpu.memref_slice %arg4[%add3A_281] : memref<327680xi32, #tpu.memory_space<hbm>> -> memref<128xi32, #tpu.memory_space<hbm>>
      %dma_start3A_283 = tpu.memref_slice %arg4[%add3A_281] : memref<327680xi32, #tpu.memory_space<hbm>> -> memref<128xi32, #tpu.memory_space<hbm>>
      tpu.enqueue_dma source(%dma_start3A_283 : memref<128xi32, #tpu.memory_space<hbm>>) target(%arg12 : memref<128xi32, #tpu.memory_space<vmem>>) target_semaphore(%arg20 : memref<!tpu.dma_semaphore, #tpu.memory_space<semaphore_mem>>)
      %mul3A_284 = arith.constant 4 : i32
      %mul3A_285 = arith.muli %scan3A_256, %mul3A_284 : i32
      %add3A_286 = arith.constant 2 : i32
      %add3A_287 = arith.addi %mul3A_285, %add3A_286 : i32
      %mul3A_288 = arith.constant 128 : i32
      %mul3A_289 = arith.muli %add3A_287, %mul3A_288 : i32
      %add3A_290 = arith.addi %mul3A_2, %mul3A_289 : i32
      %dma_start3A_291 = tpu.memref_slice %arg3[%add3A_290] : memref<327680xi32, #tpu.memory_space<hbm>> -> memref<128xi32, #tpu.memory_space<hbm>>
      %dma_start3A_292 = tpu.memref_slice %arg3[%add3A_290] : memref<327680xi32, #tpu.memory_space<hbm>> -> memref<128xi32, #tpu.memory_space<hbm>>
      tpu.enqueue_dma source(%dma_start3A_292 : memref<128xi32, #tpu.memory_space<hbm>>) target(%arg9 : memref<128xi32, #tpu.memory_space<vmem>>) target_semaphore(%arg21 : memref<!tpu.dma_semaphore, #tpu.memory_space<semaphore_mem>>)
      %mul3A_293 = arith.constant 128 : i32
      %mul3A_294 = arith.muli %add3A_287, %mul3A_293 : i32
      %add3A_295 = arith.addi %mul3A_2, %mul3A_294 : i32
      %dma_start3A_296 = tpu.memref_slice %arg4[%add3A_295] : memref<327680xi32, #tpu.memory_space<hbm>> -> memref<128xi32, #tpu.memory_space<hbm>>
      %dma_start3A_297 = tpu.memref_slice %arg4[%add3A_295] : memref<327680xi32, #tpu.memory_space<hbm>> -> memref<128xi32, #tpu.memory_space<hbm>>
      tpu.enqueue_dma source(%dma_start3A_297 : memref<128xi32, #tpu.memory_space<hbm>>) target(%arg13 : memref<128xi32, #tpu.memory_space<vmem>>) target_semaphore(%arg21 : memref<!tpu.dma_semaphore, #tpu.memory_space<semaphore_mem>>)
      %mul3A_298 = arith.constant 4 : i32
      %mul3A_299 = arith.muli %scan3A_256, %mul3A_298 : i32
      %add3A_300 = arith.constant 3 : i32
      %add3A_301 = arith.addi %mul3A_299, %add3A_300 : i32
      %mul3A_302 = arith.constant 128 : i32
      %mul3A_303 = arith.muli %add3A_301, %mul3A_302 : i32
      %add3A_304 = arith.addi %mul3A_2, %mul3A_303 : i32
      %dma_start3A_305 = tpu.memref_slice %arg3[%add3A_304] : memref<327680xi32, #tpu.memory_space<hbm>> -> memref<128xi32, #tpu.memory_space<hbm>>
      %dma_start3A_306 = tpu.memref_slice %arg3[%add3A_304] : memref<327680xi32, #tpu.memory_space<hbm>> -> memref<128xi32, #tpu.memory_space<hbm>>
      tpu.enqueue_dma source(%dma_start3A_306 : memref<128xi32, #tpu.memory_space<hbm>>) target(%arg10 : memref<128xi32, #tpu.memory_space<vmem>>) target_semaphore(%arg22 : memref<!tpu.dma_semaphore, #tpu.memory_space<semaphore_mem>>)
      %mul3A_307 = arith.constant 128 : i32
      %mul3A_308 = arith.muli %add3A_301, %mul3A_307 : i32
      %add3A_309 = arith.addi %mul3A_2, %mul3A_308 : i32
      %dma_start3A_310 = tpu.memref_slice %arg4[%add3A_309] : memref<327680xi32, #tpu.memory_space<hbm>> -> memref<128xi32, #tpu.memory_space<hbm>>
      %dma_start3A_311 = tpu.memref_slice %arg4[%add3A_309] : memref<327680xi32, #tpu.memory_space<hbm>> -> memref<128xi32, #tpu.memory_space<hbm>>
      tpu.enqueue_dma source(%dma_start3A_311 : memref<128xi32, #tpu.memory_space<hbm>>) target(%arg14 : memref<128xi32, #tpu.memory_space<vmem>>) target_semaphore(%arg22 : memref<!tpu.dma_semaphore, #tpu.memory_space<semaphore_mem>>)
      %dma_wait3A = tpu.memref_slice %arg3[%add3A_263] : memref<327680xi32, #tpu.memory_space<hbm>> -> memref<128xi32, #tpu.memory_space<hbm>>
      %dma_wait3A_312 = tpu.memref_slice %arg3[%add3A_263] : memref<327680xi32, #tpu.memory_space<hbm>> -> memref<128xi32, #tpu.memory_space<hbm>>
      tpu.wait_dma2 semaphore(%arg19 : memref<!tpu.dma_semaphore, #tpu.memory_space<semaphore_mem>>) src(%dma_wait3A_312 : memref<128xi32, #tpu.memory_space<hbm>>) dst(%arg7 : memref<128xi32, #tpu.memory_space<vmem>>)
      %dma_wait3A_313 = tpu.memref_slice %arg4[%add3A_267] : memref<327680xi32, #tpu.memory_space<hbm>> -> memref<128xi32, #tpu.memory_space<hbm>>
      %dma_wait3A_314 = tpu.memref_slice %arg4[%add3A_267] : memref<327680xi32, #tpu.memory_space<hbm>> -> memref<128xi32, #tpu.memory_space<hbm>>
      tpu.wait_dma2 semaphore(%arg19 : memref<!tpu.dma_semaphore, #tpu.memory_space<semaphore_mem>>) src(%dma_wait3A_314 : memref<128xi32, #tpu.memory_space<hbm>>) dst(%arg11 : memref<128xi32, #tpu.memory_space<vmem>>)
      %dma_start3A_315 = arith.constant 0 : i32
      %dma_start3A_316 = tpu.memref_slice %arg2[%dma_start3A_315] : memref<10240xf32, #tpu.memory_space<hbm>> -> memref<10240xf32, #tpu.memory_space<hbm>>
      tpu.enqueue_indirect_dma source(%dma_start3A_316 : memref<10240xf32, #tpu.memory_space<hbm>>) target(%arg15 : memref<128xf32, #tpu.memory_space<vmem>>) offsets(%arg7 : memref<128xi32, #tpu.memory_space<vmem>>) semaphore(%arg19 : memref<!tpu.dma_semaphore, #tpu.memory_space<semaphore_mem>>)
      %dma_wait3A_317 = tpu.memref_slice %arg3[%add3A_276] : memref<327680xi32, #tpu.memory_space<hbm>> -> memref<128xi32, #tpu.memory_space<hbm>>
      %dma_wait3A_318 = tpu.memref_slice %arg3[%add3A_276] : memref<327680xi32, #tpu.memory_space<hbm>> -> memref<128xi32, #tpu.memory_space<hbm>>
      tpu.wait_dma2 semaphore(%arg20 : memref<!tpu.dma_semaphore, #tpu.memory_space<semaphore_mem>>) src(%dma_wait3A_318 : memref<128xi32, #tpu.memory_space<hbm>>) dst(%arg8 : memref<128xi32, #tpu.memory_space<vmem>>)
      %dma_wait3A_319 = tpu.memref_slice %arg4[%add3A_281] : memref<327680xi32, #tpu.memory_space<hbm>> -> memref<128xi32, #tpu.memory_space<hbm>>
      %dma_wait3A_320 = tpu.memref_slice %arg4[%add3A_281] : memref<327680xi32, #tpu.memory_space<hbm>> -> memref<128xi32, #tpu.memory_space<hbm>>
      tpu.wait_dma2 semaphore(%arg20 : memref<!tpu.dma_semaphore, #tpu.memory_space<semaphore_mem>>) src(%dma_wait3A_320 : memref<128xi32, #tpu.memory_space<hbm>>) dst(%arg12 : memref<128xi32, #tpu.memory_space<vmem>>)
      %dma_start3A_321 = arith.constant 0 : i32
      %dma_start3A_322 = tpu.memref_slice %arg2[%dma_start3A_321] : memref<10240xf32, #tpu.memory_space<hbm>> -> memref<10240xf32, #tpu.memory_space<hbm>>
      tpu.enqueue_indirect_dma source(%dma_start3A_322 : memref<10240xf32, #tpu.memory_space<hbm>>) target(%arg16 : memref<128xf32, #tpu.memory_space<vmem>>) offsets(%arg8 : memref<128xi32, #tpu.memory_space<vmem>>) semaphore(%arg20 : memref<!tpu.dma_semaphore, #tpu.memory_space<semaphore_mem>>)
      %dma_wait3A_323 = tpu.memref_slice %arg3[%add3A_290] : memref<327680xi32, #tpu.memory_space<hbm>> -> memref<128xi32, #tpu.memory_space<hbm>>
      %dma_wait3A_324 = tpu.memref_slice %arg3[%add3A_290] : memref<327680xi32, #tpu.memory_space<hbm>> -> memref<128xi32, #tpu.memory_space<hbm>>
      tpu.wait_dma2 semaphore(%arg21 : memref<!tpu.dma_semaphore, #tpu.memory_space<semaphore_mem>>) src(%dma_wait3A_324 : memref<128xi32, #tpu.memory_space<hbm>>) dst(%arg9 : memref<128xi32, #tpu.memory_space<vmem>>)
      %dma_wait3A_325 = tpu.memref_slice %arg4[%add3A_295] : memref<327680xi32, #tpu.memory_space<hbm>> -> memref<128xi32, #tpu.memory_space<hbm>>
      %dma_wait3A_326 = tpu.memref_slice %arg4[%add3A_295] : memref<327680xi32, #tpu.memory_space<hbm>> -> memref<128xi32, #tpu.memory_space<hbm>>
      tpu.wait_dma2 semaphore(%arg21 : memref<!tpu.dma_semaphore, #tpu.memory_space<semaphore_mem>>) src(%dma_wait3A_326 : memref<128xi32, #tpu.memory_space<hbm>>) dst(%arg13 : memref<128xi32, #tpu.memory_space<vmem>>)
      %dma_start3A_327 = arith.constant 0 : i32
      %dma_start3A_328 = tpu.memref_slice %arg2[%dma_start3A_327] : memref<10240xf32, #tpu.memory_space<hbm>> -> memref<10240xf32, #tpu.memory_space<hbm>>
      tpu.enqueue_indirect_dma source(%dma_start3A_328 : memref<10240xf32, #tpu.memory_space<hbm>>) target(%arg17 : memref<128xf32, #tpu.memory_space<vmem>>) offsets(%arg9 : memref<128xi32, #tpu.memory_space<vmem>>) semaphore(%arg21 : memref<!tpu.dma_semaphore, #tpu.memory_space<semaphore_mem>>)
      %dma_wait3A_329 = tpu.memref_slice %arg3[%add3A_304] : memref<327680xi32, #tpu.memory_space<hbm>> -> memref<128xi32, #tpu.memory_space<hbm>>
      %dma_wait3A_330 = tpu.memref_slice %arg3[%add3A_304] : memref<327680xi32, #tpu.memory_space<hbm>> -> memref<128xi32, #tpu.memory_space<hbm>>
      tpu.wait_dma2 semaphore(%arg22 : memref<!tpu.dma_semaphore, #tpu.memory_space<semaphore_mem>>) src(%dma_wait3A_330 : memref<128xi32, #tpu.memory_space<hbm>>) dst(%arg10 : memref<128xi32, #tpu.memory_space<vmem>>)
      %dma_wait3A_331 = tpu.memref_slice %arg4[%add3A_309] : memref<327680xi32, #tpu.memory_space<hbm>> -> memref<128xi32, #tpu.memory_space<hbm>>
      %dma_wait3A_332 = tpu.memref_slice %arg4[%add3A_309] : memref<327680xi32, #tpu.memory_space<hbm>> -> memref<128xi32, #tpu.memory_space<hbm>>
      tpu.wait_dma2 semaphore(%arg22 : memref<!tpu.dma_semaphore, #tpu.memory_space<semaphore_mem>>) src(%dma_wait3A_332 : memref<128xi32, #tpu.memory_space<hbm>>) dst(%arg14 : memref<128xi32, #tpu.memory_space<vmem>>)
      %dma_start3A_333 = arith.constant 0 : i32
      %dma_start3A_334 = tpu.memref_slice %arg2[%dma_start3A_333] : memref<10240xf32, #tpu.memory_space<hbm>> -> memref<10240xf32, #tpu.memory_space<hbm>>
      tpu.enqueue_indirect_dma source(%dma_start3A_334 : memref<10240xf32, #tpu.memory_space<hbm>>) target(%arg18 : memref<128xf32, #tpu.memory_space<vmem>>) offsets(%arg10 : memref<128xi32, #tpu.memory_space<vmem>>) semaphore(%arg22 : memref<!tpu.dma_semaphore, #tpu.memory_space<semaphore_mem>>)
      %dma_wait3A_335 = arith.constant 0 : i32
      %dma_wait3A_336 = tpu.memref_slice %arg2[%dma_wait3A_335] : memref<10240xf32, #tpu.memory_space<hbm>> -> memref<10240xf32, #tpu.memory_space<hbm>>
      tpu.wait_indirect_dma semaphore(%arg19 : memref<!tpu.dma_semaphore, #tpu.memory_space<semaphore_mem>>) src(%dma_wait3A_336 : memref<10240xf32, #tpu.memory_space<hbm>>) dst(%arg15 : memref<128xf32, #tpu.memory_space<vmem>>)
      %dma_start3A_337 = arith.constant 0 : i32
      %dma_start3A_338 = tpu.memref_slice %arg24[%dma_start3A_337] : memref<10240xf32, #tpu.memory_space<vmem_shared>> -> memref<10240xf32, #tpu.memory_space<vmem_shared>>
      tpu.enqueue_indirect_dma source(%arg15 : memref<128xf32, #tpu.memory_space<vmem>>) target(%dma_start3A_338 : memref<10240xf32, #tpu.memory_space<vmem_shared>>) offsets(%arg11 : memref<128xi32, #tpu.memory_space<vmem>>) semaphore(%arg19 : memref<!tpu.dma_semaphore, #tpu.memory_space<semaphore_mem>>) {add = true}
      %dma_wait3A_339 = arith.constant 0 : i32
      %dma_wait3A_340 = tpu.memref_slice %arg2[%dma_wait3A_339] : memref<10240xf32, #tpu.memory_space<hbm>> -> memref<10240xf32, #tpu.memory_space<hbm>>
      tpu.wait_indirect_dma semaphore(%arg20 : memref<!tpu.dma_semaphore, #tpu.memory_space<semaphore_mem>>) src(%dma_wait3A_340 : memref<10240xf32, #tpu.memory_space<hbm>>) dst(%arg16 : memref<128xf32, #tpu.memory_space<vmem>>)
      %dma_start3A_341 = arith.constant 0 : i32
      %dma_start3A_342 = tpu.memref_slice %arg24[%dma_start3A_341] : memref<10240xf32, #tpu.memory_space<vmem_shared>> -> memref<10240xf32, #tpu.memory_space<vmem_shared>>
      tpu.enqueue_indirect_dma source(%arg16 : memref<128xf32, #tpu.memory_space<vmem>>) target(%dma_start3A_342 : memref<10240xf32, #tpu.memory_space<vmem_shared>>) offsets(%arg12 : memref<128xi32, #tpu.memory_space<vmem>>) semaphore(%arg20 : memref<!tpu.dma_semaphore, #tpu.memory_space<semaphore_mem>>) {add = true}
      %dma_wait3A_343 = arith.constant 0 : i32
      %dma_wait3A_344 = tpu.memref_slice %arg2[%dma_wait3A_343] : memref<10240xf32, #tpu.memory_space<hbm>> -> memref<10240xf32, #tpu.memory_space<hbm>>
      tpu.wait_indirect_dma semaphore(%arg21 : memref<!tpu.dma_semaphore, #tpu.memory_space<semaphore_mem>>) src(%dma_wait3A_344 : memref<10240xf32, #tpu.memory_space<hbm>>) dst(%arg17 : memref<128xf32, #tpu.memory_space<vmem>>)
      %dma_start3A_345 = arith.constant 0 : i32
      %dma_start3A_346 = tpu.memref_slice %arg24[%dma_start3A_345] : memref<10240xf32, #tpu.memory_space<vmem_shared>> -> memref<10240xf32, #tpu.memory_space<vmem_shared>>
      tpu.enqueue_indirect_dma source(%arg17 : memref<128xf32, #tpu.memory_space<vmem>>) target(%dma_start3A_346 : memref<10240xf32, #tpu.memory_space<vmem_shared>>) offsets(%arg13 : memref<128xi32, #tpu.memory_space<vmem>>) semaphore(%arg21 : memref<!tpu.dma_semaphore, #tpu.memory_space<semaphore_mem>>) {add = true}
      %dma_wait3A_347 = arith.constant 0 : i32
      %dma_wait3A_348 = tpu.memref_slice %arg2[%dma_wait3A_347] : memref<10240xf32, #tpu.memory_space<hbm>> -> memref<10240xf32, #tpu.memory_space<hbm>>
      tpu.wait_indirect_dma semaphore(%arg22 : memref<!tpu.dma_semaphore, #tpu.memory_space<semaphore_mem>>) src(%dma_wait3A_348 : memref<10240xf32, #tpu.memory_space<hbm>>) dst(%arg18 : memref<128xf32, #tpu.memory_space<vmem>>)
      %dma_start3A_349 = arith.constant 0 : i32
      %dma_start3A_350 = tpu.memref_slice %arg24[%dma_start3A_349] : memref<10240xf32, #tpu.memory_space<vmem_shared>> -> memref<10240xf32, #tpu.memory_space<vmem_shared>>
      tpu.enqueue_indirect_dma source(%arg18 : memref<128xf32, #tpu.memory_space<vmem>>) target(%dma_start3A_350 : memref<10240xf32, #tpu.memory_space<vmem_shared>>) offsets(%arg14 : memref<128xi32, #tpu.memory_space<vmem>>) semaphore(%arg22 : memref<!tpu.dma_semaphore, #tpu.memory_space<semaphore_mem>>) {add = true}
      %dma_wait3A_351 = arith.constant 0 : i32
      %dma_wait3A_352 = tpu.memref_slice %arg24[%dma_wait3A_351] : memref<10240xf32, #tpu.memory_space<vmem_shared>> -> memref<10240xf32, #tpu.memory_space<vmem_shared>>
      tpu.wait_indirect_dma semaphore(%arg19 : memref<!tpu.dma_semaphore, #tpu.memory_space<semaphore_mem>>) src(%arg15 : memref<128xf32, #tpu.memory_space<vmem>>) dst(%dma_wait3A_352 : memref<10240xf32, #tpu.memory_space<vmem_shared>>)
      %dma_wait3A_353 = arith.constant 0 : i32
      %dma_wait3A_354 = tpu.memref_slice %arg24[%dma_wait3A_353] : memref<10240xf32, #tpu.memory_space<vmem_shared>> -> memref<10240xf32, #tpu.memory_space<vmem_shared>>
      tpu.wait_indirect_dma semaphore(%arg20 : memref<!tpu.dma_semaphore, #tpu.memory_space<semaphore_mem>>) src(%arg16 : memref<128xf32, #tpu.memory_space<vmem>>) dst(%dma_wait3A_354 : memref<10240xf32, #tpu.memory_space<vmem_shared>>)
      %dma_wait3A_355 = arith.constant 0 : i32
      %dma_wait3A_356 = tpu.memref_slice %arg24[%dma_wait3A_355] : memref<10240xf32, #tpu.memory_space<vmem_shared>> -> memref<10240xf32, #tpu.memory_space<vmem_shared>>
      tpu.wait_indirect_dma semaphore(%arg21 : memref<!tpu.dma_semaphore, #tpu.memory_space<semaphore_mem>>) src(%arg17 : memref<128xf32, #tpu.memory_space<vmem>>) dst(%dma_wait3A_356 : memref<10240xf32, #tpu.memory_space<vmem_shared>>)
      %dma_wait3A_357 = arith.constant 0 : i32
      %dma_wait3A_358 = tpu.memref_slice %arg24[%dma_wait3A_357] : memref<10240xf32, #tpu.memory_space<vmem_shared>> -> memref<10240xf32, #tpu.memory_space<vmem_shared>>
      tpu.wait_indirect_dma semaphore(%arg22 : memref<!tpu.dma_semaphore, #tpu.memory_space<semaphore_mem>>) src(%arg18 : memref<128xf32, #tpu.memory_space<vmem>>) dst(%dma_wait3A_358 : memref<10240xf32, #tpu.memory_space<vmem_shared>>)
    }
    %scan3A_247 = arith.constant 20 : i32
    %barrier3A_248 = arith.constant 0 : index
    tpu.barrier barrier_id(%barrier3A_248)
    %eq3A = arith.constant 0 : i32
    %eq3A_249 = arith.cmpi eq, %arg0, %eq3A : i32
    %convert_element_type3A = arith.extui %eq3A_249 : i1 to i32
    %cond3A = arith.constant 0 : i32
    %cond3A_250 = arith.cmpi ne, %convert_element_type3A, %cond3A : i32
    scf.if %cond3A_250 {
      %mul3A_256 = arith.constant 640 : i32
      %mul3A_257 = arith.muli %arg1, %mul3A_256 : i32
      %mul3A_258 = arith.constant 640 : i32
      %mul3A_259 = arith.muli %arg1, %mul3A_258 : i32
      "tpu.region"() ({
        %run_scoped3A = tpu.sem_alloc : memref<!tpu.dma_semaphore, #tpu.memory_space<semaphore_mem>>
        %dma_start3A = tpu.memref_slice %arg5[%mul3A_259] : memref<10240xf32, #tpu.memory_space<hbm>> -> memref<640xf32, #tpu.memory_space<hbm>>
        %dma_start3A_260 = tpu.memref_slice %arg24[%mul3A_257] : memref<10240xf32, #tpu.memory_space<vmem_shared>> -> memref<640xf32, #tpu.memory_space<vmem_shared>>
        tpu.enqueue_dma source(%dma_start3A_260 : memref<640xf32, #tpu.memory_space<vmem_shared>>) target(%dma_start3A : memref<640xf32, #tpu.memory_space<hbm>>) target_semaphore(%run_scoped3A : memref<!tpu.dma_semaphore, #tpu.memory_space<semaphore_mem>>)
        %dma_wait3A = tpu.memref_slice %arg5[%mul3A_259] : memref<10240xf32, #tpu.memory_space<hbm>> -> memref<640xf32, #tpu.memory_space<hbm>>
        %dma_wait3A_261 = tpu.memref_slice %arg24[%mul3A_257] : memref<10240xf32, #tpu.memory_space<vmem_shared>> -> memref<640xf32, #tpu.memory_space<vmem_shared>>
        tpu.wait_dma2 semaphore(%run_scoped3A : memref<!tpu.dma_semaphore, #tpu.memory_space<semaphore_mem>>) src(%dma_wait3A_261 : memref<640xf32, #tpu.memory_space<vmem_shared>>) dst(%dma_wait3A : memref<640xf32, #tpu.memory_space<hbm>>)
        tpu.yield
      }) : () -> ()
    } else {
    }
    %eq3A_251 = arith.constant 1 : i32
    %eq3A_252 = arith.cmpi eq, %arg0, %eq3A_251 : i32
    %convert_element_type3A_253 = arith.extui %eq3A_252 : i1 to i32
    %cond3A_254 = arith.constant 0 : i32
    %cond3A_255 = arith.cmpi ne, %convert_element_type3A_253, %cond3A_254 : i32
    scf.if %cond3A_255 {
      %mul3A_256 = arith.constant 640 : i32
      %mul3A_257 = arith.muli %arg1, %mul3A_256 : i32
      %mul3A_258 = arith.constant 640 : i32
      %mul3A_259 = arith.muli %arg1, %mul3A_258 : i32
      "tpu.region"() ({
        %run_scoped3A = tpu.sem_alloc : memref<!tpu.dma_semaphore, #tpu.memory_space<semaphore_mem>>
        %dma_start3A = tpu.memref_slice %arg6[%mul3A_259] : memref<10240xf32, #tpu.memory_space<hbm>> -> memref<640xf32, #tpu.memory_space<hbm>>
        %dma_start3A_260 = tpu.memref_slice %arg24[%mul3A_257] : memref<10240xf32, #tpu.memory_space<vmem_shared>> -> memref<640xf32, #tpu.memory_space<vmem_shared>>
        tpu.enqueue_dma source(%dma_start3A_260 : memref<640xf32, #tpu.memory_space<vmem_shared>>) target(%dma_start3A : memref<640xf32, #tpu.memory_space<hbm>>) target_semaphore(%run_scoped3A : memref<!tpu.dma_semaphore, #tpu.memory_space<semaphore_mem>>)
        %dma_wait3A = tpu.memref_slice %arg6[%mul3A_259] : memref<10240xf32, #tpu.memory_space<hbm>> -> memref<640xf32, #tpu.memory_space<hbm>>
        %dma_wait3A_261 = tpu.memref_slice %arg24[%mul3A_257] : memref<10240xf32, #tpu.memory_space<vmem_shared>> -> memref<640xf32, #tpu.memory_space<vmem_shared>>
        tpu.wait_dma2 semaphore(%run_scoped3A : memref<!tpu.dma_semaphore, #tpu.memory_space<semaphore_mem>>) src(%dma_wait3A_261 : memref<640xf32, #tpu.memory_space<vmem_shared>>) dst(%dma_wait3A : memref<640xf32, #tpu.memory_space<hbm>>)
        tpu.yield
      }) : () -> ()
    } else {
    }
    return
  }
}

module attributes {stable_mosaic.version = 14 : i64} {
  func.func @_tc_mm1_body(%arg0: i32, %arg1: memref<1000x165xf32, #tpu.memory_space<vmem>>, %arg2: memref<165x128xf32, #tpu.memory_space<vmem>>, %arg3: memref<1000x1xf32, #tpu.memory_space<vmem>>, %arg4: memref<1000x1xf32, #tpu.memory_space<vmem>>, %arg5: memref<1000x128xf32, #tpu.memory_space<vmem>>) attributes {dimension_semantics = [#tpu.dimension_semantics<arbitrary>], iteration_bounds = array<i64: 10>, scalar_prefetch = 0 : i64, scratch_operands = 0 : i64, tpu.core_type = #tpu.core_type<tc>, window_params = [{transform_indices = @transform_0, window_bounds = array<i64: 1000, 165>}, {pipeline_mode = #tpu.pipeline_mode<synchronous>, transform_indices = @transform_1, window_bounds = array<i64: 165, 128>}, {transform_indices = @transform_2, window_bounds = array<i64: 1000, 1>}, {transform_indices = @transform_3, window_bounds = array<i64: 1000, 1>}, {transform_indices = @transform_4, window_bounds = array<i64: 1000, 128>}]} {
    %get3A = arith.constant 0 : index
    %get3A_0 = arith.constant 0 : index
    %get3A_1 = vector.load %arg3[%get3A, %get3A_0] : memref<1000x1xf32, #tpu.memory_space<vmem>>, vector<1000x1xf32>
    %get3A_2 = arith.constant 0 : index
    %get3A_3 = arith.constant 0 : index
    %get3A_4 = vector.load %arg4[%get3A_2, %get3A_3] : memref<1000x1xf32, #tpu.memory_space<vmem>>, vector<1000x1xf32>
    %add3A = arith.addf %get3A_1, %get3A_4 : vector<1000x1xf32>
    %add3A_5 = arith.constant 1.000000e+00 : f32
    %add3A_6 = vector.broadcast %add3A_5 : f32 to vector<1000x1xf32>
    %add3A_7 = arith.addf %add3A, %add3A_6 : vector<1000x1xf32>
    %rsqrt3A = math.rsqrt %add3A_7 : vector<1000x1xf32>
    %get3A_8 = arith.constant 0 : index
    %get3A_9 = arith.constant 0 : index
    %get3A_10 = vector.load %arg1[%get3A_8, %get3A_9] : memref<1000x165xf32, #tpu.memory_space<vmem>>, vector<1000x165xf32>
    %get3A_11 = arith.constant 0 : index
    %get3A_12 = arith.constant 0 : index
    %get3A_13 = vector.load %arg2[%get3A_11, %get3A_12] : memref<165x128xf32, #tpu.memory_space<vmem>>, vector<165x128xf32>
    %dot_general3A = arith.constant dense<0.000000e+00> : vector<1000x128xf32>
    %dot_general3A_14 = tpu.matmul %get3A_10, %get3A_13, %dot_general3A {dimension_numbers = #tpu.dot_dimension_numbers<[1], [0], [0], [1], [0, 0, 1, 1], [], []>, transpose_lhs_hint = false} : vector<1000x165xf32>, vector<165x128xf32>, vector<1000x128xf32> -> vector<1000x128xf32>
    %mul3A = vector.broadcast %rsqrt3A : vector<1000x1xf32> to vector<1000x128xf32>
    %mul3A_15 = arith.mulf %dot_general3A_14, %mul3A : vector<1000x128xf32>
    %swap3A = arith.constant 0 : index
    %swap3A_16 = arith.constant 0 : index
    %swap3A_17 = vector.load %arg5[%swap3A, %swap3A_16] : memref<1000x128xf32, #tpu.memory_space<vmem>>, vector<1000x128xf32>
    tpu.vector_store %arg5[%swap3A, %swap3A_16], %mul3A_15 {strides = array<i32>} : memref<1000x128xf32, #tpu.memory_space<vmem>>, vector<1000x128xf32>,
    return
  }
  func.func @transform_0(%arg0: i32) -> (i32, i32) {
    %c0_i32 = arith.constant 0 : i32
    %c0_i32_0 = arith.constant 0 : i32
    return %arg0, %c0_i32 : i32, i32
  }
  func.func @transform_1(%arg0: i32) -> (i32, i32) {
    %c0_i32 = arith.constant 0 : i32
    %c0_i32_0 = arith.constant 0 : i32
    %c0_i32_1 = arith.constant 0 : i32
    return %c0_i32, %c0_i32_0 : i32, i32
  }
  func.func @transform_2(%arg0: i32) -> (i32, i32) {
    %c0_i32 = arith.constant 0 : i32
    %c0_i32_0 = arith.constant 0 : i32
    return %arg0, %c0_i32 : i32, i32
  }
  func.func @transform_3(%arg0: i32) -> (i32, i32) {
    %c0_i32 = arith.constant 0 : i32
    %c0_i32_0 = arith.constant 0 : i32
    return %arg0, %c0_i32 : i32, i32
  }
  func.func @transform_4(%arg0: i32) -> (i32, i32) {
    %c0_i32 = arith.constant 0 : i32
    %c0_i32_0 = arith.constant 0 : i32
    return %arg0, %c0_i32 : i32, i32
  }
}

module attributes {stable_mosaic.version = 14 : i64} {
  func.func @_tc_mm2_body(%arg0: i32, %arg1: memref<1000x128xf32, #tpu.memory_space<vmem>>, %arg2: memref<1000x128xf32, #tpu.memory_space<vmem>>, %arg3: memref<1000x128xf32, #tpu.memory_space<vmem>>, %arg4: memref<1000x1xf32, #tpu.memory_space<vmem>>, %arg5: memref<1000x1xf32, #tpu.memory_space<vmem>>, %arg6: memref<1x128xf32, #tpu.memory_space<vmem>>, %arg7: memref<1x128xf32, #tpu.memory_space<vmem>>, %arg8: memref<1000x1xf32, #tpu.memory_space<vmem>>) attributes {dimension_semantics = [#tpu.dimension_semantics<arbitrary>], iteration_bounds = array<i64: 10>, scalar_prefetch = 0 : i64, scratch_operands = 0 : i64, tpu.core_type = #tpu.core_type<tc>, window_params = [{transform_indices = @transform_0, window_bounds = array<i64: 1000, 128>}, {transform_indices = @transform_1, window_bounds = array<i64: 1000, 128>}, {transform_indices = @transform_2, window_bounds = array<i64: 1000, 128>}, {transform_indices = @transform_3, window_bounds = array<i64: 1000, 1>}, {transform_indices = @transform_4, window_bounds = array<i64: 1000, 1>}, {pipeline_mode = #tpu.pipeline_mode<synchronous>, transform_indices = @transform_5, window_bounds = array<i64: 1, 128>}, {pipeline_mode = #tpu.pipeline_mode<synchronous>, transform_indices = @transform_6, window_bounds = array<i64: 1, 128>}, {transform_indices = @transform_7, window_bounds = array<i64: 1000, 1>}]} {
    %get3A = arith.constant 0 : index
    %get3A_0 = arith.constant 0 : index
    %get3A_1 = vector.load %arg4[%get3A, %get3A_0] : memref<1000x1xf32, #tpu.memory_space<vmem>>, vector<1000x1xf32>
    %get3A_2 = arith.constant 0 : index
    %get3A_3 = arith.constant 0 : index
    %get3A_4 = vector.load %arg5[%get3A_2, %get3A_3] : memref<1000x1xf32, #tpu.memory_space<vmem>>, vector<1000x1xf32>
    %add3A = arith.addf %get3A_1, %get3A_4 : vector<1000x1xf32>
    %add3A_5 = arith.constant 1.000000e+00 : f32
    %add3A_6 = vector.broadcast %add3A_5 : f32 to vector<1000x1xf32>
    %add3A_7 = arith.addf %add3A, %add3A_6 : vector<1000x1xf32>
    %rsqrt3A = math.rsqrt %add3A_7 : vector<1000x1xf32>
    %get3A_8 = arith.constant 0 : index
    %get3A_9 = arith.constant 0 : index
    %get3A_10 = vector.load %arg1[%get3A_8, %get3A_9] : memref<1000x128xf32, #tpu.memory_space<vmem>>, vector<1000x128xf32>
    %get3A_11 = arith.constant 0 : index
    %get3A_12 = arith.constant 0 : index
    %get3A_13 = vector.load %arg2[%get3A_11, %get3A_12] : memref<1000x128xf32, #tpu.memory_space<vmem>>, vector<1000x128xf32>
    %add3A_14 = arith.addf %get3A_10, %get3A_13 : vector<1000x128xf32>
    %get3A_15 = arith.constant 0 : index
    %get3A_16 = arith.constant 0 : index
    %get3A_17 = vector.load %arg3[%get3A_15, %get3A_16] : memref<1000x128xf32, #tpu.memory_space<vmem>>, vector<1000x128xf32>
    %add3A_18 = arith.addf %add3A_14, %get3A_17 : vector<1000x128xf32>
    %mul3A = vector.broadcast %rsqrt3A : vector<1000x1xf32> to vector<1000x128xf32>
    %mul3A_19 = arith.mulf %mul3A, %add3A_18 : vector<1000x128xf32>
    %get3A_20 = arith.constant 0 : index
    %get3A_21 = arith.constant 0 : index
    %get3A_22 = vector.load %arg6[%get3A_20, %get3A_21] : memref<1x128xf32, #tpu.memory_space<vmem>>, vector<1x128xf32>
    %add3A_23 = vector.broadcast %get3A_22 : vector<1x128xf32> to vector<1000x128xf32>
    %add3A_24 = arith.addf %mul3A_19, %add3A_23 : vector<1000x128xf32>
    %max3A = arith.constant 0.000000e+00 : f32
    %max3A_25 = vector.broadcast %max3A : f32 to vector<1000x128xf32>
    %max3A_26 = arith.maximumf %add3A_24, %max3A_25 : vector<1000x128xf32>
    %get3A_27 = arith.constant 0 : index
    %get3A_28 = arith.constant 0 : index
    %get3A_29 = vector.load %arg7[%get3A_27, %get3A_28] : memref<1x128xf32, #tpu.memory_space<vmem>>, vector<1x128xf32>
    %mul3A_30 = vector.broadcast %get3A_29 : vector<1x128xf32> to vector<1000x128xf32>
    %mul3A_31 = arith.mulf %max3A_26, %mul3A_30 : vector<1000x128xf32>
    %reduce_sum3A = arith.constant dense<0.000000e+00> : vector<1000xf32>
    %reduce_sum3A_32 = vector.multi_reduction <add>, %mul3A_31, %reduce_sum3A [1] : vector<1000x128xf32> to vector<1000xf32>
    %broadcast_in_dim3A = vector.shape_cast %reduce_sum3A_32 : vector<1000xf32> to vector<1000x1xf32>
    %mul3A_33 = arith.mulf %rsqrt3A, %broadcast_in_dim3A : vector<1000x1xf32>
    %swap3A = arith.constant 0 : index
    %swap3A_34 = arith.constant 0 : index
    %swap3A_35 = vector.load %arg8[%swap3A, %swap3A_34] : memref<1000x1xf32, #tpu.memory_space<vmem>>, vector<1000x1xf32>
    tpu.vector_store %arg8[%swap3A, %swap3A_34], %mul3A_33 {strides = array<i32>} : memref<1000x1xf32, #tpu.memory_space<vmem>>, vector<1000x1xf32>,
    return
  }
  func.func @transform_0(%arg0: i32) -> (i32, i32) {
    %c0_i32 = arith.constant 0 : i32
    %c0_i32_0 = arith.constant 0 : i32
    return %arg0, %c0_i32 : i32, i32
  }
  func.func @transform_1(%arg0: i32) -> (i32, i32) {
    %c0_i32 = arith.constant 0 : i32
    %c0_i32_0 = arith.constant 0 : i32
    return %arg0, %c0_i32 : i32, i32
  }
  func.func @transform_2(%arg0: i32) -> (i32, i32) {
    %c0_i32 = arith.constant 0 : i32
    %c0_i32_0 = arith.constant 0 : i32
    return %arg0, %c0_i32 : i32, i32
  }
  func.func @transform_3(%arg0: i32) -> (i32, i32) {
    %c0_i32 = arith.constant 0 : i32
    %c0_i32_0 = arith.constant 0 : i32
    return %arg0, %c0_i32 : i32, i32
  }
  func.func @transform_4(%arg0: i32) -> (i32, i32) {
    %c0_i32 = arith.constant 0 : i32
    %c0_i32_0 = arith.constant 0 : i32
    return %arg0, %c0_i32 : i32, i32
  }
  func.func @transform_5(%arg0: i32) -> (i32, i32) {
    %c0_i32 = arith.constant 0 : i32
    %c0_i32_0 = arith.constant 0 : i32
    %c0_i32_1 = arith.constant 0 : i32
    return %c0_i32, %c0_i32_0 : i32, i32
  }
  func.func @transform_6(%arg0: i32) -> (i32, i32) {
    %c0_i32 = arith.constant 0 : i32
    %c0_i32_0 = arith.constant 0 : i32
    %c0_i32_1 = arith.constant 0 : i32
    return %c0_i32, %c0_i32_0 : i32, i32
  }
  func.func @transform_7(%arg0: i32) -> (i32, i32) {
    %c0_i32 = arith.constant 0 : i32
    %c0_i32_0 = arith.constant 0 : i32
    return %arg0, %c0_i32 : i32, i32
  }
}

module attributes {stable_mosaic.version = 14 : i64} {
  func.func @_tc_fin_body(%arg0: memref<80x125xf32, #tpu.memory_space<vmem>>, %arg1: memref<80x125xf32, #tpu.memory_space<vmem>>, %arg2: memref<80x125xf32, #tpu.memory_space<vmem>>, %arg3: memref<80x125xf32, #tpu.memory_space<vmem>>, %arg4: memref<80x125xf32, #tpu.memory_space<vmem>>, %arg5: memref<1x1xf32, #tpu.memory_space<vmem>>, %arg6: memref<80x125xf32, #tpu.memory_space<vmem>>) attributes {dimension_semantics = [], scalar_prefetch = 0 : i64, scratch_operands = 0 : i64, tpu.core_type = #tpu.core_type<tc>} {
    %get3A = arith.constant 0 : index
    %get3A_0 = arith.constant 0 : index
    %get3A_1 = vector.load %arg3[%get3A, %get3A_0] : memref<80x125xf32, #tpu.memory_space<vmem>>, vector<80x125xf32>
    %get3A_2 = arith.constant 0 : index
    %get3A_3 = arith.constant 0 : index
    %get3A_4 = vector.load %arg4[%get3A_2, %get3A_3] : memref<80x125xf32, #tpu.memory_space<vmem>>, vector<80x125xf32>
    %add3A = arith.addf %get3A_1, %get3A_4 : vector<80x125xf32>
    %add3A_5 = arith.constant 1.000000e+00 : f32
    %add3A_6 = vector.broadcast %add3A_5 : f32 to vector<80x125xf32>
    %add3A_7 = arith.addf %add3A, %add3A_6 : vector<80x125xf32>
    %rsqrt3A = math.rsqrt %add3A_7 : vector<80x125xf32>
    %get3A_8 = arith.constant 0 : index
    %get3A_9 = arith.constant 0 : index
    %get3A_10 = vector.load %arg0[%get3A_8, %get3A_9] : memref<80x125xf32, #tpu.memory_space<vmem>>, vector<80x125xf32>
    %get3A_11 = arith.constant 0 : index
    %get3A_12 = arith.constant 0 : index
    %get3A_13 = vector.load %arg1[%get3A_11, %get3A_12] : memref<80x125xf32, #tpu.memory_space<vmem>>, vector<80x125xf32>
    %add3A_14 = arith.addf %get3A_10, %get3A_13 : vector<80x125xf32>
    %get3A_15 = arith.constant 0 : index
    %get3A_16 = arith.constant 0 : index
    %get3A_17 = vector.load %arg2[%get3A_15, %get3A_16] : memref<80x125xf32, #tpu.memory_space<vmem>>, vector<80x125xf32>
    %add3A_18 = arith.addf %add3A_14, %get3A_17 : vector<80x125xf32>
    %mul3A = arith.mulf %rsqrt3A, %add3A_18 : vector<80x125xf32>
    %get3A_19 = arith.constant 0 : index
    %get3A_20 = arith.constant 0 : index
    %get3A_21 = vector.load %arg5[%get3A_19, %get3A_20] : memref<1x1xf32, #tpu.memory_space<vmem>>, vector<1x1xf32>
    %get3A_22 = vector.extract %get3A_21[0, 0] : f32 from vector<1x1xf32>
    %add3A_23 = vector.broadcast %get3A_22 : f32 to vector<80x125xf32>
    %add3A_24 = arith.addf %mul3A, %add3A_23 : vector<80x125xf32>
    %logistic3A = arith.negf %add3A_24 : vector<80x125xf32>
    %logistic3A_25 = math.exp %logistic3A : vector<80x125xf32>
    %logistic3A_26 = arith.constant 1.000000e+00 : f32
    %logistic3A_27 = vector.broadcast %logistic3A_26 : f32 to vector<80x125xf32>
    %logistic3A_28 = arith.addf %logistic3A_27, %logistic3A_25 : vector<80x125xf32>
    %logistic3A_29 = arith.divf %logistic3A_27, %logistic3A_28 : vector<80x125xf32>
    %swap3A = arith.constant 0 : index
    %swap3A_30 = arith.constant 0 : index
    %swap3A_31 = vector.load %arg6[%swap3A, %swap3A_30] : memref<80x125xf32, #tpu.memory_space<vmem>>, vector<80x125xf32>
    tpu.vector_store %arg6[%swap3A, %swap3A_30], %logistic3A_29 {strides = array<i32>} : memref<80x125xf32, #tpu.memory_space<vmem>>, vector<80x125xf32>,
    return
  }
}

</mosaic_0001>

<sc_bundles>
// kernel: kernel.11.cloned.1.call-start
scs
__scs_entry_jumppad:
0x0: {  	(pc) =	sbr.rel $0x88, $3  }
0x1: {  	(tag) =	ssettag $0x0;
	lr =	simm.s32 $0x1  }
0x2: {  	[smem:$0x3F9B] =	sst lr;
	_ =	strace $0xD0000000  }
0x3: {  	_ = 	snop  }
0x4: {  	_ = 	snop  }
0x5: {  	_ = 	snop  }
0x6: {  	_ = 	snop  }
0x7: {  	_ = 	snop  }
__scs_overlays_trampoline_lowered:
0x8: {  	[smem:$0x3FAA] =	sst s0  }
0x9: {  	[smem:$0x3FAB] =	sst s1  }
0xa: {  	[smem:$0x3FAC] =	sst s2  }
0xb: {  	[smem:$0x3FAD] =	sst s3  }
0xc: {  	[smem:$0x3FAE] =	sst s4  }
0xd: {  	[smem:$0x3FAF] =	sst s5  }
0xe: {  	[smem:$0x3FB0] =	sst s6  }
0xf: {  	[smem:$0x3FB1] =	sst s7  }
0x10: {  	[smem:$0x3FB2] =	sst s8  }
0x11: {  	[smem:$0x3FB3] =	sst s9;
	s0 =	simm.s32 @!p0 $0x0  }
0x12: {  	s1 =	sld [smem:$0x3F99];
	s0 =	simm.s32 @p0 $0x1  }
0x13: {  	[smem:$0x3FB4] =	sst s0;
	s0 =	simm.s32 @!p1 $0x0  }
0x14: {  	s2 =	sld [smem:$0x3F98];
	s0 =	simm.s32 @p1 $0x1  }
0x15: {  	[smem:$0x3FB5] =	sst s0;
	s0 =	simm.s32 @!p2 $0x0  }
0x16: {  	s3 =	sld [smem:$0x3FDB];
	s0 =	simm.s32 @p2 $0x1  }
0x17: {  	s4 =	simm.s32 $0x1BF5;
	[smem:$0x3FB7] =	sst s0  }
0x18: {  	s0 =	sld [smem:$0x3F9A];
	_ =	swait.ge [sflag:s4], $0x0  }
0x19: {  	s7 =	sld [smem:$0x3F9B]  }
0x1a: {  	s8 =	sadd.s32 $0xFFFFE003, lr  }
0x1b: {  	s9 =	sadd.s32 $0xFFFFFEF7, lr;
	s5 =	simm.s32 $0xFFFFFFFF;
	p2 =	slt.u32 s8, $0xFFFFF086  }
0x1c: {  	p1 =	slt.u32 s9, $0xF7A;
	s5 =	simm.s32 @!p2 $0x0  }
0x1d: {  	s5 =	simm.s32 @p1 $0x1;
	p0 =	seq.s32 s7, s2  }
0x1e: {  	s7 =	smul.u32 @!p0 $0xF7A, s2;
	p2 =	seq.s32 @!p0 s5, $0x0  }
0x1f: {  	s9 =	smul.u32 $0xF7A, s1;
	s8 =	simm.s32 @!p0 $0x1BF5;
	p2 =	por !p2, p0  }
0x20: {  	[sflag:s8] =	ssyncset.s32 @!p0 $0xFFFFF086;
	s6 =	sadd.s32 @!p0 s3, s7;
	s7 =	simm.s32 @!p0 $0x108  }
0x21: {  	s3 =	sadd.s32 s3, s9;
	s6 =	sadd.s32 @!p0 $0x88, s6;
	s7 =	simm.s32 @p2 $0x1082  }
0x22: {  	[simem:s7], [sflag:s8] =	dma.local @!p0 [hbm:s6], $0xF7A  }
0x23: {  	s9 =	sor.u32 $0xD0000000, s2;
	s6 =	simm.s32 $0x108;
	_ =	swait.ge @!p0 [sflag:s8], $0x0  }
0x24: {  	s3 =	sadd.s32 $0x88, s3;
	s6 =	simm.s32 @!p1 $0x1082;
	[sflag:s4] =	ssyncset.s32 $0xFFFFF086  }
0x25: {  	[simem:s6], [sflag:s4] =	dma.local [hbm:s3], $0xF7A  }
0x26: {  	[smem:$0x3F9B] =	sst s1;
	(tag) =	ssettag s2;
	_ =	strace s9  }
0x27: {  	s1 =	sld [smem:$0x3FAB]  }
0x28: {  	s2 =	sld [smem:$0x3FAC]  }
0x29: {  	s4 =	sld [smem:$0x3FAE]  }
0x2a: {  	p0 =	seq.s32 s5, $0x0;
	s5 =	sld [smem:$0x3FAF]  }
0x2b: {  	s6 =	sld [smem:$0x3FB0]  }
0x2c: {  	s7 =	sld [smem:$0x3FB1]  }
0x2d: {  	s3 =	simm.s32 $0x108;
	s8 =	sld [smem:$0x3FB2]  }
0x2e: {  	s3 =	simm.s32 @!p0 $0x1082;
	s9 =	sld [smem:$0x3FB3]  }
0x2f: {  	lr =	sadd.s32 s0, s3;
	s0 =	sld [smem:$0x3FAA]  }
0x30: {  	s3 =	sld [smem:$0x3FAD]  }
0x31: {  	[smem:$0x3FB6] =	sst s10  }
0x32: {  	s10 =	sld [smem:$0x3FB4];
	_ =	sdelay $0x3  }
0x33: {  	p0 =	seq.s32 s10, $0x1;
	s10 =	sld [smem:$0x3FB6];
	_ =	sdelay $0x3  }
0x34: {  	[smem:$0x3FB6] =	sst s10  }
0x35: {  	s10 =	sld [smem:$0x3FB5];
	_ =	sdelay $0x3  }
0x36: {  	p1 =	seq.s32 s10, $0x1;
	s10 =	sld [smem:$0x3FB6];
	_ =	sdelay $0x3  }
0x37: {  	[smem:$0x3FB6] =	sst s10  }
0x38: {  	s10 =	sld [smem:$0x3FB7]  }
0x39: {  	_ = 	snop;
	(pc) =	sbr.ind lr, $3  }
0x3a: {  	_ = 	snop  }
0x3b: {  	_ = 	snop  }
0x3c: {  	p2 =	seq.s32 s10, $0x1;
	s10 =	sld [smem:$0x3FB6]  }
0x3d: {  	_ =	shalt  }
0x3e: {  	_ =	shalt  }
0x3f: {  	_ =	shalt  }
0x40: {  	_ =	shalt  }
0x41: {  	_ =	shalt  }
0x42: {  	_ =	shalt  }
0x43: {  	_ =	shalt  }
0x44: {  	_ =	shalt  }
0x45: {  	_ =	shalt  }
0x46: {  	_ =	shalt  }
0x47: {  	_ =	shalt  }
0x48: {  	_ =	shalt  }
0x49: {  	_ =	shalt  }
0x4a: {  	_ =	shalt  }
0x4b: {  	_ =	shalt  }
0x4c: {  	_ =	shalt  }
0x4d: {  	_ =	shalt  }
0x4e: {  	_ =	shalt  }
0x4f: {  	_ =	shalt  }
0x50: {  	_ =	shalt  }
0x51: {  	_ =	shalt  }
0x52: {  	_ =	shalt  }
0x53: {  	_ =	shalt  }
0x54: {  	_ =	shalt  }
0x55: {  	_ =	shalt  }
0x56: {  	_ =	shalt  }
0x57: {  	_ =	shalt  }
0x58: {  	_ =	shalt  }
0x59: {  	_ =	shalt  }
0x5a: {  	_ =	shalt  }
0x5b: {  	_ =	shalt  }
0x5c: {  	_ =	shalt  }
0x5d: {  	_ =	shalt  }
0x5e: {  	_ =	shalt  }
0x5f: {  	_ =	shalt  }
0x60: {  	_ =	shalt  }
0x61: {  	_ =	shalt  }
0x62: {  	_ =	shalt  }
0x63: {  	_ =	shalt  }
0x64: {  	_ =	shalt  }
0x65: {  	_ =	shalt  }
0x66: {  	_ =	shalt  }
0x67: {  	_ =	shalt  }
0x68: {  	_ =	shalt  }
0x69: {  	_ =	shalt  }
0x6a: {  	_ =	shalt  }
0x6b: {  	_ =	shalt  }
0x6c: {  	_ =	shalt  }
0x6d: {  	_ =	shalt  }
0x6e: {  	_ =	shalt  }
0x6f: {  	_ =	shalt  }
0x70: {  	_ =	shalt  }
0x71: {  	_ =	shalt  }
0x72: {  	_ =	shalt  }
0x73: {  	_ =	shalt  }
0x74: {  	_ =	shalt  }
0x75: {  	_ =	shalt  }
0x76: {  	_ =	shalt  }
0x77: {  	_ =	shalt  }
0x78: {  	_ =	shalt  }
0x79: {  	_ =	shalt  }
0x7a: {  	_ =	shalt  }
0x7b: {  	_ =	shalt  }
0x7c: {  	_ =	shalt  }
0x7d: {  	_ =	shalt  }
0x7e: {  	_ =	shalt  }
0x7f: {  	_ =	shalt  }
0x80: {  	_ =	shalt  }
0x81: {  	_ =	shalt  }
0x82: {  	_ =	shalt  }
0x83: {  	_ =	shalt  }
0x84: {  	_ =	shalt  }
0x85: {  	_ =	shalt  }
0x86: {  	_ =	shalt  }
0x87: {  	_ =	shalt  }
.Lfunc_end0:
.L_simem_size_0:
called_computation.1_lowered:
.L_overlay_start_0:
0x88: {  	s2 =	sld [smem:$0x3FD9]  }
0x89: {  	s3 =	sld [smem:$0x3FFE];
	_ =	sdelay $0x1  }
0x8a: {  	s1 =	srdreg.scid  }
0x8b: {  	s0 =	sand.u32 $0x1, s1  }
0x8c: {  	s16 =	sshll.u32 s0, $0xA;
	s2 =	sadd.s32 s3, s2  }
0x8d: {  	s2 =	sadd.s32 s2, s16  }
0x8e: {  	[smem:$0x3FC2] =	sst s2  }
0x8f: {  	_ = 	snop  }
0x90: {  	(tm) =	ssettm $0x1  }
0x91: {  	s17 =	sld [smem:$0x3FFB];
	_ =	sdelay $0x3  }
0x92: {  	_ =	strace s17  }
0x93: {  	s2 =	sld [smem:$0x3FFC];
	_ =	sdelay $0x3  }
0x94: {  	_ =	strace s2  }
0x95: {  	s2 =	sld [smem:$0x3FFD];
	_ =	sdelay $0x3  }
0x96: {  	_ =	strace s2  }
0x97: {  	_ =	strace $0x8FFFFFFF  }
0x98: {  	s18 =	sld [smem:$0x3FDB];
	_ =	sdelay $0x1  }
0x99: {  	s19 =	simm.s32 $_scs_section_size  }
0x9a: {  	s4 =	simm.s32 $_size__tile_overlayer_lowered;
	s5 =	simm.s32 $_tile_overlayer_lowered  }
0x9b: {  	s22 =	simm.s32 $0x1BFF;
	s21 =	sshll.u32 s5, $0x1;
	s2 =	sadd.s32 s19, s18  }
0x9c: {  	s6 =	simm.s32 $0x0;
	s20 =	sshll.u32 s4, $0x1;
	s4 =	sadd.s32 s21, s2  }
0x9d: {  	[timem:s6], [sflag:s22] =	dma.local [hbm:s4], s20  }
0x9e: {  	_ =	swait.ge [sflag:s22], s20  }
0x9f: {  	s3 =	ssub.s32 $0x0, s20;
	[sflag:s22] =	ssyncset.done $0x0  }
0xa0: {  	[sflag:s22] =	ssyncadd.s32 s3;
	_ =	sdelay $0x1  }
0xa1: {  	s23 =	simm.s32 $0x1B8B  }
0xa2: {  	_ =	swait.ge [sflag:s23], $0x1  }
0xa3: {  	[sflag:s23] =	ssyncset.done $0x0  }
0xa4: {  	s25 =	simm.s32 $0x1B8E;
	s24 =	sld [smem:$0x3FFE];
	[sflag:s23] =	ssyncadd.s32 $0xFFFFFFFF  }
0xa5: {  	s26 =	simm.s32 $execute0_lowered;
	[smem:$0x3FD2] =	sst s25  }
0xa6: {  	s4 =	sshll.u32 s26, $0x1;
	_ =	strace $0x80000049;
	[dreg:$0x1] =	wrdreg $0xFFFFFFFF  }
0xa7: {  	s28 =	simm.s32 $_size_execute0_lowered;
	s2 =	sadd.s32 s2, s4;
	[dreg:$0x0] =	wrdreg $0x0  }
0xa8: {  	s4 =	sshll.u32 s28, $0x1;
	[dreg:$0x2] =	wrdreg s2  }
0xa9: {  	[dreg:$0x3] =	wrdreg s4  }
0xaa: {  	[dreg:$0x4] =	wrdreg $0xC0  }
0xab: {  	_ =	task [dreg:s6], $0x5FFFF  }
0xac: {  	[dreg:$0x1] =	wrdreg $0xFFFFFFFF  }
0xad: {  	[dreg:$0x0] =	wrdreg $0x60  }
0xae: {  	[dreg:$0x2] =	wrdreg s24  }
0xaf: {  	[dreg:$0x3] =	wrdreg $0x29000  }
0xb0: {  	[dreg:$0x4] =	wrdreg $0x9  }
0xb1: {  	_ =	task.clear_ibuf [dreg:s6], $0x5FFFF;
	_ =	strace $0x90000049  }
0xb2: {  	s29 =	simm.s32 $0x9;
	_ =	strace $0x8000004B  }
0xb3: {  	_ =	swait.ge [sflag:s29], $0x1  }
0xb4: {  	[sflag:s29] =	ssyncadd.s32 $0xFFFFFFFF  }
0xb5: {  	_ =	strace $0x9000004B  }
0xb6: {  	_ =	sfence  }
0xb7: {  	s30 =	sld [smem:$0x0];
	_ =	sdelay $0x2  }
0xb8: {  	s31 =	sshll.u32 s1, $0xD;
	s1 =	sshrl.u32 s1, $0x2  }
0xb9: {  	s3 =	sand.u32 $0x4000, s31;
	s1 =	sadd.s32 s1, s30  }
0xba: {  	s0 =	sor.u32 s3, s0;
	s1 =	sshll.u32 s1, $0x11  }
0xbb: {  	s0 =	sor.u32 s1, s0  }
0xbc: {  	s0 =	sadd.s32 $0x8F2B, s0  }
0xbd: {  	[sflag:s0] =	ssyncadd.remote.s32 $0x1  }
0xbe: {  	_ =	sfence.sel $0xFFFF  }
0xbf: {  	[dreg:$0x0] =	wrdreg $0xFFFFFFFF;
	(pc) =	sbr.abs _section_cstart, $3  }
0xc0: {  	[dreg:$0x1] =	wrdreg $0xFFFFFFFF  }
0xc1: {  	_ =	task.clear_ibuf [dreg:s6], $0x2FFFF;
	_ =	strace $0x9FFFFFFF  }
0xc2: {  	(tm) =	ssettm $0x7FFFFFFF  }
0xc3: {  	_ =	shalt  }
tec
execute0_lowered:
.L_overlay_start_1:
0x0: {  	(tag) =	ssettag $0x1  }
0x1: {  	s6 =	rddreg [dreg:$0x0]  }
0x2: {  	s2 =	rddreg [dreg:$0x1];
	s3 =	simm.s32 $0x0  }
0x3: {  	s1 =	stileid.u32;
	s4 =	srdreg.scid;
	s22 =	simm.s32 $0x3  }
0x4: {  	s23 =	simm.s32 $0x80;
	s24 =	simm.s32 $0x1;
	s25 =	simm.s32 $0x50  }
0x5: {  	s26 =	simm.s32 $0x2;
	s28 =	simm.s32 $0x0;
	s5 =	smul.u32 $0x500, s1  }
0x6: {  	[smem:$0x7FF] =	sst s3;
	s21 =	sand.u32 $0x1, s4;
	s7 =	smul.u32 $0x50000, s1  }
0x7: {  	s4 =	sadd.s32 $0xC000, s6;
	s0 =	sadd.s32 $0x64200, s6;
	_ =	strace $0x8000004A  }
0x8: {  	s8 =	ssub.s32 $0x2, s21;
	[dreg:$0x3] =	wrdreg s0;
	p0 =	sne.s32 s21, $0x0  }
0x9: {  	s21 =	simm.s32 $0x100;
	s20 =	sadd.s32 s5, s6;
	s9 =	sshrl.u32 s8, $0x1  }
0xa: {  	s7 =	sshrl.u32 s7, $0x2;
	s9 =	ssub.s32 s8, s9;
	s8 =	smul.u32 $0x2800, s1  }
.Ltmp0:
0xb: {  	s6 =	sadd.s32 $0x8C200, s6;
	s7 =	sadd.s32 s7, s2;
	(pc) =	sbr.rel .LBB2_1-.Ltmp0, $4  }
0xc: {  	s17 =	sadd.s32 $0x1400, s20;
	s18 =	sadd.s32 $0x6400, s20;
	s19 =	sadd.s32 $0x5A200, s20  }
0xd: {  	s20 =	sadd.s32 $0x5F200, s20;
	s9 =	smax.u32 s9, $0x1;
	s10 =	sadd.s32 $0x2800, s7  }
0xe: {  	s11 =	sadd.s32 $0x5000, s7;
	s12 =	sadd.s32 $0x7800, s7;
	s13 =	sadd.s32 $0xA000, s7  }
0xf: {  	v0 =	vimm.f32 $0.0e+00;
	s14 =	sadd.s32 $0xC800, s7;
	s15 =	sadd.s32 $0xF000, s7;
	s16 =	sadd.s32 $0x11800, s7  }
.LBB2_9:
0x10: {  	s0 =	sadd.s32 s29, s20;
	[sflag:s22] =	ssyncadd.s32 $0xFFFFD800  }
0x11: {  	[tilespmem:s3], [sflag:$0x1] =	stream.linear.gather [hbm4b:s0+s3], $0x50, $0x38;
	[tilespmem:$0x16900] =	vst v63  }
0x12: {  	s31 =	sadd.s32 s29, s18  }
0x13: {  	[tilespmem:s23], [sflag:$0x1] =	stream.linear.gather [hbm4b:s31+s3], $0x50, $0x38;
	[tilespmem:$0x16900] =	vst v63  }
0x14: {  	_ =	swait.ge [sflag:s24], $0x50  }
0x15: {  	[sflag:s24] =	ssyncset.done $0x0  }
0x16: {  	[sflag:s24] =	ssyncadd.s32 $0xFFFFFFB0  }
0x17: {  	_ =	swait.ge [sflag:s24], $0x50  }
0x18: {  	[sflag:s24] =	ssyncset.done $0x0  }
0x19: {  	[sflag:s24] =	ssyncadd.s32 $0xFFFFFFB0  }
0x1a: {  	[tilespmem:s21], [sflag:$0x2] =	stream.indirect.gather [hbm4b:s4+s25], $0x80, s3, s25, $0xb8;
	[tilespmem:$0x16900] =	vst v63  }
0x1b: {  	_ =	swait.ge [sflag:s26], $0x2800  }
0x1c: {  	[sflag:s26] =	ssyncset.done $0x0  }
0x1d: {  	[sflag:s26] =	ssyncadd.s32 $0xFFFFD800  }
0x1e: {  	[spmem:s2] =	stream.indirect.scatter.add.f32 [tilespmem:s21], [sflag:$0x3], $0x80, s23, s25, $0xb8;
	[tilespmem:$0x16900] =	vst v63  }
0x1f: {  	_ =	swait.ge [sflag:s22], $0x2800  }
0x20: {  	[sflag:s22] =	ssyncset.done $0x0  }
0x21: {  	s29 =	smov.u32 s6;
	[sflag:s22] =	ssyncadd.s32 $0xFFFFD800  }
.LBB2_10:
0x22: {  	s0 =	sadd.s32 s29, s8;
	s28 =	sadd.s32 $0x1, s28  }
0x23: {  	s5 =	sshll.u32 s1, $0x6;
	[bflag:$0x0] =	sbarrier.arrive $0xFFFF;
	p1 =	sne.s32 s28, s9  }
.Ltmp1:
0x24: {  	s31 =	sshrl.u32 s7, $0x3;
	s5 =	sor.u32 $0x1C03, s5;
	(pc) =	sbr.rel @!p1 .LBB2_11-.Ltmp1, $4  }
0x25: {  	[hbm:s0], [sflag:s5] =	dma.local [spmem:s31], $0x2800  }
0x26: {  	_ =	swait.ge [sflag:s22], $0x2800  }
0x27: {  	[sflag:s22] =	ssyncset.done $0x0  }
0x28: {  	[sflag:s22] =	ssyncadd.s32 $0xFFFFD800  }
.LBB2_1:
0x29: {  	s29 =	sand.u32 $0xFE00, s3  }
0x2a: {  	s30 =	sand.u32 $0x70, s3;
	s31 =	sshrl.u32 s29, $0x2  }
0x2b: {  	s29 =	simm.s32 $0x40;
	s31 =	sor.u32 s30, s31;
	s30 =	simm.s32 $0x0  }
.LBB2_2:
0x2c: {  	p1 =	sne.s32 s29, $0x9FC0  }
0x2d: {  	[tilespmem:s31+$0x100] =	vst v0;
	s30 =	sadd.s32 $0x10, s30;
	s31 =	smov.u32 s29;
	s29 =	sadd.s32 $0x40, s29  }
.Ltmp2:
0x2e: {  	(pc) =	sbr.rel @p1 .LBB2_2-.Ltmp2, $4  }
0x2f: {  	_ = 	snop  }
0x30: {  	s31 =	sand.u32 $0xFE00, s31  }
0x31: {  	s0 =	sand.u32 $0x70, s30;
	s31 =	sshrl.u32 s31, $0x2  }
0x32: {  	s31 =	sor.u32 s0, s31  }
0x33: {  	[tilespmem:s31+$0x100] =	vst v0  }
0x34: {  	[spmem:s7] =	stream.linear.scatter [tilespmem:s21], [sflag:$0x3], $0x2800, $0x38;
	[tilespmem:$0x16900] =	vst v63  }
0x35: {  	_ =	swait.ge [sflag:s22], $0x2800  }
0x36: {  	[sflag:s22] =	ssyncset.done $0x0  }
0x37: {  	[sflag:s22] =	ssyncadd.s32 $0xFFFFD800  }
0x38: {  	[spmem:s10] =	stream.linear.scatter [tilespmem:s21], [sflag:$0x3], $0x2800, $0x38;
	[tilespmem:$0x16900] =	vst v63  }
0x39: {  	_ =	swait.ge [sflag:s22], $0x2800  }
0x3a: {  	[sflag:s22] =	ssyncset.done $0x0  }
0x3b: {  	[sflag:s22] =	ssyncadd.s32 $0xFFFFD800  }
0x3c: {  	[spmem:s11] =	stream.linear.scatter [tilespmem:s21], [sflag:$0x3], $0x2800, $0x38;
	[tilespmem:$0x16900] =	vst v63  }
0x3d: {  	_ =	swait.ge [sflag:s22], $0x2800  }
0x3e: {  	[sflag:s22] =	ssyncset.done $0x0  }
0x3f: {  	[sflag:s22] =	ssyncadd.s32 $0xFFFFD800  }
0x40: {  	[spmem:s12] =	stream.linear.scatter [tilespmem:s21], [sflag:$0x3], $0x2800, $0x38;
	[tilespmem:$0x16900] =	vst v63  }
0x41: {  	_ =	swait.ge [sflag:s22], $0x2800  }
0x42: {  	[sflag:s22] =	ssyncset.done $0x0  }
0x43: {  	[sflag:s22] =	ssyncadd.s32 $0xFFFFD800  }
0x44: {  	[spmem:s13] =	stream.linear.scatter [tilespmem:s21], [sflag:$0x3], $0x2800, $0x38;
	[tilespmem:$0x16900] =	vst v63  }
0x45: {  	_ =	swait.ge [sflag:s22], $0x2800  }
0x46: {  	[sflag:s22] =	ssyncset.done $0x0  }
0x47: {  	[sflag:s22] =	ssyncadd.s32 $0xFFFFD800  }
0x48: {  	[spmem:s14] =	stream.linear.scatter [tilespmem:s21], [sflag:$0x3], $0x2800, $0x38;
	[tilespmem:$0x16900] =	vst v63  }
0x49: {  	_ =	swait.ge [sflag:s22], $0x2800  }
0x4a: {  	[sflag:s22] =	ssyncset.done $0x0  }
0x4b: {  	[sflag:s22] =	ssyncadd.s32 $0xFFFFD800  }
0x4c: {  	[spmem:s15] =	stream.linear.scatter [tilespmem:s21], [sflag:$0x3], $0x2800, $0x38;
	[tilespmem:$0x16900] =	vst v63  }
0x4d: {  	_ =	swait.ge [sflag:s22], $0x2800  }
0x4e: {  	[sflag:s22] =	ssyncset.done $0x0  }
0x4f: {  	[sflag:s22] =	ssyncadd.s32 $0xFFFFD800  }
0x50: {  	[spmem:s16] =	stream.linear.scatter [tilespmem:s21], [sflag:$0x3], $0x2800, $0x38;
	[tilespmem:$0x16900] =	vst v63  }
.Ltmp3:
0x51: {  	_ =	swait.ge [sflag:s22], $0x2800;
	(pc) =	sbr.rel @p0 .LBB2_7-.Ltmp3, $3  }
0x52: {  	[sflag:s22] =	ssyncset.done $0x0  }
0x53: {  	[sflag:s22] =	ssyncadd.s32 $0xFFFFD800  }
0x54: {  	[bflag:$0x0] =	sbarrier.arrive $0xFFFF;
	_ =	sdelay $0x1  }
0x55: {  	s0 =	sadd.s32 $0x0, s19  }
0x56: {  	[tilespmem:s3], [sflag:$0x1] =	stream.linear.gather [hbm4b:s0+s3], $0x50, $0x38;
	[tilespmem:$0x16900] =	vst v63  }
0x57: {  	s31 =	sadd.s32 $0x0, s17  }
0x58: {  	[tilespmem:s23], [sflag:$0x1] =	stream.linear.gather [hbm4b:s31+s3], $0x50, $0x38;
	[tilespmem:$0x16900] =	vst v63  }
0x59: {  	_ =	swait.ge [sflag:s24], $0x50  }
0x5a: {  	[sflag:s24] =	ssyncset.done $0x0  }
0x5b: {  	[sflag:s24] =	ssyncadd.s32 $0xFFFFFFB0  }
0x5c: {  	_ =	swait.ge [sflag:s24], $0x50  }
0x5d: {  	[sflag:s24] =	ssyncset.done $0x0  }
0x5e: {  	[sflag:s24] =	ssyncadd.s32 $0xFFFFFFB0  }
0x5f: {  	[tilespmem:s21], [sflag:$0x2] =	stream.indirect.gather [hbm4b:s4+s25], $0x80, s3, s25, $0xb8;
	[tilespmem:$0x16900] =	vst v63  }
0x60: {  	_ =	swait.ge [sflag:s26], $0x2800  }
0x61: {  	[sflag:s26] =	ssyncset.done $0x0  }
0x62: {  	[sflag:s26] =	ssyncadd.s32 $0xFFFFD800  }
0x63: {  	[spmem:s2] =	stream.indirect.scatter.add.f32 [tilespmem:s21], [sflag:$0x3], $0x80, s23, s25, $0xb8;
	[tilespmem:$0x16900] =	vst v63  }
0x64: {  	_ =	swait.ge [sflag:s22], $0x2800  }
0x65: {  	s29 =	simm.s32 $0xA;
	s30 =	simm.s32 $0x14;
	[sflag:s22] =	ssyncset.done $0x0  }
.LBB2_5:
0x66: {  	s0 =	sadd.s32 s29, s19  }
0x67: {  	[sflag:s22] =	ssyncadd.s32 $0xFFFFD800;
	s31 =	smov.u32 s30;
	s5 =	sadd.s32 $0xA, s30  }
0x68: {  	[tilespmem:s3], [sflag:$0x1] =	stream.linear.gather [hbm4b:s0+s3], $0x50, $0x38;
	[tilespmem:$0x16900] =	vst v63  }
0x69: {  	p1 =	seq.s32 s30, $0x4F6;
	s0 =	sadd.s32 s29, s17;
	s29 =	smov.u32 s31  }
0x6a: {  	[tilespmem:s23], [sflag:$0x1] =	stream.linear.gather [hbm4b:s0+s3], $0x50, $0x38;
	[tilespmem:$0x16900] =	vst v63  }
0x6b: {  	_ =	swait.ge [sflag:s24], $0x50  }
0x6c: {  	[sflag:s24] =	ssyncset.done $0x0  }
0x6d: {  	[sflag:s24] =	ssyncadd.s32 $0xFFFFFFB0  }
0x6e: {  	_ =	swait.ge [sflag:s24], $0x50  }
0x6f: {  	[sflag:s24] =	ssyncset.done $0x0  }
0x70: {  	[sflag:s24] =	ssyncadd.s32 $0xFFFFFFB0  }
0x71: {  	[tilespmem:s21], [sflag:$0x2] =	stream.indirect.gather [hbm4b:s4+s25], $0x80, s3, s25, $0xb8;
	[tilespmem:$0x16900] =	vst v63  }
0x72: {  	_ =	swait.ge [sflag:s26], $0x2800  }
.Ltmp4:
0x73: {  	[sflag:s26] =	ssyncset.done $0x0;
	(pc) =	sbr.rel @!p1 .LBB2_5-.Ltmp4, $4  }
0x74: {  	[sflag:s26] =	ssyncadd.s32 $0xFFFFD800  }
0x75: {  	[spmem:s2] =	stream.indirect.scatter.add.f32 [tilespmem:s21], [sflag:$0x3], $0x80, s23, s25, $0xb8;
	[tilespmem:$0x16900] =	vst v63  }
0x76: {  	_ =	swait.ge [sflag:s22], $0x2800  }
0x77: {  	s30 =	smov.u32 s5;
	[sflag:s22] =	ssyncset.done $0x0  }
0x78: {  	s0 =	sadd.s32 s29, s19;
	[sflag:s22] =	ssyncadd.s32 $0xFFFFD800  }
0x79: {  	[tilespmem:s3], [sflag:$0x1] =	stream.linear.gather [hbm4b:s0+s3], $0x50, $0x38;
	[tilespmem:$0x16900] =	vst v63  }
0x7a: {  	s31 =	sadd.s32 s29, s17  }
0x7b: {  	[tilespmem:s23], [sflag:$0x1] =	stream.linear.gather [hbm4b:s31+s3], $0x50, $0x38;
	[tilespmem:$0x16900] =	vst v63  }
0x7c: {  	_ =	swait.ge [sflag:s24], $0x50  }
0x7d: {  	[sflag:s24] =	ssyncset.done $0x0  }
0x7e: {  	[sflag:s24] =	ssyncadd.s32 $0xFFFFFFB0  }
0x7f: {  	_ =	swait.ge [sflag:s24], $0x50  }
0x80: {  	[sflag:s24] =	ssyncset.done $0x0  }
0x81: {  	[sflag:s24] =	ssyncadd.s32 $0xFFFFFFB0  }
0x82: {  	[tilespmem:s21], [sflag:$0x2] =	stream.indirect.gather [hbm4b:s4+s25], $0x80, s3, s25, $0xb8;
	[tilespmem:$0x16900] =	vst v63  }
0x83: {  	_ =	swait.ge [sflag:s26], $0x2800  }
0x84: {  	[sflag:s26] =	ssyncset.done $0x0  }
.Ltmp5:
0x85: {  	[sflag:s26] =	ssyncadd.s32 $0xFFFFD800;
	(pc) =	sbr.rel .LBB2_10-.Ltmp5, $4  }
0x86: {  	[spmem:s2] =	stream.indirect.scatter.add.f32 [tilespmem:s21], [sflag:$0x3], $0x80, s23, s25, $0xb8;
	[tilespmem:$0x16900] =	vst v63  }
0x87: {  	_ =	swait.ge [sflag:s22], $0x2800  }
0x88: {  	[sflag:s22] =	ssyncset.done $0x0  }
0x89: {  	s29 =	rddreg [dreg:$0x3];
	[sflag:s22] =	ssyncadd.s32 $0xFFFFD800  }
.LBB2_7:
0x8a: {  	s0 =	sadd.s32 $0x0, s20  }
0x8b: {  	[tilespmem:s3], [sflag:$0x1] =	stream.linear.gather [hbm4b:s0+s3], $0x50, $0x38;
	[tilespmem:$0x16900] =	vst v63  }
0x8c: {  	s31 =	sadd.s32 $0x0, s18  }
0x8d: {  	[tilespmem:s23], [sflag:$0x1] =	stream.linear.gather [hbm4b:s31+s3], $0x50, $0x38;
	[tilespmem:$0x16900] =	vst v63  }
0x8e: {  	_ =	swait.ge [sflag:s24], $0x50  }
0x8f: {  	[sflag:s24] =	ssyncset.done $0x0  }
0x90: {  	[sflag:s24] =	ssyncadd.s32 $0xFFFFFFB0  }
0x91: {  	_ =	swait.ge [sflag:s24], $0x50  }
0x92: {  	[sflag:s24] =	ssyncset.done $0x0  }
0x93: {  	[sflag:s24] =	ssyncadd.s32 $0xFFFFFFB0  }
0x94: {  	[tilespmem:s21], [sflag:$0x2] =	stream.indirect.gather [hbm4b:s4+s25], $0x80, s3, s25, $0xb8;
	[tilespmem:$0x16900] =	vst v63  }
0x95: {  	_ =	swait.ge [sflag:s26], $0x2800  }
0x96: {  	[sflag:s26] =	ssyncset.done $0x0  }
0x97: {  	[sflag:s26] =	ssyncadd.s32 $0xFFFFD800  }
0x98: {  	[spmem:s2] =	stream.indirect.scatter.add.f32 [tilespmem:s21], [sflag:$0x3], $0x80, s23, s25, $0xb8;
	[tilespmem:$0x16900] =	vst v63  }
0x99: {  	_ =	swait.ge [sflag:s22], $0x2800  }
0x9a: {  	s29 =	simm.s32 $0xA;
	s30 =	simm.s32 $0x14;
	[sflag:s22] =	ssyncset.done $0x0  }
.LBB2_8:
0x9b: {  	s0 =	sadd.s32 s29, s20  }
0x9c: {  	[sflag:s22] =	ssyncadd.s32 $0xFFFFD800;
	s5 =	smov.u32 s30;
	s31 =	sadd.s32 $0xA, s30  }
0x9d: {  	[tilespmem:s3], [sflag:$0x1] =	stream.linear.gather [hbm4b:s0+s3], $0x50, $0x38;
	[tilespmem:$0x16900] =	vst v63  }
0x9e: {  	p1 =	sne.s32 s30, $0x4F6;
	s0 =	sadd.s32 s29, s18;
	s29 =	smov.u32 s5  }
0x9f: {  	[tilespmem:s23], [sflag:$0x1] =	stream.linear.gather [hbm4b:s0+s3], $0x50, $0x38;
	[tilespmem:$0x16900] =	vst v63  }
0xa0: {  	_ =	swait.ge [sflag:s24], $0x50  }
0xa1: {  	[sflag:s24] =	ssyncset.done $0x0  }
0xa2: {  	[sflag:s24] =	ssyncadd.s32 $0xFFFFFFB0  }
0xa3: {  	_ =	swait.ge [sflag:s24], $0x50  }
0xa4: {  	[sflag:s24] =	ssyncset.done $0x0  }
0xa5: {  	[sflag:s24] =	ssyncadd.s32 $0xFFFFFFB0  }
0xa6: {  	[tilespmem:s21], [sflag:$0x2] =	stream.indirect.gather [hbm4b:s4+s25], $0x80, s3, s25, $0xb8;
	[tilespmem:$0x16900] =	vst v63  }
0xa7: {  	_ =	swait.ge [sflag:s26], $0x2800  }
.Ltmp6:
0xa8: {  	[sflag:s26] =	ssyncset.done $0x0;
	(pc) =	sbr.rel @p1 .LBB2_8-.Ltmp6, $4  }
0xa9: {  	[sflag:s26] =	ssyncadd.s32 $0xFFFFD800  }
0xaa: {  	[spmem:s2] =	stream.indirect.scatter.add.f32 [tilespmem:s21], [sflag:$0x3], $0x80, s23, s25, $0xb8;
	[tilespmem:$0x16900] =	vst v63  }
0xab: {  	_ =	swait.ge [sflag:s22], $0x2800  }
0xac: {  	s30 =	smov.u32 s31;
	[sflag:s22] =	ssyncset.done $0x0  }
.Ltmp7:
0xad: {  	_ = 	snop;
	(pc) =	sbr.rel .LBB2_9-.Ltmp7, $1  }
0xae: {  	_ =	sdelay $0x3  }
.LBB2_11:
0xaf: {  	_ =	sfence.sel $0x180000  }
0xb0: {  	[bflag:$0x0] =	sbarrier.arrive $0xFFFF  }
0xb1: {  	_ =	strace $0x9000004A  }
0xb2: {  	[bflag:$0x2] =	sbarrier.arrive $0xFFFF  }
0xb3: {  	p0 =	sne.s32 s1, $0x0;
	s0 =	rddreg [dreg:$0x2]  }
0xb4: {  	s0 =	sadd.s32 @!p0 $0x100000, s0  }
0xb5: {  	[sflag:s0] =	ssyncadd.tile.s32 @!p0 $0x1;
	_ =	shalt  }
.Lfunc_end2:
_tile_overlayer_lowered:
.L_overlay_start_2:
0xb6: {  	(tag) =	ssettag $0x2  }
0xb7: {  	s0 =	rddreg [dreg:$0x0];
	s2 =	stileid.u32  }
0xb8: {  	s1 =	rddreg [dreg:$0x1];
	p0 =	sne.s32 s2, $0x0  }
0xb9: {  	s3 =	rddreg [dreg:$0x2];
	[bflag:$0x3] =	sbarrier.arrive $0xFFFF;
	s2 =	simm.s32 @!p0 $0x1C03  }
0xba: {  	[timem:s3], [sflag:s2] =	dma.local @!p0 [hbm:s0], s1  }
0xbb: {  	s0 =	simm.s32 @!p0 $0x3  }
0xbc: {  	_ =	swait.ge @!p0 [sflag:s0], s1  }
0xbd: {  	s1 =	ssub.s32 @!p0 $0x0, s1;
	[sflag:s0] =	ssyncset.done @!p0 $0x0  }
0xbe: {  	[sflag:s0] =	ssyncadd.s32 @!p0 s1  }
0xbf: {  	[bflag:$0x3] =	sbarrier.arrive $0xFFFF  }
0xc0: {  	_ =	shalt  }

// kernel: kernel.14.cloned.1.call-start
scs
__scs_entry_jumppad:
0x0: {  	(pc) =	sbr.rel $0x88, $3  }
0x1: {  	(tag) =	ssettag $0x0;
	lr =	simm.s32 $0x1  }
0x2: {  	[smem:$0x3F9B] =	sst lr;
	_ =	strace $0xD0000000  }
0x3: {  	_ = 	snop  }
0x4: {  	_ = 	snop  }
0x5: {  	_ = 	snop  }
0x6: {  	_ = 	snop  }
0x7: {  	_ = 	snop  }
__scs_overlays_trampoline_lowered:
0x8: {  	[smem:$0x3FAA] =	sst s0  }
0x9: {  	[smem:$0x3FAB] =	sst s1  }
0xa: {  	[smem:$0x3FAC] =	sst s2  }
0xb: {  	[smem:$0x3FAD] =	sst s3  }
0xc: {  	[smem:$0x3FAE] =	sst s4  }
0xd: {  	[smem:$0x3FAF] =	sst s5  }
0xe: {  	[smem:$0x3FB0] =	sst s6  }
0xf: {  	[smem:$0x3FB1] =	sst s7  }
0x10: {  	[smem:$0x3FB2] =	sst s8  }
0x11: {  	[smem:$0x3FB3] =	sst s9;
	s0 =	simm.s32 @!p0 $0x0  }
0x12: {  	s1 =	sld [smem:$0x3F99];
	s0 =	simm.s32 @p0 $0x1  }
0x13: {  	[smem:$0x3FB4] =	sst s0;
	s0 =	simm.s32 @!p1 $0x0  }
0x14: {  	s2 =	sld [smem:$0x3F98];
	s0 =	simm.s32 @p1 $0x1  }
0x15: {  	[smem:$0x3FB5] =	sst s0;
	s0 =	simm.s32 @!p2 $0x0  }
0x16: {  	s3 =	sld [smem:$0x3FDB];
	s0 =	simm.s32 @p2 $0x1  }
0x17: {  	s4 =	simm.s32 $0x1BF5;
	[smem:$0x3FB7] =	sst s0  }
0x18: {  	s0 =	sld [smem:$0x3F9A];
	_ =	swait.ge [sflag:s4], $0x0  }
0x19: {  	s7 =	sld [smem:$0x3F9B]  }
0x1a: {  	s8 =	sadd.s32 $0xFFFFE003, lr  }
0x1b: {  	s9 =	sadd.s32 $0xFFFFFEF7, lr;
	s5 =	simm.s32 $0xFFFFFFFF;
	p2 =	slt.u32 s8, $0xFFFFF086  }
0x1c: {  	p1 =	slt.u32 s9, $0xF7A;
	s5 =	simm.s32 @!p2 $0x0  }
0x1d: {  	s5 =	simm.s32 @p1 $0x1;
	p0 =	seq.s32 s7, s2  }
0x1e: {  	s7 =	smul.u32 @!p0 $0xF7A, s2;
	p2 =	seq.s32 @!p0 s5, $0x0  }
0x1f: {  	s9 =	smul.u32 $0xF7A, s1;
	s8 =	simm.s32 @!p0 $0x1BF5;
	p2 =	por !p2, p0  }
0x20: {  	[sflag:s8] =	ssyncset.s32 @!p0 $0xFFFFF086;
	s6 =	sadd.s32 @!p0 s3, s7;
	s7 =	simm.s32 @!p0 $0x108  }
0x21: {  	s3 =	sadd.s32 s3, s9;
	s6 =	sadd.s32 @!p0 $0x88, s6;
	s7 =	simm.s32 @p2 $0x1082  }
0x22: {  	[simem:s7], [sflag:s8] =	dma.local @!p0 [hbm:s6], $0xF7A  }
0x23: {  	s9 =	sor.u32 $0xD0000000, s2;
	s6 =	simm.s32 $0x108;
	_ =	swait.ge @!p0 [sflag:s8], $0x0  }
0x24: {  	s3 =	sadd.s32 $0x88, s3;
	s6 =	simm.s32 @!p1 $0x1082;
	[sflag:s4] =	ssyncset.s32 $0xFFFFF086  }
0x25: {  	[simem:s6], [sflag:s4] =	dma.local [hbm:s3], $0xF7A  }
0x26: {  	[smem:$0x3F9B] =	sst s1;
	(tag) =	ssettag s2;
	_ =	strace s9  }
0x27: {  	s1 =	sld [smem:$0x3FAB]  }
0x28: {  	s2 =	sld [smem:$0x3FAC]  }
0x29: {  	s4 =	sld [smem:$0x3FAE]  }
0x2a: {  	p0 =	seq.s32 s5, $0x0;
	s5 =	sld [smem:$0x3FAF]  }
0x2b: {  	s6 =	sld [smem:$0x3FB0]  }
0x2c: {  	s7 =	sld [smem:$0x3FB1]  }
0x2d: {  	s3 =	simm.s32 $0x108;
	s8 =	sld [smem:$0x3FB2]  }
0x2e: {  	s3 =	simm.s32 @!p0 $0x1082;
	s9 =	sld [smem:$0x3FB3]  }
0x2f: {  	lr =	sadd.s32 s0, s3;
	s0 =	sld [smem:$0x3FAA]  }
0x30: {  	s3 =	sld [smem:$0x3FAD]  }
0x31: {  	[smem:$0x3FB6] =	sst s10  }
0x32: {  	s10 =	sld [smem:$0x3FB4];
	_ =	sdelay $0x3  }
0x33: {  	p0 =	seq.s32 s10, $0x1;
	s10 =	sld [smem:$0x3FB6];
	_ =	sdelay $0x3  }
0x34: {  	[smem:$0x3FB6] =	sst s10  }
0x35: {  	s10 =	sld [smem:$0x3FB5];
	_ =	sdelay $0x3  }
0x36: {  	p1 =	seq.s32 s10, $0x1;
	s10 =	sld [smem:$0x3FB6];
	_ =	sdelay $0x3  }
0x37: {  	[smem:$0x3FB6] =	sst s10  }
0x38: {  	s10 =	sld [smem:$0x3FB7]  }
0x39: {  	_ = 	snop;
	(pc) =	sbr.ind lr, $3  }
0x3a: {  	_ = 	snop  }
0x3b: {  	_ = 	snop  }
0x3c: {  	p2 =	seq.s32 s10, $0x1;
	s10 =	sld [smem:$0x3FB6]  }
0x3d: {  	_ =	shalt  }
0x3e: {  	_ =	shalt  }
0x3f: {  	_ =	shalt  }
0x40: {  	_ =	shalt  }
0x41: {  	_ =	shalt  }
0x42: {  	_ =	shalt  }
0x43: {  	_ =	shalt  }
0x44: {  	_ =	shalt  }
0x45: {  	_ =	shalt  }
0x46: {  	_ =	shalt  }
0x47: {  	_ =	shalt  }
0x48: {  	_ =	shalt  }
0x49: {  	_ =	shalt  }
0x4a: {  	_ =	shalt  }
0x4b: {  	_ =	shalt  }
0x4c: {  	_ =	shalt  }
0x4d: {  	_ =	shalt  }
0x4e: {  	_ =	shalt  }
0x4f: {  	_ =	shalt  }
0x50: {  	_ =	shalt  }
0x51: {  	_ =	shalt  }
0x52: {  	_ =	shalt  }
0x53: {  	_ =	shalt  }
0x54: {  	_ =	shalt  }
0x55: {  	_ =	shalt  }
0x56: {  	_ =	shalt  }
0x57: {  	_ =	shalt  }
0x58: {  	_ =	shalt  }
0x59: {  	_ =	shalt  }
0x5a: {  	_ =	shalt  }
0x5b: {  	_ =	shalt  }
0x5c: {  	_ =	shalt  }
0x5d: {  	_ =	shalt  }
0x5e: {  	_ =	shalt  }
0x5f: {  	_ =	shalt  }
0x60: {  	_ =	shalt  }
0x61: {  	_ =	shalt  }
0x62: {  	_ =	shalt  }
0x63: {  	_ =	shalt  }
0x64: {  	_ =	shalt  }
0x65: {  	_ =	shalt  }
0x66: {  	_ =	shalt  }
0x67: {  	_ =	shalt  }
0x68: {  	_ =	shalt  }
0x69: {  	_ =	shalt  }
0x6a: {  	_ =	shalt  }
0x6b: {  	_ =	shalt  }
0x6c: {  	_ =	shalt  }
0x6d: {  	_ =	shalt  }
0x6e: {  	_ =	shalt  }
0x6f: {  	_ =	shalt  }
0x70: {  	_ =	shalt  }
0x71: {  	_ =	shalt  }
0x72: {  	_ =	shalt  }
0x73: {  	_ =	shalt  }
0x74: {  	_ =	shalt  }
0x75: {  	_ =	shalt  }
0x76: {  	_ =	shalt  }
0x77: {  	_ =	shalt  }
0x78: {  	_ =	shalt  }
0x79: {  	_ =	shalt  }
0x7a: {  	_ =	shalt  }
0x7b: {  	_ =	shalt  }
0x7c: {  	_ =	shalt  }
0x7d: {  	_ =	shalt  }
0x7e: {  	_ =	shalt  }
0x7f: {  	_ =	shalt  }
0x80: {  	_ =	shalt  }
0x81: {  	_ =	shalt  }
0x82: {  	_ =	shalt  }
0x83: {  	_ =	shalt  }
0x84: {  	_ =	shalt  }
0x85: {  	_ =	shalt  }
0x86: {  	_ =	shalt  }
0x87: {  	_ =	shalt  }
.Lfunc_end0:
.L_simem_size_0:
called_computation.2_lowered:
.L_overlay_start_0:
0x88: {  	s2 =	sld [smem:$0x3FD9]  }
0x89: {  	s3 =	sld [smem:$0x3FFE];
	_ =	sdelay $0x1  }
0x8a: {  	s1 =	srdreg.scid  }
0x8b: {  	s0 =	sand.u32 $0x1, s1  }
0x8c: {  	s16 =	sshll.u32 s0, $0xA;
	s2 =	sadd.s32 s3, s2  }
0x8d: {  	s2 =	sadd.s32 s2, s16  }
0x8e: {  	[smem:$0x3FC2] =	sst s2  }
0x8f: {  	_ = 	snop  }
0x90: {  	(tm) =	ssettm $0x1  }
0x91: {  	s17 =	sld [smem:$0x3FFB];
	_ =	sdelay $0x3  }
0x92: {  	_ =	strace s17  }
0x93: {  	s2 =	sld [smem:$0x3FFC];
	_ =	sdelay $0x3  }
0x94: {  	_ =	strace s2  }
0x95: {  	s2 =	sld [smem:$0x3FFD];
	_ =	sdelay $0x3  }
0x96: {  	_ =	strace s2  }
0x97: {  	_ =	strace $0x8FFFFFFF  }
0x98: {  	s18 =	sld [smem:$0x3FDB];
	_ =	sdelay $0x1  }
0x99: {  	s19 =	simm.s32 $_scs_section_size  }
0x9a: {  	s4 =	simm.s32 $_size__tile_overlayer_lowered;
	s5 =	simm.s32 $_tile_overlayer_lowered  }
0x9b: {  	s22 =	simm.s32 $0x1BFF;
	s21 =	sshll.u32 s5, $0x1;
	s2 =	sadd.s32 s19, s18  }
0x9c: {  	s6 =	simm.s32 $0x0;
	s20 =	sshll.u32 s4, $0x1;
	s4 =	sadd.s32 s21, s2  }
0x9d: {  	[timem:s6], [sflag:s22] =	dma.local [hbm:s4], s20  }
0x9e: {  	_ =	swait.ge [sflag:s22], s20  }
0x9f: {  	s3 =	ssub.s32 $0x0, s20;
	[sflag:s22] =	ssyncset.done $0x0  }
0xa0: {  	[sflag:s22] =	ssyncadd.s32 s3;
	_ =	sdelay $0x1  }
0xa1: {  	s23 =	simm.s32 $0x1B8B  }
0xa2: {  	_ =	swait.ge [sflag:s23], $0x1  }
0xa3: {  	[sflag:s23] =	ssyncset.done $0x0  }
0xa4: {  	s25 =	simm.s32 $0x1B8E;
	s24 =	sld [smem:$0x3FFE];
	[sflag:s23] =	ssyncadd.s32 $0xFFFFFFFF  }
0xa5: {  	s26 =	simm.s32 $execute0_lowered;
	[smem:$0x3FD2] =	sst s25  }
0xa6: {  	s4 =	sshll.u32 s26, $0x1;
	_ =	strace $0x8000004C;
	[dreg:$0x1] =	wrdreg $0xFFFFFFFF  }
0xa7: {  	s28 =	simm.s32 $_size_execute0_lowered;
	s2 =	sadd.s32 s2, s4;
	[dreg:$0x0] =	wrdreg $0x0  }
0xa8: {  	s4 =	sshll.u32 s28, $0x1;
	[dreg:$0x2] =	wrdreg s2  }
0xa9: {  	[dreg:$0x3] =	wrdreg s4  }
0xaa: {  	[dreg:$0x4] =	wrdreg $0xC0  }
0xab: {  	_ =	task [dreg:s6], $0x5FFFF  }
0xac: {  	[dreg:$0x1] =	wrdreg $0xFFFFFFFF  }
0xad: {  	[dreg:$0x0] =	wrdreg $0x60  }
0xae: {  	[dreg:$0x2] =	wrdreg s24  }
0xaf: {  	[dreg:$0x3] =	wrdreg $0x8800  }
0xb0: {  	[dreg:$0x4] =	wrdreg $0x9  }
0xb1: {  	_ =	task.clear_ibuf [dreg:s6], $0x5FFFF;
	_ =	strace $0x9000004C  }
0xb2: {  	s29 =	simm.s32 $0x9;
	_ =	strace $0x8000004E  }
0xb3: {  	_ =	swait.ge [sflag:s29], $0x1  }
0xb4: {  	[sflag:s29] =	ssyncadd.s32 $0xFFFFFFFF  }
0xb5: {  	_ =	strace $0x9000004E  }
0xb6: {  	_ =	sfence  }
0xb7: {  	s30 =	sld [smem:$0x0];
	_ =	sdelay $0x2  }
0xb8: {  	s31 =	sshll.u32 s1, $0xD;
	s1 =	sshrl.u32 s1, $0x2  }
0xb9: {  	s3 =	sand.u32 $0x4000, s31;
	s1 =	sadd.s32 s1, s30  }
0xba: {  	s0 =	sor.u32 s3, s0;
	s1 =	sshll.u32 s1, $0x11  }
0xbb: {  	s0 =	sor.u32 s1, s0  }
0xbc: {  	s0 =	sadd.s32 $0x8F2B, s0  }
0xbd: {  	[sflag:s0] =	ssyncadd.remote.s32 $0x1  }
0xbe: {  	_ =	sfence.sel $0xFFFF  }
0xbf: {  	[dreg:$0x0] =	wrdreg $0xFFFFFFFF;
	(pc) =	sbr.abs _section_cstart, $3  }
0xc0: {  	[dreg:$0x1] =	wrdreg $0xFFFFFFFF  }
0xc1: {  	_ =	task.clear_ibuf [dreg:s6], $0x2FFFF;
	_ =	strace $0x9FFFFFFF  }
0xc2: {  	(tm) =	ssettm $0x7FFFFFFF  }
0xc3: {  	_ =	shalt  }
tec
execute0_lowered:
.L_overlay_start_1:
0x0: {  	(tag) =	ssettag $0x1  }
0x1: {  	s0 =	rddreg [dreg:$0x0]  }
0x2: {  	s1 =	rddreg [dreg:$0x1];
	s3 =	simm.s32 $0x0;
	s2 =	srdreg.scid  }
0x3: {  	s9 =	stileid.u32;
	s13 =	simm.s32 $0x5;
	s14 =	simm.s32 $0x200  }
0x4: {  	s15 =	simm.s32 $0x80;
	s28 =	simm.s32 $0x4;
	s29 =	simm.s32 $0x580  }
0x5: {  	s30 =	simm.s32 $0x0;
	[smem:$0x7FF] =	sst s3;
	s2 =	sand.u32 $0x1, s2  }
0x6: {  	s6 =	smul.u32 $0x280, s9;
	s4 =	sadd.s32 $0xB400, s0;
	s11 =	sadd.s32 $0x5A200, s0  }
0x7: {  	s9 =	smul.u32 $0x2800, s9;
	s10 =	sadd.s32 $0x1400, s0;
	_ =	strace $0x8000004D  }
0x8: {  	s5 =	ssub.s32 $0x2, s2;
	s7 =	smul.u32 $0x28000, s2;
	p0 =	seq.s32 s2, $0x1  }
0x9: {  	s2 =	simm.s32 $0xC600;
	s8 =	sshrl.u32 s5, $0x1;
	s16 =	sshrl.u32 s6, $0x3  }
0xa: {  	s2 =	simm.s32 @!p0 $0xC000;
	s8 =	ssub.s32 s5, s8;
	s9 =	sadd.s32 s9, s7  }
0xb: {  	s5 =	sadd.s32 s6, s1;
	s0 =	sadd.s32 s2, s0;
	s12 =	sor.u32 $0x180, s9  }
0xc: {  	s17 =	smax.u32 s8, $0x1;
	s0 =	sadd.s32 s0, s16;
	s20 =	sor.u32 $0x100, s9  }
0xd: {  	s24 =	sor.u32 $0x80, s9;
	s31 =	sshrl.u32 s9, $0x3;
	[dreg:$0x7] =	wrdreg s17  }
0xe: {  	s16 =	simm.s32 $0x280;
	s18 =	sshrl.u32 s12, $0x3;
	[dreg:$0x8] =	wrdreg s0  }
0xf: {  	s22 =	sshrl.u32 s20, $0x3;
	s26 =	sshrl.u32 s24, $0x3;
	s17 =	simm.s32 $0x100  }
0x10: {  	s20 =	simm.s32 $0x380;
	s24 =	simm.s32 $0x480;
	s19 =	sadd.s32 s18, s10  }
0x11: {  	s21 =	sadd.s32 s18, s11;
	s23 =	sadd.s32 s22, s10;
	s25 =	sadd.s32 s22, s11  }
0x12: {  	s8 =	sadd.s32 s26, s10;
	s9 =	sadd.s32 s26, s11;
	[dreg:$0x3] =	wrdreg s19  }
0x13: {  	s10 =	sadd.s32 s31, s10;
	s11 =	sadd.s32 s31, s11;
	[dreg:$0x4] =	wrdreg s21  }
0x14: {  	s18 =	simm.s32 $0x300;
	s22 =	simm.s32 $0x400;
	[dreg:$0x5] =	wrdreg s23  }
0x15: {  	s26 =	simm.s32 $0x500;
	[dreg:$0x6] =	wrdreg s25;
	s19 =	simm.s32 $0x180  }
0x16: {  	v0 =	vimm.f32 $0.0e+00;
	s21 =	simm.s32 $0x1;
	s23 =	simm.s32 $0x2;
	s25 =	simm.s32 $0x3  }
.LBB2_1:
0x17: {  	[tilespmem:$0x600] =	vst v0  }
0x18: {  	[tilespmem:$0x610] =	vst v0  }
0x19: {  	[tilespmem:$0x620] =	vst v0  }
0x1a: {  	[tilespmem:$0x630] =	vst v0  }
0x1b: {  	[tilespmem:$0x640] =	vst v0  }
0x1c: {  	[tilespmem:$0x650] =	vst v0  }
0x1d: {  	[tilespmem:$0x660] =	vst v0  }
0x1e: {  	[tilespmem:$0x670] =	vst v0  }
0x1f: {  	[tilespmem:$0x680] =	vst v0  }
0x20: {  	[tilespmem:$0x690] =	vst v0  }
0x21: {  	[tilespmem:$0x6A0] =	vst v0  }
0x22: {  	[tilespmem:$0x6B0] =	vst v0  }
0x23: {  	[tilespmem:$0x6C0] =	vst v0  }
0x24: {  	[tilespmem:$0x6D0] =	vst v0  }
0x25: {  	[tilespmem:$0x6E0] =	vst v0  }
0x26: {  	[tilespmem:$0x6F0] =	vst v0  }
0x27: {  	[tilespmem:$0x700] =	vst v0  }
0x28: {  	[tilespmem:$0x710] =	vst v0  }
0x29: {  	[tilespmem:$0x720] =	vst v0  }
0x2a: {  	[tilespmem:$0x730] =	vst v0  }
0x2b: {  	[tilespmem:$0x740] =	vst v0  }
0x2c: {  	[tilespmem:$0x750] =	vst v0  }
0x2d: {  	[tilespmem:$0x760] =	vst v0  }
0x2e: {  	[tilespmem:$0x770] =	vst v0  }
0x2f: {  	[tilespmem:$0x780] =	vst v0  }
0x30: {  	[tilespmem:$0x790] =	vst v0  }
0x31: {  	[tilespmem:$0x7A0] =	vst v0  }
0x32: {  	[tilespmem:$0x7B0] =	vst v0  }
0x33: {  	[tilespmem:$0x7C0] =	vst v0  }
0x34: {  	[tilespmem:$0x7D0] =	vst v0  }
0x35: {  	[tilespmem:$0x7E0] =	vst v0  }
0x36: {  	[tilespmem:$0x7F0] =	vst v0  }
0x37: {  	[tilespmem:$0x800] =	vst v0  }
0x38: {  	[tilespmem:$0x810] =	vst v0  }
0x39: {  	[tilespmem:$0x820] =	vst v0  }
0x3a: {  	[tilespmem:$0x830] =	vst v0  }
0x3b: {  	[tilespmem:$0x840] =	vst v0  }
0x3c: {  	[tilespmem:$0x850] =	vst v0  }
0x3d: {  	[tilespmem:$0x860] =	vst v0  }
0x3e: {  	[tilespmem:$0x870] =	vst v0;
	s0 =	simm.s32 $0x600  }
0x3f: {  	[spmem:s5] =	stream.linear.scatter [tilespmem:s0], [sflag:$0x5], $0x280, $0x38;
	[tilespmem:$0xB00] =	vst v63  }
0x40: {  	_ =	swait.ge [sflag:s13], $0x280  }
0x41: {  	[sflag:s13] =	ssyncset.done $0x0  }
0x42: {  	[sflag:s13] =	ssyncadd.s32 $0xFFFFFD80  }
0x43: {  	s12 =	sadd.s32 $0x0, s11;
	[bflag:$0x0] =	sbarrier.arrive $0xFFFF  }
0x44: {  	[tilespmem:s3], [sflag:$0x1] =	stream.linear.gather [hbm4b:s12+s3], $0x80, $0x38;
	[tilespmem:$0xB00] =	vst v63  }
0x45: {  	s2 =	sadd.s32 $0x0, s10  }
0x46: {  	[tilespmem:s14], [sflag:$0x1] =	stream.linear.gather [hbm4b:s2+s3], $0x80, $0x38;
	[tilespmem:$0xB00] =	vst v63  }
0x47: {  	s6 =	sadd.s32 $0x0, s9  }
0x48: {  	[tilespmem:s15], [sflag:$0x2] =	stream.linear.gather [hbm4b:s6+s3], $0x80, $0x38;
	[tilespmem:$0xB00] =	vst v63  }
0x49: {  	s7 =	rddreg [dreg:$0x6];
	s2 =	sadd.s32 $0x0, s8  }
0x4a: {  	[tilespmem:s16], [sflag:$0x2] =	stream.linear.gather [hbm4b:s2+s3], $0x80, $0x38;
	[tilespmem:$0xB00] =	vst v63  }
0x4b: {  	s12 =	rddreg [dreg:$0x5];
	s0 =	sadd.s32 $0x0, s7  }
0x4c: {  	[tilespmem:s17], [sflag:$0x3] =	stream.linear.gather [hbm4b:s0+s3], $0x80, $0x38;
	[tilespmem:$0xB00] =	vst v63  }
0x4d: {  	s6 =	rddreg [dreg:$0x4];
	s2 =	sadd.s32 $0x0, s12  }
0x4e: {  	[tilespmem:s18], [sflag:$0x3] =	stream.linear.gather [hbm4b:s2+s3], $0x80, $0x38;
	[tilespmem:$0xB00] =	vst v63  }
0x4f: {  	s7 =	rddreg [dreg:$0x3];
	s0 =	sadd.s32 $0x0, s6  }
0x50: {  	[tilespmem:s19], [sflag:$0x4] =	stream.linear.gather [hbm4b:s0+s3], $0x80, $0x38;
	[tilespmem:$0xB00] =	vst v63  }
0x51: {  	s12 =	sadd.s32 $0x0, s7  }
0x52: {  	[tilespmem:s20], [sflag:$0x4] =	stream.linear.gather [hbm4b:s12+s3], $0x80, $0x38;
	[tilespmem:$0xB00] =	vst v63  }
0x53: {  	_ =	swait.ge [sflag:s21], $0x80  }
0x54: {  	[sflag:s21] =	ssyncset.done $0x0  }
0x55: {  	[sflag:s21] =	ssyncadd.s32 $0xFFFFFF80  }
0x56: {  	_ =	swait.ge [sflag:s21], $0x80  }
0x57: {  	[sflag:s21] =	ssyncset.done $0x0  }
0x58: {  	[sflag:s21] =	ssyncadd.s32 $0xFFFFFF80  }
0x59: {  	[tilespmem:s22], [sflag:$0x1] =	stream.indirect.gather [hbm4b:s4+s15], $0x1, s3, s15, $0xb8;
	[tilespmem:$0xB00] =	vst v63  }
0x5a: {  	_ =	swait.ge [sflag:s23], $0x80  }
0x5b: {  	[sflag:s23] =	ssyncset.done $0x0  }
0x5c: {  	[sflag:s23] =	ssyncadd.s32 $0xFFFFFF80  }
0x5d: {  	_ =	swait.ge [sflag:s23], $0x80  }
0x5e: {  	[sflag:s23] =	ssyncset.done $0x0  }
0x5f: {  	[sflag:s23] =	ssyncadd.s32 $0xFFFFFF80  }
0x60: {  	[tilespmem:s24], [sflag:$0x2] =	stream.indirect.gather [hbm4b:s4+s15], $0x1, s15, s15, $0xb8;
	[tilespmem:$0xB00] =	vst v63  }
0x61: {  	_ =	swait.ge [sflag:s25], $0x80  }
0x62: {  	[sflag:s25] =	ssyncset.done $0x0  }
0x63: {  	[sflag:s25] =	ssyncadd.s32 $0xFFFFFF80  }
0x64: {  	_ =	swait.ge [sflag:s25], $0x80  }
0x65: {  	[sflag:s25] =	ssyncset.done $0x0  }
0x66: {  	[sflag:s25] =	ssyncadd.s32 $0xFFFFFF80  }
0x67: {  	[tilespmem:s26], [sflag:$0x3] =	stream.indirect.gather [hbm4b:s4+s15], $0x1, s17, s15, $0xb8;
	[tilespmem:$0xB00] =	vst v63  }
0x68: {  	_ =	swait.ge [sflag:s28], $0x80  }
0x69: {  	[sflag:s28] =	ssyncset.done $0x0  }
0x6a: {  	[sflag:s28] =	ssyncadd.s32 $0xFFFFFF80  }
0x6b: {  	_ =	swait.ge [sflag:s28], $0x80  }
0x6c: {  	[sflag:s28] =	ssyncset.done $0x0  }
0x6d: {  	[sflag:s28] =	ssyncadd.s32 $0xFFFFFF80  }
0x6e: {  	[tilespmem:s29], [sflag:$0x4] =	stream.indirect.gather [hbm4b:s4+s15], $0x1, s19, s15, $0xb8;
	[tilespmem:$0xB00] =	vst v63  }
0x6f: {  	_ =	swait.ge [sflag:s21], $0x80  }
0x70: {  	[sflag:s21] =	ssyncset.done $0x0  }
0x71: {  	[sflag:s21] =	ssyncadd.s32 $0xFFFFFF80  }
0x72: {  	[spmem:s1] =	stream.indirect.scatter.add.f32 [tilespmem:s22], [sflag:$0x1], $0x1, s14, s15, $0xb8;
	[tilespmem:$0xB00] =	vst v63  }
0x73: {  	_ =	swait.ge [sflag:s23], $0x80  }
0x74: {  	[sflag:s23] =	ssyncset.done $0x0  }
0x75: {  	[sflag:s23] =	ssyncadd.s32 $0xFFFFFF80  }
0x76: {  	[spmem:s1] =	stream.indirect.scatter.add.f32 [tilespmem:s24], [sflag:$0x2], $0x1, s16, s15, $0xb8;
	[tilespmem:$0xB00] =	vst v63  }
0x77: {  	_ =	swait.ge [sflag:s25], $0x80  }
0x78: {  	[sflag:s25] =	ssyncset.done $0x0  }
0x79: {  	[sflag:s25] =	ssyncadd.s32 $0xFFFFFF80  }
0x7a: {  	[spmem:s1] =	stream.indirect.scatter.add.f32 [tilespmem:s26], [sflag:$0x3], $0x1, s18, s15, $0xb8;
	[tilespmem:$0xB00] =	vst v63  }
0x7b: {  	_ =	swait.ge [sflag:s28], $0x80  }
0x7c: {  	[sflag:s28] =	ssyncset.done $0x0  }
0x7d: {  	[sflag:s28] =	ssyncadd.s32 $0xFFFFFF80  }
0x7e: {  	[spmem:s1] =	stream.indirect.scatter.add.f32 [tilespmem:s29], [sflag:$0x4], $0x1, s20, s15, $0xb8;
	[tilespmem:$0xB00] =	vst v63  }
0x7f: {  	_ =	swait.ge [sflag:s21], $0x80  }
0x80: {  	[sflag:s21] =	ssyncset.done $0x0  }
0x81: {  	[sflag:s21] =	ssyncadd.s32 $0xFFFFFF80  }
0x82: {  	_ =	swait.ge [sflag:s23], $0x80  }
0x83: {  	[sflag:s23] =	ssyncset.done $0x0  }
0x84: {  	[sflag:s23] =	ssyncadd.s32 $0xFFFFFF80  }
0x85: {  	_ =	swait.ge [sflag:s25], $0x80  }
0x86: {  	[sflag:s25] =	ssyncset.done $0x0  }
0x87: {  	[sflag:s25] =	ssyncadd.s32 $0xFFFFFF80  }
0x88: {  	_ =	swait.ge [sflag:s28], $0x80  }
0x89: {  	s31 =	simm.s32 $0x40;
	s0 =	simm.s32 $0x80;
	[sflag:s28] =	ssyncset.done $0x0  }
.LBB2_2:
0x8a: {  	s12 =	sadd.s32 s31, s11;
	[sflag:s28] =	ssyncadd.s32 $0xFFFFFF80  }
0x8b: {  	[tilespmem:s3], [sflag:$0x1] =	stream.linear.gather [hbm4b:s12+s3], $0x80, $0x38;
	[tilespmem:$0xB00] =	vst v63  }
0x8c: {  	s12 =	sadd.s32 s31, s10  }
0x8d: {  	[tilespmem:s14], [sflag:$0x1] =	stream.linear.gather [hbm4b:s12+s3], $0x80, $0x38;
	[tilespmem:$0xB00] =	vst v63  }
0x8e: {  	s6 =	smov.u32 s0;
	s2 =	sadd.s32 $0x40, s0;
	s7 =	sadd.s32 s31, s9  }
0x8f: {  	[tilespmem:s15], [sflag:$0x2] =	stream.linear.gather [hbm4b:s7+s3], $0x80, $0x38;
	[tilespmem:$0xB00] =	vst v63  }
0x90: {  	p0 =	sne.s32 s0, $0x4C0;
	s0 =	sadd.s32 s31, s8;
	s12 =	rddreg [dreg:$0x6]  }
0x91: {  	[tilespmem:s16], [sflag:$0x2] =	stream.linear.gather [hbm4b:s0+s3], $0x80, $0x38;
	[tilespmem:$0xB00] =	vst v63  }
0x92: {  	s7 =	rddreg [dreg:$0x5];
	s0 =	sadd.s32 s31, s12  }
0x93: {  	[tilespmem:s17], [sflag:$0x3] =	stream.linear.gather [hbm4b:s0+s3], $0x80, $0x38;
	[tilespmem:$0xB00] =	vst v63  }
0x94: {  	s12 =	rddreg [dreg:$0x4];
	s0 =	sadd.s32 s31, s7  }
0x95: {  	[tilespmem:s18], [sflag:$0x3] =	stream.linear.gather [hbm4b:s0+s3], $0x80, $0x38;
	[tilespmem:$0xB00] =	vst v63  }
0x96: {  	s12 =	sadd.s32 s31, s12;
	s7 =	rddreg [dreg:$0x3]  }
0x97: {  	[tilespmem:s19], [sflag:$0x4] =	stream.linear.gather [hbm4b:s12+s3], $0x80, $0x38;
	[tilespmem:$0xB00] =	vst v63  }
0x98: {  	s12 =	sadd.s32 s31, s7  }
0x99: {  	[tilespmem:s20], [sflag:$0x4] =	stream.linear.gather [hbm4b:s12+s3], $0x80, $0x38;
	[tilespmem:$0xB00] =	vst v63  }
0x9a: {  	_ =	swait.ge [sflag:s21], $0x80  }
0x9b: {  	[sflag:s21] =	ssyncset.done $0x0  }
0x9c: {  	[sflag:s21] =	ssyncadd.s32 $0xFFFFFF80  }
0x9d: {  	_ =	swait.ge [sflag:s21], $0x80  }
0x9e: {  	[sflag:s21] =	ssyncset.done $0x0  }
0x9f: {  	[sflag:s21] =	ssyncadd.s32 $0xFFFFFF80  }
0xa0: {  	[tilespmem:s22], [sflag:$0x1] =	stream.indirect.gather [hbm4b:s4+s15], $0x1, s3, s15, $0xb8;
	[tilespmem:$0xB00] =	vst v63  }
0xa1: {  	_ =	swait.ge [sflag:s23], $0x80  }
0xa2: {  	[sflag:s23] =	ssyncset.done $0x0  }
0xa3: {  	[sflag:s23] =	ssyncadd.s32 $0xFFFFFF80  }
0xa4: {  	_ =	swait.ge [sflag:s23], $0x80  }
0xa5: {  	[sflag:s23] =	ssyncset.done $0x0  }
0xa6: {  	[sflag:s23] =	ssyncadd.s32 $0xFFFFFF80  }
0xa7: {  	[tilespmem:s24], [sflag:$0x2] =	stream.indirect.gather [hbm4b:s4+s15], $0x1, s15, s15, $0xb8;
	[tilespmem:$0xB00] =	vst v63  }
0xa8: {  	_ =	swait.ge [sflag:s25], $0x80  }
0xa9: {  	[sflag:s25] =	ssyncset.done $0x0  }
0xaa: {  	[sflag:s25] =	ssyncadd.s32 $0xFFFFFF80  }
0xab: {  	_ =	swait.ge [sflag:s25], $0x80  }
0xac: {  	[sflag:s25] =	ssyncset.done $0x0  }
0xad: {  	[sflag:s25] =	ssyncadd.s32 $0xFFFFFF80  }
0xae: {  	[tilespmem:s26], [sflag:$0x3] =	stream.indirect.gather [hbm4b:s4+s15], $0x1, s17, s15, $0xb8;
	[tilespmem:$0xB00] =	vst v63  }
0xaf: {  	_ =	swait.ge [sflag:s28], $0x80  }
0xb0: {  	[sflag:s28] =	ssyncset.done $0x0  }
0xb1: {  	[sflag:s28] =	ssyncadd.s32 $0xFFFFFF80  }
0xb2: {  	_ =	swait.ge [sflag:s28], $0x80  }
0xb3: {  	[sflag:s28] =	ssyncset.done $0x0  }
0xb4: {  	[sflag:s28] =	ssyncadd.s32 $0xFFFFFF80  }
0xb5: {  	[tilespmem:s29], [sflag:$0x4] =	stream.indirect.gather [hbm4b:s4+s15], $0x1, s19, s15, $0xb8;
	[tilespmem:$0xB00] =	vst v63  }
0xb6: {  	_ =	swait.ge [sflag:s21], $0x80  }
0xb7: {  	[sflag:s21] =	ssyncset.done $0x0  }
0xb8: {  	[sflag:s21] =	ssyncadd.s32 $0xFFFFFF80  }
0xb9: {  	[spmem:s1] =	stream.indirect.scatter.add.f32 [tilespmem:s22], [sflag:$0x1], $0x1, s14, s15, $0xb8;
	[tilespmem:$0xB00] =	vst v63  }
0xba: {  	_ =	swait.ge [sflag:s23], $0x80  }
0xbb: {  	[sflag:s23] =	ssyncset.done $0x0  }
0xbc: {  	[sflag:s23] =	ssyncadd.s32 $0xFFFFFF80  }
0xbd: {  	[spmem:s1] =	stream.indirect.scatter.add.f32 [tilespmem:s24], [sflag:$0x2], $0x1, s16, s15, $0xb8;
	[tilespmem:$0xB00] =	vst v63  }
0xbe: {  	_ =	swait.ge [sflag:s25], $0x80  }
0xbf: {  	[sflag:s25] =	ssyncset.done $0x0  }
0xc0: {  	[sflag:s25] =	ssyncadd.s32 $0xFFFFFF80  }
0xc1: {  	[spmem:s1] =	stream.indirect.scatter.add.f32 [tilespmem:s26], [sflag:$0x3], $0x1, s18, s15, $0xb8;
	[tilespmem:$0xB00] =	vst v63  }
0xc2: {  	_ =	swait.ge [sflag:s28], $0x80  }
0xc3: {  	[sflag:s28] =	ssyncset.done $0x0  }
0xc4: {  	[sflag:s28] =	ssyncadd.s32 $0xFFFFFF80  }
0xc5: {  	[spmem:s1] =	stream.indirect.scatter.add.f32 [tilespmem:s29], [sflag:$0x4], $0x1, s20, s15, $0xb8;
	[tilespmem:$0xB00] =	vst v63  }
0xc6: {  	_ =	swait.ge [sflag:s21], $0x80  }
0xc7: {  	[sflag:s21] =	ssyncset.done $0x0  }
0xc8: {  	[sflag:s21] =	ssyncadd.s32 $0xFFFFFF80  }
0xc9: {  	_ =	swait.ge [sflag:s23], $0x80  }
0xca: {  	[sflag:s23] =	ssyncset.done $0x0  }
0xcb: {  	[sflag:s23] =	ssyncadd.s32 $0xFFFFFF80  }
.Ltmp0:
0xcc: {  	_ =	swait.ge [sflag:s25], $0x80;
	(pc) =	sbr.rel @p0 .LBB2_2-.Ltmp0, $4  }
0xcd: {  	[sflag:s25] =	ssyncset.done $0x0  }
0xce: {  	[sflag:s25] =	ssyncadd.s32 $0xFFFFFF80  }
0xcf: {  	_ =	swait.ge [sflag:s28], $0x80  }
0xd0: {  	s0 =	smov.u32 s2;
	s31 =	smov.u32 s6;
	[sflag:s28] =	ssyncset.done $0x0  }
0xd1: {  	s0 =	sadd.s32 s31, s11;
	[sflag:s28] =	ssyncadd.s32 $0xFFFFFF80  }
0xd2: {  	[tilespmem:s3], [sflag:$0x1] =	stream.linear.gather [hbm4b:s0+s3], $0x80, $0x38;
	[tilespmem:$0xB00] =	vst v63  }
0xd3: {  	s6 =	sadd.s32 s31, s10  }
0xd4: {  	[tilespmem:s14], [sflag:$0x1] =	stream.linear.gather [hbm4b:s6+s3], $0x80, $0x38;
	[tilespmem:$0xB00] =	vst v63  }
0xd5: {  	s7 =	sadd.s32 s31, s9  }
0xd6: {  	[tilespmem:s15], [sflag:$0x2] =	stream.linear.gather [hbm4b:s7+s3], $0x80, $0x38;
	[tilespmem:$0xB00] =	vst v63  }
0xd7: {  	s12 =	rddreg [dreg:$0x6];
	s2 =	sadd.s32 s31, s8  }
0xd8: {  	[tilespmem:s16], [sflag:$0x2] =	stream.linear.gather [hbm4b:s2+s3], $0x80, $0x38;
	[tilespmem:$0xB00] =	vst v63  }
0xd9: {  	s0 =	sadd.s32 s31, s12;
	s6 =	rddreg [dreg:$0x5]  }
0xda: {  	[tilespmem:s17], [sflag:$0x3] =	stream.linear.gather [hbm4b:s0+s3], $0x80, $0x38;
	[tilespmem:$0xB00] =	vst v63  }
0xdb: {  	s7 =	rddreg [dreg:$0x4];
	s2 =	sadd.s32 s31, s6  }
0xdc: {  	[tilespmem:s18], [sflag:$0x3] =	stream.linear.gather [hbm4b:s2+s3], $0x80, $0x38;
	[tilespmem:$0xB00] =	vst v63  }
0xdd: {  	s12 =	rddreg [dreg:$0x3];
	s0 =	sadd.s32 s31, s7  }
0xde: {  	[tilespmem:s19], [sflag:$0x4] =	stream.linear.gather [hbm4b:s0+s3], $0x80, $0x38;
	[tilespmem:$0xB00] =	vst v63  }
0xdf: {  	s6 =	sadd.s32 s31, s12  }
0xe0: {  	[tilespmem:s20], [sflag:$0x4] =	stream.linear.gather [hbm4b:s6+s3], $0x80, $0x38;
	[tilespmem:$0xB00] =	vst v63  }
0xe1: {  	_ =	swait.ge [sflag:s21], $0x80  }
0xe2: {  	[sflag:s21] =	ssyncset.done $0x0  }
0xe3: {  	[sflag:s21] =	ssyncadd.s32 $0xFFFFFF80  }
0xe4: {  	_ =	swait.ge [sflag:s21], $0x80  }
0xe5: {  	[sflag:s21] =	ssyncset.done $0x0  }
0xe6: {  	[sflag:s21] =	ssyncadd.s32 $0xFFFFFF80  }
0xe7: {  	[tilespmem:s22], [sflag:$0x1] =	stream.indirect.gather [hbm4b:s4+s15], $0x1, s3, s15, $0xb8;
	[tilespmem:$0xB00] =	vst v63  }
0xe8: {  	_ =	swait.ge [sflag:s23], $0x80  }
0xe9: {  	[sflag:s23] =	ssyncset.done $0x0  }
0xea: {  	[sflag:s23] =	ssyncadd.s32 $0xFFFFFF80  }
0xeb: {  	_ =	swait.ge [sflag:s23], $0x80  }
0xec: {  	[sflag:s23] =	ssyncset.done $0x0  }
0xed: {  	[sflag:s23] =	ssyncadd.s32 $0xFFFFFF80  }
0xee: {  	[tilespmem:s24], [sflag:$0x2] =	stream.indirect.gather [hbm4b:s4+s15], $0x1, s15, s15, $0xb8;
	[tilespmem:$0xB00] =	vst v63  }
0xef: {  	_ =	swait.ge [sflag:s25], $0x80  }
0xf0: {  	[sflag:s25] =	ssyncset.done $0x0  }
0xf1: {  	[sflag:s25] =	ssyncadd.s32 $0xFFFFFF80  }
0xf2: {  	_ =	swait.ge [sflag:s25], $0x80  }
0xf3: {  	[sflag:s25] =	ssyncset.done $0x0  }
0xf4: {  	[sflag:s25] =	ssyncadd.s32 $0xFFFFFF80  }
0xf5: {  	[tilespmem:s26], [sflag:$0x3] =	stream.indirect.gather [hbm4b:s4+s15], $0x1, s17, s15, $0xb8;
	[tilespmem:$0xB00] =	vst v63  }
0xf6: {  	_ =	swait.ge [sflag:s28], $0x80  }
0xf7: {  	[sflag:s28] =	ssyncset.done $0x0  }
0xf8: {  	[sflag:s28] =	ssyncadd.s32 $0xFFFFFF80  }
0xf9: {  	_ =	swait.ge [sflag:s28], $0x80  }
0xfa: {  	[sflag:s28] =	ssyncset.done $0x0  }
0xfb: {  	[sflag:s28] =	ssyncadd.s32 $0xFFFFFF80  }
0xfc: {  	[tilespmem:s29], [sflag:$0x4] =	stream.indirect.gather [hbm4b:s4+s15], $0x1, s19, s15, $0xb8;
	[tilespmem:$0xB00] =	vst v63  }
0xfd: {  	_ =	swait.ge [sflag:s21], $0x80  }
0xfe: {  	[sflag:s21] =	ssyncset.done $0x0  }
0xff: {  	[sflag:s21] =	ssyncadd.s32 $0xFFFFFF80  }
0x100: {  	[spmem:s1] =	stream.indirect.scatter.add.f32 [tilespmem:s22], [sflag:$0x1], $0x1, s14, s15, $0xb8;
	[tilespmem:$0xB00] =	vst v63  }
0x101: {  	_ =	swait.ge [sflag:s23], $0x80  }
0x102: {  	[sflag:s23] =	ssyncset.done $0x0  }
0x103: {  	[sflag:s23] =	ssyncadd.s32 $0xFFFFFF80  }
0x104: {  	[spmem:s1] =	stream.indirect.scatter.add.f32 [tilespmem:s24], [sflag:$0x2], $0x1, s16, s15, $0xb8;
	[tilespmem:$0xB00] =	vst v63  }
0x105: {  	_ =	swait.ge [sflag:s25], $0x80  }
0x106: {  	[sflag:s25] =	ssyncset.done $0x0  }
0x107: {  	[sflag:s25] =	ssyncadd.s32 $0xFFFFFF80  }
0x108: {  	[spmem:s1] =	stream.indirect.scatter.add.f32 [tilespmem:s26], [sflag:$0x3], $0x1, s18, s15, $0xb8;
	[tilespmem:$0xB00] =	vst v63  }
0x109: {  	_ =	swait.ge [sflag:s28], $0x80  }
0x10a: {  	[sflag:s28] =	ssyncset.done $0x0  }
0x10b: {  	[sflag:s28] =	ssyncadd.s32 $0xFFFFFF80  }
0x10c: {  	[spmem:s1] =	stream.indirect.scatter.add.f32 [tilespmem:s29], [sflag:$0x4], $0x1, s20, s15, $0xb8;
	[tilespmem:$0xB00] =	vst v63  }
0x10d: {  	_ =	swait.ge [sflag:s21], $0x80  }
0x10e: {  	[sflag:s21] =	ssyncset.done $0x0  }
0x10f: {  	[sflag:s21] =	ssyncadd.s32 $0xFFFFFF80  }
0x110: {  	_ =	swait.ge [sflag:s23], $0x80  }
0x111: {  	[sflag:s23] =	ssyncset.done $0x0  }
0x112: {  	[sflag:s23] =	ssyncadd.s32 $0xFFFFFF80  }
0x113: {  	_ =	swait.ge [sflag:s25], $0x80  }
0x114: {  	[sflag:s25] =	ssyncset.done $0x0  }
0x115: {  	[sflag:s25] =	ssyncadd.s32 $0xFFFFFF80  }
0x116: {  	_ =	swait.ge [sflag:s28], $0x80  }
0x117: {  	[sflag:s28] =	ssyncset.done $0x0  }
0x118: {  	s7 =	stileid.u32;
	[sflag:s28] =	ssyncadd.s32 $0xFFFFFF80  }
0x119: {  	s0 =	sshll.u32 s7, $0x6;
	[bflag:$0x0] =	sbarrier.arrive $0xFFFF  }
0x11a: {  	s12 =	sshrl.u32 s5, $0x3;
	s0 =	sor.u32 $0x1C05, s0;
	s6 =	rddreg [dreg:$0x8]  }
0x11b: {  	[hbm:s6], [sflag:s0] =	dma.local [spmem:s12], $0x50  }
0x11c: {  	_ =	swait.ge [sflag:s13], $0x50  }
0x11d: {  	s30 =	sadd.s32 $0x1, s30;
	s31 =	rddreg [dreg:$0x7]  }
0x11e: {  	p0 =	sne.s32 s30, s31  }
.Ltmp1:
0x11f: {  	_ = 	snop;
	(pc) =	sbr.rel @p0 .LBB2_1-.Ltmp1, $3  }
0x120: {  	_ =	sdelay $0x1  }
0x121: {  	[sflag:s13] =	ssyncset.done $0x0  }
0x122: {  	[sflag:s13] =	ssyncadd.s32 $0xFFFFFFB0  }
0x123: {  	_ =	sfence.sel $0x180000  }
0x124: {  	[bflag:$0x0] =	sbarrier.arrive $0xFFFF  }
0x125: {  	_ =	strace $0x9000004D  }
0x126: {  	s0 =	stileid.u32;
	[bflag:$0x2] =	sbarrier.arrive $0xFFFF  }
0x127: {  	p0 =	sne.s32 s0, $0x0;
	s0 =	rddreg [dreg:$0x2]  }
0x128: {  	s0 =	sadd.s32 @!p0 $0x100000, s0  }
0x129: {  	[sflag:s0] =	ssyncadd.tile.s32 @!p0 $0x1;
	_ =	shalt  }
.Lfunc_end2:
_tile_overlayer_lowered:
.L_overlay_start_2:
0x12a: {  	(tag) =	ssettag $0x2  }
0x12b: {  	s0 =	rddreg [dreg:$0x0];
	s2 =	stileid.u32  }
0x12c: {  	s1 =	rddreg [dreg:$0x1];
	p0 =	sne.s32 s2, $0x0  }
0x12d: {  	s3 =	rddreg [dreg:$0x2];
	[bflag:$0x3] =	sbarrier.arrive $0xFFFF;
	s2 =	simm.s32 @!p0 $0x1C05  }
0x12e: {  	[timem:s3], [sflag:s2] =	dma.local @!p0 [hbm:s0], s1  }
0x12f: {  	s0 =	simm.s32 @!p0 $0x5  }
0x130: {  	_ =	swait.ge @!p0 [sflag:s0], s1  }
0x131: {  	s1 =	ssub.s32 @!p0 $0x0, s1;
	[sflag:s0] =	ssyncset.done @!p0 $0x0  }
0x132: {  	[sflag:s0] =	ssyncadd.s32 @!p0 s1  }
0x133: {  	[bflag:$0x3] =	sbarrier.arrive $0xFFFF  }
0x134: {  	_ =	shalt  }

// kernel: kernel.8.cloned.1.call-start
scs
__scs_entry_jumppad:
0x0: {  	(pc) =	sbr.rel $0x88, $3  }
0x1: {  	(tag) =	ssettag $0x0;
	lr =	simm.s32 $0x1  }
0x2: {  	[smem:$0x3F9B] =	sst lr;
	_ =	strace $0xD0000000  }
0x3: {  	_ = 	snop  }
0x4: {  	_ = 	snop  }
0x5: {  	_ = 	snop  }
0x6: {  	_ = 	snop  }
0x7: {  	_ = 	snop  }
__scs_overlays_trampoline_lowered:
0x8: {  	[smem:$0x3FAA] =	sst s0  }
0x9: {  	[smem:$0x3FAB] =	sst s1  }
0xa: {  	[smem:$0x3FAC] =	sst s2  }
0xb: {  	[smem:$0x3FAD] =	sst s3  }
0xc: {  	[smem:$0x3FAE] =	sst s4  }
0xd: {  	[smem:$0x3FAF] =	sst s5  }
0xe: {  	[smem:$0x3FB0] =	sst s6  }
0xf: {  	[smem:$0x3FB1] =	sst s7  }
0x10: {  	[smem:$0x3FB2] =	sst s8  }
0x11: {  	[smem:$0x3FB3] =	sst s9;
	s0 =	simm.s32 @!p0 $0x0  }
0x12: {  	s1 =	sld [smem:$0x3F99];
	s0 =	simm.s32 @p0 $0x1  }
0x13: {  	[smem:$0x3FB4] =	sst s0;
	s0 =	simm.s32 @!p1 $0x0  }
0x14: {  	s2 =	sld [smem:$0x3F98];
	s0 =	simm.s32 @p1 $0x1  }
0x15: {  	[smem:$0x3FB5] =	sst s0;
	s0 =	simm.s32 @!p2 $0x0  }
0x16: {  	s3 =	sld [smem:$0x3FDB];
	s0 =	simm.s32 @p2 $0x1  }
0x17: {  	s4 =	simm.s32 $0x1BF5;
	[smem:$0x3FB7] =	sst s0  }
0x18: {  	s0 =	sld [smem:$0x3F9A];
	_ =	swait.ge [sflag:s4], $0x0  }
0x19: {  	s7 =	sld [smem:$0x3F9B]  }
0x1a: {  	s8 =	sadd.s32 $0xFFFFE003, lr  }
0x1b: {  	s9 =	sadd.s32 $0xFFFFFEF7, lr;
	s5 =	simm.s32 $0xFFFFFFFF;
	p2 =	slt.u32 s8, $0xFFFFF086  }
0x1c: {  	p1 =	slt.u32 s9, $0xF7A;
	s5 =	simm.s32 @!p2 $0x0  }
0x1d: {  	s5 =	simm.s32 @p1 $0x1;
	p0 =	seq.s32 s7, s2  }
0x1e: {  	s7 =	smul.u32 @!p0 $0xF7A, s2;
	p2 =	seq.s32 @!p0 s5, $0x0  }
0x1f: {  	s9 =	smul.u32 $0xF7A, s1;
	s8 =	simm.s32 @!p0 $0x1BF5;
	p2 =	por !p2, p0  }
0x20: {  	[sflag:s8] =	ssyncset.s32 @!p0 $0xFFFFF086;
	s6 =	sadd.s32 @!p0 s3, s7;
	s7 =	simm.s32 @!p0 $0x108  }
0x21: {  	s3 =	sadd.s32 s3, s9;
	s6 =	sadd.s32 @!p0 $0x88, s6;
	s7 =	simm.s32 @p2 $0x1082  }
0x22: {  	[simem:s7], [sflag:s8] =	dma.local @!p0 [hbm:s6], $0xF7A  }
0x23: {  	s9 =	sor.u32 $0xD0000000, s2;
	s6 =	simm.s32 $0x108;
	_ =	swait.ge @!p0 [sflag:s8], $0x0  }
0x24: {  	s3 =	sadd.s32 $0x88, s3;
	s6 =	simm.s32 @!p1 $0x1082;
	[sflag:s4] =	ssyncset.s32 $0xFFFFF086  }
0x25: {  	[simem:s6], [sflag:s4] =	dma.local [hbm:s3], $0xF7A  }
0x26: {  	[smem:$0x3F9B] =	sst s1;
	(tag) =	ssettag s2;
	_ =	strace s9  }
0x27: {  	s1 =	sld [smem:$0x3FAB]  }
0x28: {  	s2 =	sld [smem:$0x3FAC]  }
0x29: {  	s4 =	sld [smem:$0x3FAE]  }
0x2a: {  	p0 =	seq.s32 s5, $0x0;
	s5 =	sld [smem:$0x3FAF]  }
0x2b: {  	s6 =	sld [smem:$0x3FB0]  }
0x2c: {  	s7 =	sld [smem:$0x3FB1]  }
0x2d: {  	s3 =	simm.s32 $0x108;
	s8 =	sld [smem:$0x3FB2]  }
0x2e: {  	s3 =	simm.s32 @!p0 $0x1082;
	s9 =	sld [smem:$0x3FB3]  }
0x2f: {  	lr =	sadd.s32 s0, s3;
	s0 =	sld [smem:$0x3FAA]  }
0x30: {  	s3 =	sld [smem:$0x3FAD]  }
0x31: {  	[smem:$0x3FB6] =	sst s10  }
0x32: {  	s10 =	sld [smem:$0x3FB4];
	_ =	sdelay $0x3  }
0x33: {  	p0 =	seq.s32 s10, $0x1;
	s10 =	sld [smem:$0x3FB6];
	_ =	sdelay $0x3  }
0x34: {  	[smem:$0x3FB6] =	sst s10  }
0x35: {  	s10 =	sld [smem:$0x3FB5];
	_ =	sdelay $0x3  }
0x36: {  	p1 =	seq.s32 s10, $0x1;
	s10 =	sld [smem:$0x3FB6];
	_ =	sdelay $0x3  }
0x37: {  	[smem:$0x3FB6] =	sst s10  }
0x38: {  	s10 =	sld [smem:$0x3FB7]  }
0x39: {  	_ = 	snop;
	(pc) =	sbr.ind lr, $3  }
0x3a: {  	_ = 	snop  }
0x3b: {  	_ = 	snop  }
0x3c: {  	p2 =	seq.s32 s10, $0x1;
	s10 =	sld [smem:$0x3FB6]  }
0x3d: {  	_ =	shalt  }
0x3e: {  	_ =	shalt  }
0x3f: {  	_ =	shalt  }
0x40: {  	_ =	shalt  }
0x41: {  	_ =	shalt  }
0x42: {  	_ =	shalt  }
0x43: {  	_ =	shalt  }
0x44: {  	_ =	shalt  }
0x45: {  	_ =	shalt  }
0x46: {  	_ =	shalt  }
0x47: {  	_ =	shalt  }
0x48: {  	_ =	shalt  }
0x49: {  	_ =	shalt  }
0x4a: {  	_ =	shalt  }
0x4b: {  	_ =	shalt  }
0x4c: {  	_ =	shalt  }
0x4d: {  	_ =	shalt  }
0x4e: {  	_ =	shalt  }
0x4f: {  	_ =	shalt  }
0x50: {  	_ =	shalt  }
0x51: {  	_ =	shalt  }
0x52: {  	_ =	shalt  }
0x53: {  	_ =	shalt  }
0x54: {  	_ =	shalt  }
0x55: {  	_ =	shalt  }
0x56: {  	_ =	shalt  }
0x57: {  	_ =	shalt  }
0x58: {  	_ =	shalt  }
0x59: {  	_ =	shalt  }
0x5a: {  	_ =	shalt  }
0x5b: {  	_ =	shalt  }
0x5c: {  	_ =	shalt  }
0x5d: {  	_ =	shalt  }
0x5e: {  	_ =	shalt  }
0x5f: {  	_ =	shalt  }
0x60: {  	_ =	shalt  }
0x61: {  	_ =	shalt  }
0x62: {  	_ =	shalt  }
0x63: {  	_ =	shalt  }
0x64: {  	_ =	shalt  }
0x65: {  	_ =	shalt  }
0x66: {  	_ =	shalt  }
0x67: {  	_ =	shalt  }
0x68: {  	_ =	shalt  }
0x69: {  	_ =	shalt  }
0x6a: {  	_ =	shalt  }
0x6b: {  	_ =	shalt  }
0x6c: {  	_ =	shalt  }
0x6d: {  	_ =	shalt  }
0x6e: {  	_ =	shalt  }
0x6f: {  	_ =	shalt  }
0x70: {  	_ =	shalt  }
0x71: {  	_ =	shalt  }
0x72: {  	_ =	shalt  }
0x73: {  	_ =	shalt  }
0x74: {  	_ =	shalt  }
0x75: {  	_ =	shalt  }
0x76: {  	_ =	shalt  }
0x77: {  	_ =	shalt  }
0x78: {  	_ =	shalt  }
0x79: {  	_ =	shalt  }
0x7a: {  	_ =	shalt  }
0x7b: {  	_ =	shalt  }
0x7c: {  	_ =	shalt  }
0x7d: {  	_ =	shalt  }
0x7e: {  	_ =	shalt  }
0x7f: {  	_ =	shalt  }
0x80: {  	_ =	shalt  }
0x81: {  	_ =	shalt  }
0x82: {  	_ =	shalt  }
0x83: {  	_ =	shalt  }
0x84: {  	_ =	shalt  }
0x85: {  	_ =	shalt  }
0x86: {  	_ =	shalt  }
0x87: {  	_ =	shalt  }
.Lfunc_end0:
.L_simem_size_0:
called_computation_lowered:
.L_overlay_start_0:
0x88: {  	s2 =	sld [smem:$0x3FD9]  }
0x89: {  	s3 =	sld [smem:$0x3FFE];
	_ =	sdelay $0x1  }
0x8a: {  	s1 =	srdreg.scid  }
0x8b: {  	s0 =	sand.u32 $0x1, s1  }
0x8c: {  	s16 =	sshll.u32 s0, $0xA;
	s2 =	sadd.s32 s3, s2  }
0x8d: {  	s2 =	sadd.s32 s2, s16  }
0x8e: {  	[smem:$0x3FC2] =	sst s2  }
0x8f: {  	_ = 	snop  }
0x90: {  	(tm) =	ssettm $0x1  }
0x91: {  	s17 =	sld [smem:$0x3FFB];
	_ =	sdelay $0x3  }
0x92: {  	_ =	strace s17  }
0x93: {  	s2 =	sld [smem:$0x3FFC];
	_ =	sdelay $0x3  }
0x94: {  	_ =	strace s2  }
0x95: {  	s2 =	sld [smem:$0x3FFD];
	_ =	sdelay $0x3  }
0x96: {  	_ =	strace s2  }
0x97: {  	_ =	strace $0x8FFFFFFF  }
0x98: {  	s18 =	sld [smem:$0x3FDB];
	_ =	sdelay $0x1  }
0x99: {  	s19 =	simm.s32 $_scs_section_size  }
0x9a: {  	s4 =	simm.s32 $_size__tile_overlayer_lowered;
	s5 =	simm.s32 $_tile_overlayer_lowered  }
0x9b: {  	s22 =	simm.s32 $0x1BFF;
	s21 =	sshll.u32 s5, $0x1;
	s2 =	sadd.s32 s19, s18  }
0x9c: {  	s6 =	simm.s32 $0x0;
	s20 =	sshll.u32 s4, $0x1;
	s4 =	sadd.s32 s21, s2  }
0x9d: {  	[timem:s6], [sflag:s22] =	dma.local [hbm:s4], s20  }
0x9e: {  	_ =	swait.ge [sflag:s22], s20  }
0x9f: {  	s3 =	ssub.s32 $0x0, s20;
	[sflag:s22] =	ssyncset.done $0x0  }
0xa0: {  	[sflag:s22] =	ssyncadd.s32 s3;
	_ =	sdelay $0x1  }
0xa1: {  	s23 =	simm.s32 $0x1B8B  }
0xa2: {  	_ =	swait.ge [sflag:s23], $0x1  }
0xa3: {  	[sflag:s23] =	ssyncset.done $0x0  }
0xa4: {  	s25 =	simm.s32 $0x1B8E;
	s24 =	sld [smem:$0x3FFE];
	[sflag:s23] =	ssyncadd.s32 $0xFFFFFFFF  }
0xa5: {  	s26 =	simm.s32 $execute0_lowered;
	[smem:$0x3FD2] =	sst s25  }
0xa6: {  	s4 =	sshll.u32 s26, $0x1;
	_ =	strace $0x80000046;
	[dreg:$0x1] =	wrdreg $0xFFFFFFFF  }
0xa7: {  	s28 =	simm.s32 $_size_execute0_lowered;
	s2 =	sadd.s32 s2, s4;
	[dreg:$0x0] =	wrdreg $0x0  }
0xa8: {  	s4 =	sshll.u32 s28, $0x1;
	[dreg:$0x2] =	wrdreg s2  }
0xa9: {  	[dreg:$0x3] =	wrdreg s4  }
0xaa: {  	[dreg:$0x4] =	wrdreg $0xC0  }
0xab: {  	_ =	task [dreg:s6], $0x5FFFF  }
0xac: {  	[dreg:$0x1] =	wrdreg $0xFFFFFFFF  }
0xad: {  	[dreg:$0x0] =	wrdreg $0x60  }
0xae: {  	[dreg:$0x2] =	wrdreg s24  }
0xaf: {  	[dreg:$0x3] =	wrdreg $0x5000  }
0xb0: {  	[dreg:$0x4] =	wrdreg $0x9  }
0xb1: {  	_ =	task.clear_ibuf [dreg:s6], $0x5FFFF;
	_ =	strace $0x90000046  }
0xb2: {  	s29 =	simm.s32 $0x9;
	_ =	strace $0x80000048  }
0xb3: {  	_ =	swait.ge [sflag:s29], $0x1  }
0xb4: {  	[sflag:s29] =	ssyncadd.s32 $0xFFFFFFFF  }
0xb5: {  	_ =	strace $0x90000048  }
0xb6: {  	_ =	sfence  }
0xb7: {  	s30 =	sld [smem:$0x0];
	_ =	sdelay $0x2  }
0xb8: {  	s31 =	sshll.u32 s1, $0xD;
	s1 =	sshrl.u32 s1, $0x2  }
0xb9: {  	s3 =	sand.u32 $0x4000, s31;
	s1 =	sadd.s32 s1, s30  }
0xba: {  	s0 =	sor.u32 s3, s0;
	s1 =	sshll.u32 s1, $0x11  }
0xbb: {  	s0 =	sor.u32 s1, s0  }
0xbc: {  	s0 =	sadd.s32 $0x8F2B, s0  }
0xbd: {  	[sflag:s0] =	ssyncadd.remote.s32 $0x1  }
0xbe: {  	_ =	sfence.sel $0xFFFF  }
0xbf: {  	[dreg:$0x0] =	wrdreg $0xFFFFFFFF;
	(pc) =	sbr.abs _section_cstart, $3  }
0xc0: {  	[dreg:$0x1] =	wrdreg $0xFFFFFFFF  }
0xc1: {  	_ =	task.clear_ibuf [dreg:s6], $0x2FFFF;
	_ =	strace $0x9FFFFFFF  }
0xc2: {  	(tm) =	ssettm $0x7FFFFFFF  }
0xc3: {  	_ =	shalt  }
tec
execute0_lowered:
.L_overlay_start_1:
0x0: {  	(tag) =	ssettag $0x1  }
0x1: {  	s5 =	rddreg [dreg:$0x0]  }
0x2: {  	s1 =	rddreg [dreg:$0x1]  }
0x3: {  	s0 =	rddreg [dreg:$0x2];
	s3 =	simm.s32 $0x0;
	s4 =	srdreg.scid  }
0x4: {  	s2 =	stileid.u32;
	s11 =	simm.s32 $0xB400;
	s13 =	simm.s32 $0x80  }
0x5: {  	s14 =	simm.s32 $0x100;
	s15 =	simm.s32 $0x180;
	s16 =	simm.s32 $0x1  }
0x6: {  	s17 =	simm.s32 $0x200;
	s18 =	simm.s32 $0x2;
	s19 =	simm.s32 $0x3  }
0x7: {  	s20 =	simm.s32 $0x4;
	s23 =	simm.s32 $0x0;
	[smem:$0x7FF] =	sst s3  }
0x8: {  	s4 =	sand.u32 $0x1, s4;
	s7 =	smul.u32 $0x280, s2;
	s10 =	sadd.s32 $0x1400, s5  }
0x9: {  	s12 =	smul.u32 $0x2800, s2;
	s21 =	sshll.u32 s2, $0x6;
	_ =	strace $0x80000047  }
0xa: {  	s6 =	ssub.s32 $0x2, s4;
	s9 =	smul.u32 $0x28000, s4;
	p0 =	seq.s32 s4, $0x1  }
0xb: {  	s21 =	sor.u32 $0x1C05, s21;
	s8 =	sshrl.u32 s6, $0x1;
	s4 =	sadd.s32 s7, s1  }
0xc: {  	s11 =	simm.s32 @!p0 $0xBA00;
	s7 =	sshrl.u32 s7, $0x3;
	s6 =	ssub.s32 s6, s8  }
0xd: {  	s28 =	sadd.s32 s11, s5;
	s29 =	sadd.s32 s12, s9;
	s12 =	simm.s32 $0x5  }
0xe: {  	s22 =	sshrl.u32 s4, $0x3;
	s5 =	smax.u32 s6, $0x1;
	s6 =	sadd.s32 s28, s7  }
0xf: {  	s30 =	sor.u32 $0x180, s29;
	s31 =	sor.u32 $0x100, s29;
	s9 =	sor.u32 $0x80, s29  }
0x10: {  	s11 =	sshrl.u32 s29, $0x3;
	s7 =	sshrl.u32 s30, $0x3;
	s8 =	sshrl.u32 s31, $0x3  }
0x11: {  	s9 =	sshrl.u32 s9, $0x3;
	s7 =	sadd.s32 s7, s10;
	s8 =	sadd.s32 s8, s10  }
0x12: {  	v0 =	vimm.f32 $1.000000000e+00;
	v1 =	vimm.f32 $0.0e+00;
	s9 =	sadd.s32 s9, s10;
	s10 =	sadd.s32 s11, s10;
	s11 =	simm.s32 $0x280  }
.LBB2_1:
0x13: {  	[tilespmem:$0x200] =	vst v0  }
0x14: {  	[tilespmem:$0x210] =	vst v0  }
0x15: {  	[tilespmem:$0x220] =	vst v0  }
0x16: {  	[tilespmem:$0x230] =	vst v0  }
0x17: {  	[tilespmem:$0x240] =	vst v0  }
0x18: {  	[tilespmem:$0x250] =	vst v0  }
0x19: {  	[tilespmem:$0x260] =	vst v0  }
0x1a: {  	[tilespmem:$0x270] =	vst v0  }
0x1b: {  	[tilespmem:$0x280] =	vst v1  }
0x1c: {  	[tilespmem:$0x290] =	vst v1  }
0x1d: {  	[tilespmem:$0x2A0] =	vst v1  }
0x1e: {  	[tilespmem:$0x2B0] =	vst v1  }
0x1f: {  	[tilespmem:$0x2C0] =	vst v1  }
0x20: {  	[tilespmem:$0x2D0] =	vst v1  }
0x21: {  	[tilespmem:$0x2E0] =	vst v1  }
0x22: {  	[tilespmem:$0x2F0] =	vst v1  }
0x23: {  	[tilespmem:$0x300] =	vst v1  }
0x24: {  	[tilespmem:$0x310] =	vst v1  }
0x25: {  	[tilespmem:$0x320] =	vst v1  }
0x26: {  	[tilespmem:$0x330] =	vst v1  }
0x27: {  	[tilespmem:$0x340] =	vst v1  }
0x28: {  	[tilespmem:$0x350] =	vst v1  }
0x29: {  	[tilespmem:$0x360] =	vst v1  }
0x2a: {  	[tilespmem:$0x370] =	vst v1  }
0x2b: {  	[tilespmem:$0x380] =	vst v1  }
0x2c: {  	[tilespmem:$0x390] =	vst v1  }
0x2d: {  	[tilespmem:$0x3A0] =	vst v1  }
0x2e: {  	[tilespmem:$0x3B0] =	vst v1  }
0x2f: {  	[tilespmem:$0x3C0] =	vst v1  }
0x30: {  	[tilespmem:$0x3D0] =	vst v1  }
0x31: {  	[tilespmem:$0x3E0] =	vst v1  }
0x32: {  	[tilespmem:$0x3F0] =	vst v1  }
0x33: {  	[tilespmem:$0x400] =	vst v1  }
0x34: {  	[tilespmem:$0x410] =	vst v1  }
0x35: {  	[tilespmem:$0x420] =	vst v1  }
0x36: {  	[tilespmem:$0x430] =	vst v1  }
0x37: {  	[tilespmem:$0x440] =	vst v1  }
0x38: {  	[tilespmem:$0x450] =	vst v1  }
0x39: {  	[tilespmem:$0x460] =	vst v1  }
0x3a: {  	[tilespmem:$0x470] =	vst v1  }
0x3b: {  	[tilespmem:$0x480] =	vst v1  }
0x3c: {  	[tilespmem:$0x490] =	vst v1  }
0x3d: {  	[tilespmem:$0x4A0] =	vst v1  }
0x3e: {  	[tilespmem:$0x4B0] =	vst v1  }
0x3f: {  	[tilespmem:$0x4C0] =	vst v1  }
0x40: {  	[tilespmem:$0x4D0] =	vst v1  }
0x41: {  	[tilespmem:$0x4E0] =	vst v1  }
0x42: {  	[tilespmem:$0x4F0] =	vst v1  }
0x43: {  	[spmem:s4] =	stream.linear.scatter [tilespmem:s11], [sflag:$0x5], $0x280, $0x38;
	[tilespmem:$0x780] =	vst v63  }
0x44: {  	_ =	swait.ge [sflag:s12], $0x280  }
0x45: {  	[sflag:s12] =	ssyncset.done $0x0  }
0x46: {  	[sflag:s12] =	ssyncadd.s32 $0xFFFFFD80  }
0x47: {  	s24 =	sadd.s32 $0x0, s10;
	[bflag:$0x0] =	sbarrier.arrive $0xFFFF  }
0x48: {  	[tilespmem:s3], [sflag:$0x1] =	stream.linear.gather [hbm4b:s24+s3], $0x80, $0x38;
	[tilespmem:$0x780] =	vst v63  }
0x49: {  	s29 =	sadd.s32 $0x0, s9  }
0x4a: {  	[tilespmem:s13], [sflag:$0x2] =	stream.linear.gather [hbm4b:s29+s3], $0x80, $0x38;
	[tilespmem:$0x780] =	vst v63  }
0x4b: {  	s30 =	sadd.s32 $0x0, s8  }
0x4c: {  	[tilespmem:s14], [sflag:$0x3] =	stream.linear.gather [hbm4b:s30+s3], $0x80, $0x38;
	[tilespmem:$0x780] =	vst v63  }
0x4d: {  	s31 =	sadd.s32 $0x0, s7  }
0x4e: {  	[tilespmem:s15], [sflag:$0x4] =	stream.linear.gather [hbm4b:s31+s3], $0x80, $0x38;
	[tilespmem:$0x780] =	vst v63  }
0x4f: {  	_ =	swait.ge [sflag:s16], $0x80  }
0x50: {  	[sflag:s16] =	ssyncset.done $0x0  }
0x51: {  	[sflag:s16] =	ssyncadd.s32 $0xFFFFFF80  }
0x52: {  	[spmem:s1] =	stream.indirect.scatter.add.f32 [tilespmem:s17], [sflag:$0x1], $0x1, s3, s13, $0xb8;
	[tilespmem:$0x780] =	vst v63  }
0x53: {  	_ =	swait.ge [sflag:s18], $0x80  }
0x54: {  	[sflag:s18] =	ssyncset.done $0x0  }
0x55: {  	[sflag:s18] =	ssyncadd.s32 $0xFFFFFF80  }
0x56: {  	[spmem:s1] =	stream.indirect.scatter.add.f32 [tilespmem:s17], [sflag:$0x2], $0x1, s13, s13, $0xb8;
	[tilespmem:$0x780] =	vst v63  }
0x57: {  	_ =	swait.ge [sflag:s19], $0x80  }
0x58: {  	[sflag:s19] =	ssyncset.done $0x0  }
0x59: {  	[sflag:s19] =	ssyncadd.s32 $0xFFFFFF80  }
0x5a: {  	[spmem:s1] =	stream.indirect.scatter.add.f32 [tilespmem:s17], [sflag:$0x3], $0x1, s14, s13, $0xb8;
	[tilespmem:$0x780] =	vst v63  }
0x5b: {  	_ =	swait.ge [sflag:s20], $0x80  }
0x5c: {  	[sflag:s20] =	ssyncset.done $0x0  }
0x5d: {  	[sflag:s20] =	ssyncadd.s32 $0xFFFFFF80  }
0x5e: {  	[spmem:s1] =	stream.indirect.scatter.add.f32 [tilespmem:s17], [sflag:$0x4], $0x1, s15, s13, $0xb8;
	[tilespmem:$0x780] =	vst v63  }
0x5f: {  	_ =	swait.ge [sflag:s16], $0x80  }
0x60: {  	[sflag:s16] =	ssyncset.done $0x0  }
0x61: {  	[sflag:s16] =	ssyncadd.s32 $0xFFFFFF80  }
0x62: {  	_ =	swait.ge [sflag:s18], $0x80  }
0x63: {  	[sflag:s18] =	ssyncset.done $0x0  }
0x64: {  	[sflag:s18] =	ssyncadd.s32 $0xFFFFFF80  }
0x65: {  	_ =	swait.ge [sflag:s19], $0x80  }
0x66: {  	[sflag:s19] =	ssyncset.done $0x0  }
0x67: {  	[sflag:s19] =	ssyncadd.s32 $0xFFFFFF80  }
0x68: {  	_ =	swait.ge [sflag:s20], $0x80  }
0x69: {  	s26 =	simm.s32 $0x80;
	s24 =	simm.s32 $0x40;
	[sflag:s20] =	ssyncset.done $0x0  }
.LBB2_2:
0x6a: {  	s28 =	sadd.s32 s24, s10  }
0x6b: {  	[sflag:s20] =	ssyncadd.s32 $0xFFFFFF80;
	s29 =	smov.u32 s26;
	s25 =	sadd.s32 $0x40, s26  }
0x6c: {  	[tilespmem:s3], [sflag:$0x1] =	stream.linear.gather [hbm4b:s28+s3], $0x80, $0x38;
	[tilespmem:$0x780] =	vst v63  }
0x6d: {  	p0 =	sne.s32 s26, $0x4C0;
	s26 =	sadd.s32 s24, s9  }
0x6e: {  	[tilespmem:s13], [sflag:$0x2] =	stream.linear.gather [hbm4b:s26+s3], $0x80, $0x38;
	[tilespmem:$0x780] =	vst v63  }
0x6f: {  	s26 =	sadd.s32 s24, s8  }
0x70: {  	[tilespmem:s14], [sflag:$0x3] =	stream.linear.gather [hbm4b:s26+s3], $0x80, $0x38;
	[tilespmem:$0x780] =	vst v63  }
0x71: {  	s26 =	sadd.s32 s24, s7;
	s24 =	smov.u32 s29  }
0x72: {  	[tilespmem:s15], [sflag:$0x4] =	stream.linear.gather [hbm4b:s26+s3], $0x80, $0x38;
	[tilespmem:$0x780] =	vst v63  }
0x73: {  	_ =	swait.ge [sflag:s16], $0x80  }
0x74: {  	[sflag:s16] =	ssyncset.done $0x0  }
0x75: {  	[sflag:s16] =	ssyncadd.s32 $0xFFFFFF80  }
0x76: {  	[spmem:s1] =	stream.indirect.scatter.add.f32 [tilespmem:s17], [sflag:$0x1], $0x1, s3, s13, $0xb8;
	[tilespmem:$0x780] =	vst v63  }
0x77: {  	_ =	swait.ge [sflag:s18], $0x80  }
0x78: {  	[sflag:s18] =	ssyncset.done $0x0  }
0x79: {  	[sflag:s18] =	ssyncadd.s32 $0xFFFFFF80  }
0x7a: {  	[spmem:s1] =	stream.indirect.scatter.add.f32 [tilespmem:s17], [sflag:$0x2], $0x1, s13, s13, $0xb8;
	[tilespmem:$0x780] =	vst v63  }
0x7b: {  	_ =	swait.ge [sflag:s19], $0x80  }
0x7c: {  	[sflag:s19] =	ssyncset.done $0x0  }
0x7d: {  	[sflag:s19] =	ssyncadd.s32 $0xFFFFFF80  }
0x7e: {  	[spmem:s1] =	stream.indirect.scatter.add.f32 [tilespmem:s17], [sflag:$0x3], $0x1, s14, s13, $0xb8;
	[tilespmem:$0x780] =	vst v63  }
0x7f: {  	_ =	swait.ge [sflag:s20], $0x80  }
0x80: {  	[sflag:s20] =	ssyncset.done $0x0  }
0x81: {  	[sflag:s20] =	ssyncadd.s32 $0xFFFFFF80  }
0x82: {  	[spmem:s1] =	stream.indirect.scatter.add.f32 [tilespmem:s17], [sflag:$0x4], $0x1, s15, s13, $0xb8;
	[tilespmem:$0x780] =	vst v63  }
0x83: {  	_ =	swait.ge [sflag:s16], $0x80  }
0x84: {  	[sflag:s16] =	ssyncset.done $0x0  }
0x85: {  	[sflag:s16] =	ssyncadd.s32 $0xFFFFFF80  }
0x86: {  	_ =	swait.ge [sflag:s18], $0x80  }
0x87: {  	[sflag:s18] =	ssyncset.done $0x0  }
0x88: {  	[sflag:s18] =	ssyncadd.s32 $0xFFFFFF80  }
.Ltmp0:
0x89: {  	_ =	swait.ge [sflag:s19], $0x80;
	(pc) =	sbr.rel @p0 .LBB2_2-.Ltmp0, $4  }
0x8a: {  	[sflag:s19] =	ssyncset.done $0x0  }
0x8b: {  	[sflag:s19] =	ssyncadd.s32 $0xFFFFFF80  }
0x8c: {  	_ =	swait.ge [sflag:s20], $0x80  }
0x8d: {  	s26 =	smov.u32 s25;
	[sflag:s20] =	ssyncset.done $0x0  }
0x8e: {  	s25 =	sadd.s32 s24, s10;
	[sflag:s20] =	ssyncadd.s32 $0xFFFFFF80  }
0x8f: {  	[tilespmem:s3], [sflag:$0x1] =	stream.linear.gather [hbm4b:s25+s3], $0x80, $0x38;
	[tilespmem:$0x780] =	vst v63  }
0x90: {  	s29 =	sadd.s32 s24, s9  }
0x91: {  	[tilespmem:s13], [sflag:$0x2] =	stream.linear.gather [hbm4b:s29+s3], $0x80, $0x38;
	[tilespmem:$0x780] =	vst v63  }
0x92: {  	s30 =	sadd.s32 s24, s8  }
0x93: {  	[tilespmem:s14], [sflag:$0x3] =	stream.linear.gather [hbm4b:s30+s3], $0x80, $0x38;
	[tilespmem:$0x780] =	vst v63  }
0x94: {  	s31 =	sadd.s32 s24, s7  }
0x95: {  	[tilespmem:s15], [sflag:$0x4] =	stream.linear.gather [hbm4b:s31+s3], $0x80, $0x38;
	[tilespmem:$0x780] =	vst v63  }
0x96: {  	_ =	swait.ge [sflag:s16], $0x80  }
0x97: {  	[sflag:s16] =	ssyncset.done $0x0  }
0x98: {  	[sflag:s16] =	ssyncadd.s32 $0xFFFFFF80  }
0x99: {  	[spmem:s1] =	stream.indirect.scatter.add.f32 [tilespmem:s17], [sflag:$0x1], $0x1, s3, s13, $0xb8;
	[tilespmem:$0x780] =	vst v63  }
0x9a: {  	_ =	swait.ge [sflag:s18], $0x80  }
0x9b: {  	[sflag:s18] =	ssyncset.done $0x0  }
0x9c: {  	[sflag:s18] =	ssyncadd.s32 $0xFFFFFF80  }
0x9d: {  	[spmem:s1] =	stream.indirect.scatter.add.f32 [tilespmem:s17], [sflag:$0x2], $0x1, s13, s13, $0xb8;
	[tilespmem:$0x780] =	vst v63  }
0x9e: {  	_ =	swait.ge [sflag:s19], $0x80  }
0x9f: {  	[sflag:s19] =	ssyncset.done $0x0  }
0xa0: {  	[sflag:s19] =	ssyncadd.s32 $0xFFFFFF80  }
0xa1: {  	[spmem:s1] =	stream.indirect.scatter.add.f32 [tilespmem:s17], [sflag:$0x3], $0x1, s14, s13, $0xb8;
	[tilespmem:$0x780] =	vst v63  }
0xa2: {  	_ =	swait.ge [sflag:s20], $0x80  }
0xa3: {  	[sflag:s20] =	ssyncset.done $0x0  }
0xa4: {  	[sflag:s20] =	ssyncadd.s32 $0xFFFFFF80  }
0xa5: {  	[spmem:s1] =	stream.indirect.scatter.add.f32 [tilespmem:s17], [sflag:$0x4], $0x1, s15, s13, $0xb8;
	[tilespmem:$0x780] =	vst v63  }
0xa6: {  	_ =	swait.ge [sflag:s16], $0x80  }
0xa7: {  	[sflag:s16] =	ssyncset.done $0x0  }
0xa8: {  	[sflag:s16] =	ssyncadd.s32 $0xFFFFFF80  }
0xa9: {  	_ =	swait.ge [sflag:s18], $0x80  }
0xaa: {  	[sflag:s18] =	ssyncset.done $0x0  }
0xab: {  	[sflag:s18] =	ssyncadd.s32 $0xFFFFFF80  }
0xac: {  	_ =	swait.ge [sflag:s19], $0x80  }
0xad: {  	[sflag:s19] =	ssyncset.done $0x0  }
0xae: {  	[sflag:s19] =	ssyncadd.s32 $0xFFFFFF80  }
0xaf: {  	_ =	swait.ge [sflag:s20], $0x80  }
0xb0: {  	s23 =	sadd.s32 $0x1, s23;
	[sflag:s20] =	ssyncset.done $0x0  }
0xb1: {  	p0 =	sne.s32 s23, s5;
	[sflag:s20] =	ssyncadd.s32 $0xFFFFFF80  }
.Ltmp1:
0xb2: {  	[bflag:$0x0] =	sbarrier.arrive $0xFFFF;
	(pc) =	sbr.rel @p0 .LBB2_1-.Ltmp1, $4  }
0xb3: {  	[hbm:s6], [sflag:s21] =	dma.local [spmem:s22], $0x50  }
0xb4: {  	_ =	swait.ge [sflag:s12], $0x50  }
0xb5: {  	[sflag:s12] =	ssyncset.done $0x0  }
0xb6: {  	[sflag:s12] =	ssyncadd.s32 $0xFFFFFFB0  }
0xb7: {  	_ =	sfence.sel $0x180000  }
0xb8: {  	[bflag:$0x0] =	sbarrier.arrive $0xFFFF  }
0xb9: {  	p0 =	sne.s32 s2, $0x0;
	_ =	strace $0x90000047  }
0xba: {  	s0 =	sadd.s32 @!p0 $0x100000, s0;
	[bflag:$0x2] =	sbarrier.arrive $0xFFFF  }
0xbb: {  	[sflag:s0] =	ssyncadd.tile.s32 @!p0 $0x1;
	_ =	shalt  }
.Lfunc_end2:
_tile_overlayer_lowered:
.L_overlay_start_2:
0xbc: {  	(tag) =	ssettag $0x2  }
0xbd: {  	s0 =	rddreg [dreg:$0x0];
	s2 =	stileid.u32  }
0xbe: {  	s1 =	rddreg [dreg:$0x1];
	p0 =	sne.s32 s2, $0x0  }
0xbf: {  	s3 =	rddreg [dreg:$0x2];
	[bflag:$0x3] =	sbarrier.arrive $0xFFFF;
	s2 =	simm.s32 @!p0 $0x1C05  }
0xc0: {  	[timem:s3], [sflag:s2] =	dma.local @!p0 [hbm:s0], s1  }
0xc1: {  	s0 =	simm.s32 @!p0 $0x5  }
0xc2: {  	_ =	swait.ge @!p0 [sflag:s0], s1  }
0xc3: {  	s1 =	ssub.s32 @!p0 $0x0, s1;
	[sflag:s0] =	ssyncset.done @!p0 $0x0  }
0xc4: {  	[sflag:s0] =	ssyncadd.s32 @!p0 s1  }
0xc5: {  	[bflag:$0x3] =	sbarrier.arrive $0xFFFF  }
0xc6: {  	_ =	shalt  }

</sc_bundles>
